<compile_context>
chip_gen: v7x
topology: tpu7x:2x2x1
jax: 0.10.2.dev20260603
libtpu: 0.0.44.dev20260713+nightly
codegen_flags: <defaults>
</compile_context>

<pallas_src>
import functools

import jax
import jax.numpy as jnp
from jax import lax
from jax.experimental import pallas as pl
from jax.experimental.pallas import tpu as pltpu, tpu_sc as plsc

N = 10000
E = 320000
D = 128
NW = 32
ET = E // NW
CK = 80
NCH = ET // CK
_NSEG = 5
CPS = NCH // _NSEG

NDEG = 10240
_DSLAB = NDEG // 16
NACC = 10240
_ASLAB = NACC // 16

_mesh = plsc.VectorSubcoreMesh(core_axis_name="c", subcore_axis_name="s")


@functools.partial(
    pl.kernel,
    mesh=_mesh,
    out_type=jax.ShapeDtypeStruct((2, NDEG), jnp.float32),
    scratch_types=[
        pltpu.VMEM((CPS, CK), jnp.int32),
        pltpu.VMEM((_DSLAB,), jnp.float32),
        pltpu.VMEM((CK,), jnp.float32),
        pltpu.VMEM_SHARED((NDEG,), jnp.float32),
        pltpu.SemaphoreType.DMA,
    ],
)
def _deg_kernel(ei_hbm, deg_hbm, ridx_v, slab_v, ones_v, deg_sp, sem):
    cid = lax.axis_index("c")
    sid = lax.axis_index("s")
    wid = sid * 2 + cid

    zeros16 = jnp.zeros((16,), jnp.float32)
    ones16 = jnp.ones((16,), jnp.float32)

    def zero_body(i, carry):
        slab_v[pl.ds(i * 16, 16)] = zeros16
        return carry

    lax.fori_loop(0, _DSLAB // 16, zero_body, 0)
    for j in range(CK // 16):
        ones_v[pl.ds(j * 16, 16)] = ones16

    pltpu.sync_copy(slab_v, deg_sp.at[pl.ds(sid * _DSLAB, _DSLAB)])
    plsc.subcore_barrier()

    def seg_body(seg, carry):
        pltpu.sync_copy(ei_hbm.at[0, wid, seg], ridx_v)

        def chunk_body(ch, carry2):
            pltpu.async_copy(ones_v, deg_sp.at[ridx_v.at[ch]], sem, add=True)
            return carry2

        lax.fori_loop(0, CPS, chunk_body, 0)

        def drain_body(ch, carry2):
            pltpu.make_async_copy(deg_hbm.at[cid, pl.ds(0, CK)], ones_v,
                                  sem).wait()
            return carry2

        lax.fori_loop(0, CPS, drain_body, 0)
        return carry

    lax.fori_loop(0, _NSEG, seg_body, 0)
    plsc.subcore_barrier()

    pltpu.sync_copy(deg_sp.at[pl.ds(sid * _DSLAB, _DSLAB)], slab_v)
    pltpu.sync_copy(slab_v, deg_hbm.at[cid, pl.ds(sid * _DSLAB, _DSLAB)])


@functools.partial(
    pl.kernel,
    mesh=_mesh,
    out_type=jax.ShapeDtypeStruct((2, NACC, D), jnp.float32),
    scratch_types=[
        pltpu.VMEM((CPS, CK), jnp.int32),
        pltpu.VMEM((CPS, CK), jnp.int32),
        pltpu.VMEM((CK, D), jnp.float32),
        pltpu.VMEM((CK, D), jnp.float32),
        pltpu.VMEM((CK, D), jnp.float32),
        pltpu.VMEM((CK, D), jnp.float32),
        pltpu.VMEM_SHARED((NACC, D), jnp.float32),
        pltpu.SemaphoreType.DMA,
        pltpu.SemaphoreType.DMA,
        pltpu.SemaphoreType.DMA,
        pltpu.SemaphoreType.DMA,
    ],
)
def _scatter_kernel(g_hbm, ei_hbm, acc_hbm, ridx_v, cidx_v, buf0,
                    buf1, buf2, buf3, acc_sp, semg0, semg1, semg2, semg3):
    cid = lax.axis_index("c")
    sid = lax.axis_index("s")
    wid = sid * 2 + cid

    zeros16 = jnp.zeros((16,), jnp.float32)

    def zero_body(r, carry):
        for j in range(D // 16):
            buf0[r, pl.ds(j * 16, 16)] = zeros16
        return carry

    lax.fori_loop(0, CK, zero_body, 0)

    base = sid * _ASLAB
    for k in range(_ASLAB // CK):
        pltpu.sync_copy(buf0, acc_sp.at[pl.ds(base + k * CK, CK)])
    plsc.subcore_barrier()

    def gather(ch, buf, sem):
        pltpu.async_copy(g_hbm.at[ridx_v.at[ch]], buf, sem)

    def gwait(buf, sem):
        pltpu.make_async_copy(g_hbm.at[pl.ds(0, CK)], buf, sem).wait()

    def scat(ch, buf):
        pltpu.sync_copy(buf, acc_sp.at[cidx_v.at[ch]], add=True)

    def seg_body(seg, carry):
        pltpu.sync_copy(ei_hbm.at[0, wid, seg], ridx_v)
        pltpu.sync_copy(ei_hbm.at[1, wid, seg], cidx_v)
        gather(0, buf0, semg0)
        gather(1, buf1, semg1)
        gather(2, buf2, semg2)
        gather(3, buf3, semg3)

        def chunk_body(j, carry2):
            ch = 4 * j
            gwait(buf0, semg0)
            scat(ch, buf0)
            gather(ch + 4, buf0, semg0)
            gwait(buf1, semg1)
            scat(ch + 1, buf1)
            gather(ch + 5, buf1, semg1)
            gwait(buf2, semg2)
            scat(ch + 2, buf2)
            gather(ch + 6, buf2, semg2)
            gwait(buf3, semg3)
            scat(ch + 3, buf3)
            gather(ch + 7, buf3, semg3)
            return carry2

        lax.fori_loop(0, (CPS - 5) // 4, chunk_body, 0)
        gwait(buf0, semg0)
        scat(CPS - 5, buf0)
        gather(CPS - 1, buf0, semg0)
        gwait(buf1, semg1)
        scat(CPS - 4, buf1)
        gwait(buf2, semg2)
        scat(CPS - 3, buf2)
        gwait(buf3, semg3)
        scat(CPS - 2, buf3)
        gwait(buf0, semg0)
        scat(CPS - 1, buf0)
        return carry

    lax.fori_loop(0, _NSEG, seg_body, 0)
    plsc.subcore_barrier()

    for k in range(_ASLAB // CK):
        off = base + k * CK
        pltpu.sync_copy(acc_sp.at[pl.ds(off, CK)], buf0)
        pltpu.sync_copy(buf0, acc_hbm.at[cid, pl.ds(off, CK)])


_BLK = 5000
_GRID = N // _BLK


def _tc_a_body(x_ref, wt_ref, b_ref, d0_ref, d1_ref, g_ref, dis_ref):
    h = jnp.dot(x_ref[...], wt_ref[...], preferred_element_type=jnp.float32)
    h = h + b_ref[...]
    deg = d0_ref[0] + d1_ref[0] + 1.0
    dis = lax.rsqrt(deg)
    g_ref[...] = dis * h
    dis_ref[...] = dis


def _tc_a(x, wt, b2, degp3):
    return pl.pallas_call(
        _tc_a_body,
        grid=(_GRID,),
        in_specs=[
            pl.BlockSpec((_BLK, D), lambda i: (i, 0)),
            pl.BlockSpec((D, D), lambda i: (0, 0)),
            pl.BlockSpec((1, D), lambda i: (0, 0)),
            pl.BlockSpec((1, _BLK, 1), lambda i: (0, i, 0)),
            pl.BlockSpec((1, _BLK, 1), lambda i: (1, i, 0)),
        ],
        out_specs=[
            pl.BlockSpec((_BLK, D), lambda i: (i, 0)),
            pl.BlockSpec((_BLK, 1), lambda i: (i, 0)),
        ],
        out_shape=[
            jax.ShapeDtypeStruct((N, D), jnp.float32),
            jax.ShapeDtypeStruct((N, 1), jnp.float32),
        ],
    )(x, wt, b2, degp3, degp3)


def _tc_b_body(a0_ref, a1_ref, g_ref, dis_ref, out_ref):
    out_ref[...] = dis_ref[...] * (a0_ref[0] + a1_ref[0] + g_ref[...])


def _tc_b(acc, g, dis):
    return pl.pallas_call(
        _tc_b_body,
        grid=(_GRID,),
        in_specs=[
            pl.BlockSpec((1, _BLK, D), lambda i: (0, i, 0)),
            pl.BlockSpec((1, _BLK, D), lambda i: (1, i, 0)),
            pl.BlockSpec((_BLK, D), lambda i: (i, 0)),
            pl.BlockSpec((_BLK, 1), lambda i: (i, 0)),
        ],
        out_specs=pl.BlockSpec((_BLK, D), lambda i: (i, 0)),
        out_shape=jax.ShapeDtypeStruct((N, D), jnp.float32),
    )(acc, acc, g, dis)


def kernel(x, edge_index, W, b):
    ei5 = edge_index.reshape(2, NW, _NSEG, CPS, CK)

    degp = _deg_kernel(ei5)
    degp3 = degp.reshape(2, NDEG, 1)

    g, dis = _tc_a(x, W.T, b.reshape(1, D), degp3)
    acc = _scatter_kernel(g, ei5)
    return _tc_b(acc, g, dis)

# --- scband reference (transcript-rebuilt; emitter-appended) ---
"""Pipeline reference for scband-gcnraw-33225867002499 (READ-ONLY COPY).

The authoritative reference and input builder live on the scoring server;
editing this copy changes nothing except your own understanding.
"""

import jax, jax.numpy as jnp
import numpy as np

N = 10000
E = 320000
D_IN = 128
D_OUT = 128


def setup_inputs(seed: int = 0) -> dict:
    key = jax.random.key(seed)
    k1, k2, k3, k4 = jax.random.split(key, 4)
    x = jax.random.normal(k1, (N, D_IN), dtype=jnp.float32)
    edge_index = jax.random.randint(k2, (2, E), 0, N, dtype=jnp.int32)
    # Linear layer params (torch nn.Linear: out = x @ W.T + b)
    bound = 1.0 / np.sqrt(D_IN)
    W = jax.random.uniform(k3, (D_OUT, D_IN), dtype=jnp.float32, minval=-bound, maxval=bound)
    b = jax.random.uniform(k4, (D_OUT,), dtype=jnp.float32, minval=-bound, maxval=bound)
    return {"x": x, "edge_index": edge_index, "W": W, "b": b}


def reference(x, edge_index, W, b):
    n = x.shape[0]
    # add_self_loops
    loops = jnp.arange(n, dtype=edge_index.dtype)
    ei = jnp.concatenate([edge_index, jnp.stack([loops, loops], axis=0)], axis=1)
    # linear transform
    h = x @ W.T + b
    row, col = ei[0], ei[1]
    # degree over source nodes (row); self-loops guarantee deg >= 1
    deg = jnp.bincount(row, length=n).astype(h.dtype)
    deg_inv_sqrt = deg ** (-0.5)
    norm = deg_inv_sqrt[row] * deg_inv_sqrt[col]
    # message: norm * x_j (gather from source)
    msg = norm[:, None] * h[row]
    # aggregate 'add' at target nodes (col)
    out = jax.ops.segment_sum(msg, col, num_segments=n)
    return out

if __name__ == "__main__":
    import jax
    _d = setup_inputs()
    print(jax.jit(kernel)(*tuple(_d.values())))

</pallas_src>

<mosaic_0001>
#map = affine_map<(d0, d1) -> (0, 0)>
#map1 = affine_map<(d0, d1) -> (0, 0, 0, 0, 0)>
#map2 = affine_map<(d0, d1) -> (0, 0, 0)>
module attributes {stable_mosaic.version = 14 : i64} {
  func.func @_scatter_kernel(%arg0: i32, %arg1: i32, %arg2: memref<10000x128xf32, #tpu.memory_space<hbm>>, %arg3: memref<2x32x5x25x80xi32, #tpu.memory_space<hbm>>, %arg4: memref<2x10240x128xf32, #tpu.memory_space<hbm>>, %arg5: memref<25x80xi32, #tpu.memory_space<vmem>>, %arg6: memref<25x80xi32, #tpu.memory_space<vmem>>, %arg7: memref<80x128xf32, #tpu.memory_space<vmem>>, %arg8: memref<80x128xf32, #tpu.memory_space<vmem>>, %arg9: memref<80x128xf32, #tpu.memory_space<vmem>>, %arg10: memref<80x128xf32, #tpu.memory_space<vmem>>, %arg11: memref<10240x128xf32, #tpu.memory_space<vmem_shared>>, %arg12: memref<!tpu.dma_semaphore, #tpu.memory_space<semaphore_mem>>, %arg13: memref<!tpu.dma_semaphore, #tpu.memory_space<semaphore_mem>>, %arg14: memref<!tpu.dma_semaphore, #tpu.memory_space<semaphore_mem>>, %arg15: memref<!tpu.dma_semaphore, #tpu.memory_space<semaphore_mem>>) attributes {dimension_semantics = [#tpu.dimension_semantics<core_parallel>, #tpu.dimension_semantics<subcore_parallel>], iteration_bounds = array<i64: 2, 16>, scalar_prefetch = 0 : i64, scratch_operands = 11 : i64, tpu.core_type = #tpu.core_type<sc_vector_subcore>, window_params = [{transform_indices = #map}, {transform_indices = #map1}, {transform_indices = #map2}]} {
    %mul3A = arith.constant 2 : i32
    %mul3A_0 = arith.muli %arg1, %mul3A : i32
    %add3A = arith.addi %mul3A_0, %arg0 : i32
    %broadcast_in_dim3A = arith.constant 0.000000e+00 : f32
    %broadcast_in_dim3A_1 = vector.broadcast %broadcast_in_dim3A : f32 to vector<16xf32>
    %scan3A = arith.constant 0 : i32
    %scan3A_2 = arith.constant 0 : i32
    %scan3A_3 = arith.constant 80 : i32
    %scan3A_4 = arith.addi %scan3A_2, %scan3A_3 : i32
    %scan3A_5 = arith.constant 1 : i32
    scf.for %scan3A_48 = %scan3A_2 to %scan3A_4 step %scan3A_5  : i32 {
      %swap3A = arith.index_cast %scan3A_48 : i32 to index
      %swap3A_49 = arith.constant 0 : index
      %swap3A_50 = tpu.vector_load %arg7[%swap3A, %swap3A_49] {strides = array<i32>} : memref<80x128xf32, #tpu.memory_space<vmem>>, vector<1x16xf32>,
      %swap3A_51 = vector.shape_cast %swap3A_50 : vector<1x16xf32> to vector<16xf32>
      %swap3A_52 = vector.shape_cast %broadcast_in_dim3A_1 : vector<16xf32> to vector<1x16xf32>
      tpu.vector_store %arg7[%swap3A, %swap3A_49], %swap3A_52 {strides = array<i32>} : memref<80x128xf32, #tpu.memory_space<vmem>>, vector<1x16xf32>,
      %swap3A_53 = arith.index_cast %scan3A_48 : i32 to index
      %swap3A_54 = arith.constant 16 : index
      %swap3A_55 = tpu.vector_load %arg7[%swap3A_53, %swap3A_54] {strides = array<i32>} : memref<80x128xf32, #tpu.memory_space<vmem>>, vector<1x16xf32>,
      %swap3A_56 = vector.shape_cast %swap3A_55 : vector<1x16xf32> to vector<16xf32>
      %swap3A_57 = vector.shape_cast %broadcast_in_dim3A_1 : vector<16xf32> to vector<1x16xf32>
      tpu.vector_store %arg7[%swap3A_53, %swap3A_54], %swap3A_57 {strides = array<i32>} : memref<80x128xf32, #tpu.memory_space<vmem>>, vector<1x16xf32>,
      %swap3A_58 = arith.index_cast %scan3A_48 : i32 to index
      %swap3A_59 = arith.constant 32 : index
      %swap3A_60 = tpu.vector_load %arg7[%swap3A_58, %swap3A_59] {strides = array<i32>} : memref<80x128xf32, #tpu.memory_space<vmem>>, vector<1x16xf32>,
      %swap3A_61 = vector.shape_cast %swap3A_60 : vector<1x16xf32> to vector<16xf32>
      %swap3A_62 = vector.shape_cast %broadcast_in_dim3A_1 : vector<16xf32> to vector<1x16xf32>
      tpu.vector_store %arg7[%swap3A_58, %swap3A_59], %swap3A_62 {strides = array<i32>} : memref<80x128xf32, #tpu.memory_space<vmem>>, vector<1x16xf32>,
      %swap3A_63 = arith.index_cast %scan3A_48 : i32 to index
      %swap3A_64 = arith.constant 48 : index
      %swap3A_65 = tpu.vector_load %arg7[%swap3A_63, %swap3A_64] {strides = array<i32>} : memref<80x128xf32, #tpu.memory_space<vmem>>, vector<1x16xf32>,
      %swap3A_66 = vector.shape_cast %swap3A_65 : vector<1x16xf32> to vector<16xf32>
      %swap3A_67 = vector.shape_cast %broadcast_in_dim3A_1 : vector<16xf32> to vector<1x16xf32>
      tpu.vector_store %arg7[%swap3A_63, %swap3A_64], %swap3A_67 {strides = array<i32>} : memref<80x128xf32, #tpu.memory_space<vmem>>, vector<1x16xf32>,
      %swap3A_68 = arith.index_cast %scan3A_48 : i32 to index
      %swap3A_69 = arith.constant 64 : index
      %swap3A_70 = tpu.vector_load %arg7[%swap3A_68, %swap3A_69] {strides = array<i32>} : memref<80x128xf32, #tpu.memory_space<vmem>>, vector<1x16xf32>,
      %swap3A_71 = vector.shape_cast %swap3A_70 : vector<1x16xf32> to vector<16xf32>
      %swap3A_72 = vector.shape_cast %broadcast_in_dim3A_1 : vector<16xf32> to vector<1x16xf32>
      tpu.vector_store %arg7[%swap3A_68, %swap3A_69], %swap3A_72 {strides = array<i32>} : memref<80x128xf32, #tpu.memory_space<vmem>>, vector<1x16xf32>,
      %swap3A_73 = arith.index_cast %scan3A_48 : i32 to index
      %swap3A_74 = arith.constant 80 : index
      %swap3A_75 = tpu.vector_load %arg7[%swap3A_73, %swap3A_74] {strides = array<i32>} : memref<80x128xf32, #tpu.memory_space<vmem>>, vector<1x16xf32>,
      %swap3A_76 = vector.shape_cast %swap3A_75 : vector<1x16xf32> to vector<16xf32>
      %swap3A_77 = vector.shape_cast %broadcast_in_dim3A_1 : vector<16xf32> to vector<1x16xf32>
      tpu.vector_store %arg7[%swap3A_73, %swap3A_74], %swap3A_77 {strides = array<i32>} : memref<80x128xf32, #tpu.memory_space<vmem>>, vector<1x16xf32>,
      %swap3A_78 = arith.index_cast %scan3A_48 : i32 to index
      %swap3A_79 = arith.constant 96 : index
      %swap3A_80 = tpu.vector_load %arg7[%swap3A_78, %swap3A_79] {strides = array<i32>} : memref<80x128xf32, #tpu.memory_space<vmem>>, vector<1x16xf32>,
      %swap3A_81 = vector.shape_cast %swap3A_80 : vector<1x16xf32> to vector<16xf32>
      %swap3A_82 = vector.shape_cast %broadcast_in_dim3A_1 : vector<16xf32> to vector<1x16xf32>
      tpu.vector_store %arg7[%swap3A_78, %swap3A_79], %swap3A_82 {strides = array<i32>} : memref<80x128xf32, #tpu.memory_space<vmem>>, vector<1x16xf32>,
      %swap3A_83 = arith.index_cast %scan3A_48 : i32 to index
      %swap3A_84 = arith.constant 112 : index
      %swap3A_85 = tpu.vector_load %arg7[%swap3A_83, %swap3A_84] {strides = array<i32>} : memref<80x128xf32, #tpu.memory_space<vmem>>, vector<1x16xf32>,
      %swap3A_86 = vector.shape_cast %swap3A_85 : vector<1x16xf32> to vector<16xf32>
      %swap3A_87 = vector.shape_cast %broadcast_in_dim3A_1 : vector<16xf32> to vector<1x16xf32>
      tpu.vector_store %arg7[%swap3A_83, %swap3A_84], %swap3A_87 {strides = array<i32>} : memref<80x128xf32, #tpu.memory_space<vmem>>, vector<1x16xf32>,
    }
    %scan3A_6 = arith.constant 80 : i32
    %mul3A_7 = arith.constant 640 : i32
    %mul3A_8 = arith.muli %arg1, %mul3A_7 : i32
    %add3A_9 = arith.constant 0 : i32
    %add3A_10 = arith.addi %mul3A_8, %add3A_9 : i32
    "tpu.region"() ({
      %run_scoped3A = tpu.sem_alloc : memref<!tpu.dma_semaphore, #tpu.memory_space<semaphore_mem>>
      %dma_start3A = arith.constant 0 : i32
      %dma_start3A_48 = tpu.memref_slice %arg11[%add3A_10, %dma_start3A] : memref<10240x128xf32, #tpu.memory_space<vmem_shared>> -> memref<80x128xf32, #tpu.memory_space<vmem_shared>>
      %dma_start3A_49 = arith.constant 0 : i32
      %dma_start3A_50 = tpu.memref_slice %arg11[%add3A_10, %dma_start3A_49] : memref<10240x128xf32, #tpu.memory_space<vmem_shared>> -> memref<80x128xf32, #tpu.memory_space<vmem_shared>>
      tpu.enqueue_dma source(%arg7 : memref<80x128xf32, #tpu.memory_space<vmem>>) target(%dma_start3A_50 : memref<80x128xf32, #tpu.memory_space<vmem_shared>>) target_semaphore(%run_scoped3A : memref<!tpu.dma_semaphore, #tpu.memory_space<semaphore_mem>>)
      %dma_wait3A = arith.constant 0 : i32
      %dma_wait3A_51 = tpu.memref_slice %arg11[%add3A_10, %dma_wait3A] : memref<10240x128xf32, #tpu.memory_space<vmem_shared>> -> memref<80x128xf32, #tpu.memory_space<vmem_shared>>
      %dma_wait3A_52 = arith.constant 0 : i32
      %dma_wait3A_53 = tpu.memref_slice %arg11[%add3A_10, %dma_wait3A_52] : memref<10240x128xf32, #tpu.memory_space<vmem_shared>> -> memref<80x128xf32, #tpu.memory_space<vmem_shared>>
      tpu.wait_dma2 semaphore(%run_scoped3A : memref<!tpu.dma_semaphore, #tpu.memory_space<semaphore_mem>>) src(%arg7 : memref<80x128xf32, #tpu.memory_space<vmem>>) dst(%dma_wait3A_53 : memref<80x128xf32, #tpu.memory_space<vmem_shared>>)
      tpu.yield
    }) : () -> ()
    %add3A_11 = arith.constant 80 : i32
    %add3A_12 = arith.addi %mul3A_8, %add3A_11 : i32
    "tpu.region"() ({
      %run_scoped3A = tpu.sem_alloc : memref<!tpu.dma_semaphore, #tpu.memory_space<semaphore_mem>>
      %dma_start3A = arith.constant 0 : i32
      %dma_start3A_48 = tpu.memref_slice %arg11[%add3A_12, %dma_start3A] : memref<10240x128xf32, #tpu.memory_space<vmem_shared>> -> memref<80x128xf32, #tpu.memory_space<vmem_shared>>
      %dma_start3A_49 = arith.constant 0 : i32
      %dma_start3A_50 = tpu.memref_slice %arg11[%add3A_12, %dma_start3A_49] : memref<10240x128xf32, #tpu.memory_space<vmem_shared>> -> memref<80x128xf32, #tpu.memory_space<vmem_shared>>
      tpu.enqueue_dma source(%arg7 : memref<80x128xf32, #tpu.memory_space<vmem>>) target(%dma_start3A_50 : memref<80x128xf32, #tpu.memory_space<vmem_shared>>) target_semaphore(%run_scoped3A : memref<!tpu.dma_semaphore, #tpu.memory_space<semaphore_mem>>)
      %dma_wait3A = arith.constant 0 : i32
      %dma_wait3A_51 = tpu.memref_slice %arg11[%add3A_12, %dma_wait3A] : memref<10240x128xf32, #tpu.memory_space<vmem_shared>> -> memref<80x128xf32, #tpu.memory_space<vmem_shared>>
      %dma_wait3A_52 = arith.constant 0 : i32
      %dma_wait3A_53 = tpu.memref_slice %arg11[%add3A_12, %dma_wait3A_52] : memref<10240x128xf32, #tpu.memory_space<vmem_shared>> -> memref<80x128xf32, #tpu.memory_space<vmem_shared>>
      tpu.wait_dma2 semaphore(%run_scoped3A : memref<!tpu.dma_semaphore, #tpu.memory_space<semaphore_mem>>) src(%arg7 : memref<80x128xf32, #tpu.memory_space<vmem>>) dst(%dma_wait3A_53 : memref<80x128xf32, #tpu.memory_space<vmem_shared>>)
      tpu.yield
    }) : () -> ()
    %add3A_13 = arith.constant 160 : i32
    %add3A_14 = arith.addi %mul3A_8, %add3A_13 : i32
    "tpu.region"() ({
      %run_scoped3A = tpu.sem_alloc : memref<!tpu.dma_semaphore, #tpu.memory_space<semaphore_mem>>
      %dma_start3A = arith.constant 0 : i32
      %dma_start3A_48 = tpu.memref_slice %arg11[%add3A_14, %dma_start3A] : memref<10240x128xf32, #tpu.memory_space<vmem_shared>> -> memref<80x128xf32, #tpu.memory_space<vmem_shared>>
      %dma_start3A_49 = arith.constant 0 : i32
      %dma_start3A_50 = tpu.memref_slice %arg11[%add3A_14, %dma_start3A_49] : memref<10240x128xf32, #tpu.memory_space<vmem_shared>> -> memref<80x128xf32, #tpu.memory_space<vmem_shared>>
      tpu.enqueue_dma source(%arg7 : memref<80x128xf32, #tpu.memory_space<vmem>>) target(%dma_start3A_50 : memref<80x128xf32, #tpu.memory_space<vmem_shared>>) target_semaphore(%run_scoped3A : memref<!tpu.dma_semaphore, #tpu.memory_space<semaphore_mem>>)
      %dma_wait3A = arith.constant 0 : i32
      %dma_wait3A_51 = tpu.memref_slice %arg11[%add3A_14, %dma_wait3A] : memref<10240x128xf32, #tpu.memory_space<vmem_shared>> -> memref<80x128xf32, #tpu.memory_space<vmem_shared>>
      %dma_wait3A_52 = arith.constant 0 : i32
      %dma_wait3A_53 = tpu.memref_slice %arg11[%add3A_14, %dma_wait3A_52] : memref<10240x128xf32, #tpu.memory_space<vmem_shared>> -> memref<80x128xf32, #tpu.memory_space<vmem_shared>>
      tpu.wait_dma2 semaphore(%run_scoped3A : memref<!tpu.dma_semaphore, #tpu.memory_space<semaphore_mem>>) src(%arg7 : memref<80x128xf32, #tpu.memory_space<vmem>>) dst(%dma_wait3A_53 : memref<80x128xf32, #tpu.memory_space<vmem_shared>>)
      tpu.yield
    }) : () -> ()
    %add3A_15 = arith.constant 240 : i32
    %add3A_16 = arith.addi %mul3A_8, %add3A_15 : i32
    "tpu.region"() ({
      %run_scoped3A = tpu.sem_alloc : memref<!tpu.dma_semaphore, #tpu.memory_space<semaphore_mem>>
      %dma_start3A = arith.constant 0 : i32
      %dma_start3A_48 = tpu.memref_slice %arg11[%add3A_16, %dma_start3A] : memref<10240x128xf32, #tpu.memory_space<vmem_shared>> -> memref<80x128xf32, #tpu.memory_space<vmem_shared>>
      %dma_start3A_49 = arith.constant 0 : i32
      %dma_start3A_50 = tpu.memref_slice %arg11[%add3A_16, %dma_start3A_49] : memref<10240x128xf32, #tpu.memory_space<vmem_shared>> -> memref<80x128xf32, #tpu.memory_space<vmem_shared>>
      tpu.enqueue_dma source(%arg7 : memref<80x128xf32, #tpu.memory_space<vmem>>) target(%dma_start3A_50 : memref<80x128xf32, #tpu.memory_space<vmem_shared>>) target_semaphore(%run_scoped3A : memref<!tpu.dma_semaphore, #tpu.memory_space<semaphore_mem>>)
      %dma_wait3A = arith.constant 0 : i32
      %dma_wait3A_51 = tpu.memref_slice %arg11[%add3A_16, %dma_wait3A] : memref<10240x128xf32, #tpu.memory_space<vmem_shared>> -> memref<80x128xf32, #tpu.memory_space<vmem_shared>>
      %dma_wait3A_52 = arith.constant 0 : i32
      %dma_wait3A_53 = tpu.memref_slice %arg11[%add3A_16, %dma_wait3A_52] : memref<10240x128xf32, #tpu.memory_space<vmem_shared>> -> memref<80x128xf32, #tpu.memory_space<vmem_shared>>
      tpu.wait_dma2 semaphore(%run_scoped3A : memref<!tpu.dma_semaphore, #tpu.memory_space<semaphore_mem>>) src(%arg7 : memref<80x128xf32, #tpu.memory_space<vmem>>) dst(%dma_wait3A_53 : memref<80x128xf32, #tpu.memory_space<vmem_shared>>)
      tpu.yield
    }) : () -> ()
    %add3A_17 = arith.constant 320 : i32
    %add3A_18 = arith.addi %mul3A_8, %add3A_17 : i32
    "tpu.region"() ({
      %run_scoped3A = tpu.sem_alloc : memref<!tpu.dma_semaphore, #tpu.memory_space<semaphore_mem>>
      %dma_start3A = arith.constant 0 : i32
      %dma_start3A_48 = tpu.memref_slice %arg11[%add3A_18, %dma_start3A] : memref<10240x128xf32, #tpu.memory_space<vmem_shared>> -> memref<80x128xf32, #tpu.memory_space<vmem_shared>>
      %dma_start3A_49 = arith.constant 0 : i32
      %dma_start3A_50 = tpu.memref_slice %arg11[%add3A_18, %dma_start3A_49] : memref<10240x128xf32, #tpu.memory_space<vmem_shared>> -> memref<80x128xf32, #tpu.memory_space<vmem_shared>>
      tpu.enqueue_dma source(%arg7 : memref<80x128xf32, #tpu.memory_space<vmem>>) target(%dma_start3A_50 : memref<80x128xf32, #tpu.memory_space<vmem_shared>>) target_semaphore(%run_scoped3A : memref<!tpu.dma_semaphore, #tpu.memory_space<semaphore_mem>>)
      %dma_wait3A = arith.constant 0 : i32
      %dma_wait3A_51 = tpu.memref_slice %arg11[%add3A_18, %dma_wait3A] : memref<10240x128xf32, #tpu.memory_space<vmem_shared>> -> memref<80x128xf32, #tpu.memory_space<vmem_shared>>
      %dma_wait3A_52 = arith.constant 0 : i32
      %dma_wait3A_53 = tpu.memref_slice %arg11[%add3A_18, %dma_wait3A_52] : memref<10240x128xf32, #tpu.memory_space<vmem_shared>> -> memref<80x128xf32, #tpu.memory_space<vmem_shared>>
      tpu.wait_dma2 semaphore(%run_scoped3A : memref<!tpu.dma_semaphore, #tpu.memory_space<semaphore_mem>>) src(%arg7 : memref<80x128xf32, #tpu.memory_space<vmem>>) dst(%dma_wait3A_53 : memref<80x128xf32, #tpu.memory_space<vmem_shared>>)
      tpu.yield
    }) : () -> ()
    %add3A_19 = arith.constant 400 : i32
    %add3A_20 = arith.addi %mul3A_8, %add3A_19 : i32
    "tpu.region"() ({
      %run_scoped3A = tpu.sem_alloc : memref<!tpu.dma_semaphore, #tpu.memory_space<semaphore_mem>>
      %dma_start3A = arith.constant 0 : i32
      %dma_start3A_48 = tpu.memref_slice %arg11[%add3A_20, %dma_start3A] : memref<10240x128xf32, #tpu.memory_space<vmem_shared>> -> memref<80x128xf32, #tpu.memory_space<vmem_shared>>
      %dma_start3A_49 = arith.constant 0 : i32
      %dma_start3A_50 = tpu.memref_slice %arg11[%add3A_20, %dma_start3A_49] : memref<10240x128xf32, #tpu.memory_space<vmem_shared>> -> memref<80x128xf32, #tpu.memory_space<vmem_shared>>
      tpu.enqueue_dma source(%arg7 : memref<80x128xf32, #tpu.memory_space<vmem>>) target(%dma_start3A_50 : memref<80x128xf32, #tpu.memory_space<vmem_shared>>) target_semaphore(%run_scoped3A : memref<!tpu.dma_semaphore, #tpu.memory_space<semaphore_mem>>)
      %dma_wait3A = arith.constant 0 : i32
      %dma_wait3A_51 = tpu.memref_slice %arg11[%add3A_20, %dma_wait3A] : memref<10240x128xf32, #tpu.memory_space<vmem_shared>> -> memref<80x128xf32, #tpu.memory_space<vmem_shared>>
      %dma_wait3A_52 = arith.constant 0 : i32
      %dma_wait3A_53 = tpu.memref_slice %arg11[%add3A_20, %dma_wait3A_52] : memref<10240x128xf32, #tpu.memory_space<vmem_shared>> -> memref<80x128xf32, #tpu.memory_space<vmem_shared>>
      tpu.wait_dma2 semaphore(%run_scoped3A : memref<!tpu.dma_semaphore, #tpu.memory_space<semaphore_mem>>) src(%arg7 : memref<80x128xf32, #tpu.memory_space<vmem>>) dst(%dma_wait3A_53 : memref<80x128xf32, #tpu.memory_space<vmem_shared>>)
      tpu.yield
    }) : () -> ()
    %add3A_21 = arith.constant 480 : i32
    %add3A_22 = arith.addi %mul3A_8, %add3A_21 : i32
    "tpu.region"() ({
      %run_scoped3A = tpu.sem_alloc : memref<!tpu.dma_semaphore, #tpu.memory_space<semaphore_mem>>
      %dma_start3A = arith.constant 0 : i32
      %dma_start3A_48 = tpu.memref_slice %arg11[%add3A_22, %dma_start3A] : memref<10240x128xf32, #tpu.memory_space<vmem_shared>> -> memref<80x128xf32, #tpu.memory_space<vmem_shared>>
      %dma_start3A_49 = arith.constant 0 : i32
      %dma_start3A_50 = tpu.memref_slice %arg11[%add3A_22, %dma_start3A_49] : memref<10240x128xf32, #tpu.memory_space<vmem_shared>> -> memref<80x128xf32, #tpu.memory_space<vmem_shared>>
      tpu.enqueue_dma source(%arg7 : memref<80x128xf32, #tpu.memory_space<vmem>>) target(%dma_start3A_50 : memref<80x128xf32, #tpu.memory_space<vmem_shared>>) target_semaphore(%run_scoped3A : memref<!tpu.dma_semaphore, #tpu.memory_space<semaphore_mem>>)
      %dma_wait3A = arith.constant 0 : i32
      %dma_wait3A_51 = tpu.memref_slice %arg11[%add3A_22, %dma_wait3A] : memref<10240x128xf32, #tpu.memory_space<vmem_shared>> -> memref<80x128xf32, #tpu.memory_space<vmem_shared>>
      %dma_wait3A_52 = arith.constant 0 : i32
      %dma_wait3A_53 = tpu.memref_slice %arg11[%add3A_22, %dma_wait3A_52] : memref<10240x128xf32, #tpu.memory_space<vmem_shared>> -> memref<80x128xf32, #tpu.memory_space<vmem_shared>>
      tpu.wait_dma2 semaphore(%run_scoped3A : memref<!tpu.dma_semaphore, #tpu.memory_space<semaphore_mem>>) src(%arg7 : memref<80x128xf32, #tpu.memory_space<vmem>>) dst(%dma_wait3A_53 : memref<80x128xf32, #tpu.memory_space<vmem_shared>>)
      tpu.yield
    }) : () -> ()
    %add3A_23 = arith.constant 560 : i32
    %add3A_24 = arith.addi %mul3A_8, %add3A_23 : i32
    "tpu.region"() ({
      %run_scoped3A = tpu.sem_alloc : memref<!tpu.dma_semaphore, #tpu.memory_space<semaphore_mem>>
      %dma_start3A = arith.constant 0 : i32
      %dma_start3A_48 = tpu.memref_slice %arg11[%add3A_24, %dma_start3A] : memref<10240x128xf32, #tpu.memory_space<vmem_shared>> -> memref<80x128xf32, #tpu.memory_space<vmem_shared>>
      %dma_start3A_49 = arith.constant 0 : i32
      %dma_start3A_50 = tpu.memref_slice %arg11[%add3A_24, %dma_start3A_49] : memref<10240x128xf32, #tpu.memory_space<vmem_shared>> -> memref<80x128xf32, #tpu.memory_space<vmem_shared>>
      tpu.enqueue_dma source(%arg7 : memref<80x128xf32, #tpu.memory_space<vmem>>) target(%dma_start3A_50 : memref<80x128xf32, #tpu.memory_space<vmem_shared>>) target_semaphore(%run_scoped3A : memref<!tpu.dma_semaphore, #tpu.memory_space<semaphore_mem>>)
      %dma_wait3A = arith.constant 0 : i32
      %dma_wait3A_51 = tpu.memref_slice %arg11[%add3A_24, %dma_wait3A] : memref<10240x128xf32, #tpu.memory_space<vmem_shared>> -> memref<80x128xf32, #tpu.memory_space<vmem_shared>>
      %dma_wait3A_52 = arith.constant 0 : i32
      %dma_wait3A_53 = tpu.memref_slice %arg11[%add3A_24, %dma_wait3A_52] : memref<10240x128xf32, #tpu.memory_space<vmem_shared>> -> memref<80x128xf32, #tpu.memory_space<vmem_shared>>
      tpu.wait_dma2 semaphore(%run_scoped3A : memref<!tpu.dma_semaphore, #tpu.memory_space<semaphore_mem>>) src(%arg7 : memref<80x128xf32, #tpu.memory_space<vmem>>) dst(%dma_wait3A_53 : memref<80x128xf32, #tpu.memory_space<vmem_shared>>)
      tpu.yield
    }) : () -> ()
    %barrier3A = arith.constant 0 : index
    tpu.barrier barrier_id(%barrier3A)
    %scan3A_25 = arith.constant 0 : i32
    %scan3A_26 = arith.constant 0 : i32
    %scan3A_27 = arith.constant 5 : i32
    %scan3A_28 = arith.addi %scan3A_26, %scan3A_27 : i32
    %scan3A_29 = arith.constant 1 : i32
    scf.for %scan3A_48 = %scan3A_26 to %scan3A_28 step %scan3A_29  : i32 {
      %run_scoped3A = arith.constant 0 : i32
      "tpu.region"() ({
        %run_scoped3A_124 = tpu.sem_alloc : memref<!tpu.dma_semaphore, #tpu.memory_space<semaphore_mem>>
        %dma_start3A_125 = arith.constant 0 : i32
        %dma_start3A_126 = arith.constant 0 : i32
        %dma_start3A_127 = tpu.memref_slice %arg3[%run_scoped3A, %add3A, %scan3A_48, %dma_start3A_125, %dma_start3A_126] : memref<2x32x5x25x80xi32, #tpu.memory_space<hbm>> -> memref<1x1x1x25x80xi32, #tpu.memory_space<hbm>>
        %dma_start3A_128 = tpu.memref_squeeze %dma_start3A_127 : memref<1x1x1x25x80xi32, #tpu.memory_space<hbm>> -> memref<25x80xi32, #tpu.memory_space<hbm>>
        %dma_start3A_129 = arith.constant 0 : i32
        %dma_start3A_130 = arith.constant 0 : i32
        %dma_start3A_131 = tpu.memref_slice %arg3[%run_scoped3A, %add3A, %scan3A_48, %dma_start3A_129, %dma_start3A_130] : memref<2x32x5x25x80xi32, #tpu.memory_space<hbm>> -> memref<1x1x1x25x80xi32, #tpu.memory_space<hbm>>
        %dma_start3A_132 = tpu.memref_squeeze %dma_start3A_131 : memref<1x1x1x25x80xi32, #tpu.memory_space<hbm>> -> memref<25x80xi32, #tpu.memory_space<hbm>>
        tpu.enqueue_dma source(%dma_start3A_132 : memref<25x80xi32, #tpu.memory_space<hbm>>) target(%arg5 : memref<25x80xi32, #tpu.memory_space<vmem>>) target_semaphore(%run_scoped3A_124 : memref<!tpu.dma_semaphore, #tpu.memory_space<semaphore_mem>>)
        %dma_wait3A_133 = arith.constant 0 : i32
        %dma_wait3A_134 = arith.constant 0 : i32
        %dma_wait3A_135 = tpu.memref_slice %arg3[%run_scoped3A, %add3A, %scan3A_48, %dma_wait3A_133, %dma_wait3A_134] : memref<2x32x5x25x80xi32, #tpu.memory_space<hbm>> -> memref<1x1x1x25x80xi32, #tpu.memory_space<hbm>>
        %dma_wait3A_136 = tpu.memref_squeeze %dma_wait3A_135 : memref<1x1x1x25x80xi32, #tpu.memory_space<hbm>> -> memref<25x80xi32, #tpu.memory_space<hbm>>
        %dma_wait3A_137 = arith.constant 0 : i32
        %dma_wait3A_138 = arith.constant 0 : i32
        %dma_wait3A_139 = tpu.memref_slice %arg3[%run_scoped3A, %add3A, %scan3A_48, %dma_wait3A_137, %dma_wait3A_138] : memref<2x32x5x25x80xi32, #tpu.memory_space<hbm>> -> memref<1x1x1x25x80xi32, #tpu.memory_space<hbm>>
        %dma_wait3A_140 = tpu.memref_squeeze %dma_wait3A_139 : memref<1x1x1x25x80xi32, #tpu.memory_space<hbm>> -> memref<25x80xi32, #tpu.memory_space<hbm>>
        tpu.wait_dma2 semaphore(%run_scoped3A_124 : memref<!tpu.dma_semaphore, #tpu.memory_space<semaphore_mem>>) src(%dma_wait3A_140 : memref<25x80xi32, #tpu.memory_space<hbm>>) dst(%arg5 : memref<25x80xi32, #tpu.memory_space<vmem>>)
        tpu.yield
      }) : () -> ()
      %run_scoped3A_49 = arith.constant 1 : i32
      "tpu.region"() ({
        %run_scoped3A_124 = tpu.sem_alloc : memref<!tpu.dma_semaphore, #tpu.memory_space<semaphore_mem>>
        %dma_start3A_125 = arith.constant 0 : i32
        %dma_start3A_126 = arith.constant 0 : i32
        %dma_start3A_127 = tpu.memref_slice %arg3[%run_scoped3A_49, %add3A, %scan3A_48, %dma_start3A_125, %dma_start3A_126] : memref<2x32x5x25x80xi32, #tpu.memory_space<hbm>> -> memref<1x1x1x25x80xi32, #tpu.memory_space<hbm>>
        %dma_start3A_128 = tpu.memref_squeeze %dma_start3A_127 : memref<1x1x1x25x80xi32, #tpu.memory_space<hbm>> -> memref<25x80xi32, #tpu.memory_space<hbm>>
        %dma_start3A_129 = arith.constant 0 : i32
        %dma_start3A_130 = arith.constant 0 : i32
        %dma_start3A_131 = tpu.memref_slice %arg3[%run_scoped3A_49, %add3A, %scan3A_48, %dma_start3A_129, %dma_start3A_130] : memref<2x32x5x25x80xi32, #tpu.memory_space<hbm>> -> memref<1x1x1x25x80xi32, #tpu.memory_space<hbm>>
        %dma_start3A_132 = tpu.memref_squeeze %dma_start3A_131 : memref<1x1x1x25x80xi32, #tpu.memory_space<hbm>> -> memref<25x80xi32, #tpu.memory_space<hbm>>
        tpu.enqueue_dma source(%dma_start3A_132 : memref<25x80xi32, #tpu.memory_space<hbm>>) target(%arg6 : memref<25x80xi32, #tpu.memory_space<vmem>>) target_semaphore(%run_scoped3A_124 : memref<!tpu.dma_semaphore, #tpu.memory_space<semaphore_mem>>)
        %dma_wait3A_133 = arith.constant 0 : i32
        %dma_wait3A_134 = arith.constant 0 : i32
        %dma_wait3A_135 = tpu.memref_slice %arg3[%run_scoped3A_49, %add3A, %scan3A_48, %dma_wait3A_133, %dma_wait3A_134] : memref<2x32x5x25x80xi32, #tpu.memory_space<hbm>> -> memref<1x1x1x25x80xi32, #tpu.memory_space<hbm>>
        %dma_wait3A_136 = tpu.memref_squeeze %dma_wait3A_135 : memref<1x1x1x25x80xi32, #tpu.memory_space<hbm>> -> memref<25x80xi32, #tpu.memory_space<hbm>>
        %dma_wait3A_137 = arith.constant 0 : i32
        %dma_wait3A_138 = arith.constant 0 : i32
        %dma_wait3A_139 = tpu.memref_slice %arg3[%run_scoped3A_49, %add3A, %scan3A_48, %dma_wait3A_137, %dma_wait3A_138] : memref<2x32x5x25x80xi32, #tpu.memory_space<hbm>> -> memref<1x1x1x25x80xi32, #tpu.memory_space<hbm>>
        %dma_wait3A_140 = tpu.memref_squeeze %dma_wait3A_139 : memref<1x1x1x25x80xi32, #tpu.memory_space<hbm>> -> memref<25x80xi32, #tpu.memory_space<hbm>>
        tpu.wait_dma2 semaphore(%run_scoped3A_124 : memref<!tpu.dma_semaphore, #tpu.memory_space<semaphore_mem>>) src(%dma_wait3A_140 : memref<25x80xi32, #tpu.memory_space<hbm>>) dst(%arg6 : memref<25x80xi32, #tpu.memory_space<vmem>>)
        tpu.yield
      }) : () -> ()
      %dma_start3A = arith.constant 0 : i32
      %dma_start3A_50 = arith.constant 0 : i32
      %dma_start3A_51 = tpu.memref_slice %arg5[%dma_start3A, %dma_start3A_50] : memref<25x80xi32, #tpu.memory_space<vmem>> -> memref<1x80xi32, #tpu.memory_space<vmem>>
      %dma_start3A_52 = tpu.memref_squeeze %dma_start3A_51 : memref<1x80xi32, #tpu.memory_space<vmem>> -> memref<80xi32, #tpu.memory_space<vmem>>
      %dma_start3A_53 = arith.constant 0 : i32
      %dma_start3A_54 = arith.constant 0 : i32
      %dma_start3A_55 = tpu.memref_slice %arg2[%dma_start3A_53, %dma_start3A_54] : memref<10000x128xf32, #tpu.memory_space<hbm>> -> memref<10000x128xf32, #tpu.memory_space<hbm>>
      tpu.enqueue_indirect_dma source(%dma_start3A_55 : memref<10000x128xf32, #tpu.memory_space<hbm>>) target(%arg7 : memref<80x128xf32, #tpu.memory_space<vmem>>) offsets(%dma_start3A_52 : memref<80xi32, #tpu.memory_space<vmem>>) semaphore(%arg12 : memref<!tpu.dma_semaphore, #tpu.memory_space<semaphore_mem>>)
      %dma_start3A_56 = arith.constant 1 : i32
      %dma_start3A_57 = arith.constant 0 : i32
      %dma_start3A_58 = tpu.memref_slice %arg5[%dma_start3A_56, %dma_start3A_57] : memref<25x80xi32, #tpu.memory_space<vmem>> -> memref<1x80xi32, #tpu.memory_space<vmem>>
      %dma_start3A_59 = tpu.memref_squeeze %dma_start3A_58 : memref<1x80xi32, #tpu.memory_space<vmem>> -> memref<80xi32, #tpu.memory_space<vmem>>
      %dma_start3A_60 = arith.constant 0 : i32
      %dma_start3A_61 = arith.constant 0 : i32
      %dma_start3A_62 = tpu.memref_slice %arg2[%dma_start3A_60, %dma_start3A_61] : memref<10000x128xf32, #tpu.memory_space<hbm>> -> memref<10000x128xf32, #tpu.memory_space<hbm>>
      tpu.enqueue_indirect_dma source(%dma_start3A_62 : memref<10000x128xf32, #tpu.memory_space<hbm>>) target(%arg8 : memref<80x128xf32, #tpu.memory_space<vmem>>) offsets(%dma_start3A_59 : memref<80xi32, #tpu.memory_space<vmem>>) semaphore(%arg13 : memref<!tpu.dma_semaphore, #tpu.memory_space<semaphore_mem>>)
      %dma_start3A_63 = arith.constant 2 : i32
      %dma_start3A_64 = arith.constant 0 : i32
      %dma_start3A_65 = tpu.memref_slice %arg5[%dma_start3A_63, %dma_start3A_64] : memref<25x80xi32, #tpu.memory_space<vmem>> -> memref<1x80xi32, #tpu.memory_space<vmem>>
      %dma_start3A_66 = tpu.memref_squeeze %dma_start3A_65 : memref<1x80xi32, #tpu.memory_space<vmem>> -> memref<80xi32, #tpu.memory_space<vmem>>
      %dma_start3A_67 = arith.constant 0 : i32
      %dma_start3A_68 = arith.constant 0 : i32
      %dma_start3A_69 = tpu.memref_slice %arg2[%dma_start3A_67, %dma_start3A_68] : memref<10000x128xf32, #tpu.memory_space<hbm>> -> memref<10000x128xf32, #tpu.memory_space<hbm>>
      tpu.enqueue_indirect_dma source(%dma_start3A_69 : memref<10000x128xf32, #tpu.memory_space<hbm>>) target(%arg9 : memref<80x128xf32, #tpu.memory_space<vmem>>) offsets(%dma_start3A_66 : memref<80xi32, #tpu.memory_space<vmem>>) semaphore(%arg14 : memref<!tpu.dma_semaphore, #tpu.memory_space<semaphore_mem>>)
      %dma_start3A_70 = arith.constant 3 : i32
      %dma_start3A_71 = arith.constant 0 : i32
      %dma_start3A_72 = tpu.memref_slice %arg5[%dma_start3A_70, %dma_start3A_71] : memref<25x80xi32, #tpu.memory_space<vmem>> -> memref<1x80xi32, #tpu.memory_space<vmem>>
      %dma_start3A_73 = tpu.memref_squeeze %dma_start3A_72 : memref<1x80xi32, #tpu.memory_space<vmem>> -> memref<80xi32, #tpu.memory_space<vmem>>
      %dma_start3A_74 = arith.constant 0 : i32
      %dma_start3A_75 = arith.constant 0 : i32
      %dma_start3A_76 = tpu.memref_slice %arg2[%dma_start3A_74, %dma_start3A_75] : memref<10000x128xf32, #tpu.memory_space<hbm>> -> memref<10000x128xf32, #tpu.memory_space<hbm>>
      tpu.enqueue_indirect_dma source(%dma_start3A_76 : memref<10000x128xf32, #tpu.memory_space<hbm>>) target(%arg10 : memref<80x128xf32, #tpu.memory_space<vmem>>) offsets(%dma_start3A_73 : memref<80xi32, #tpu.memory_space<vmem>>) semaphore(%arg15 : memref<!tpu.dma_semaphore, #tpu.memory_space<semaphore_mem>>)
      %scan3A_77 = arith.constant 0 : i32
      %scan3A_78 = arith.constant 0 : i32
      %scan3A_79 = arith.constant 5 : i32
      %scan3A_80 = arith.addi %scan3A_78, %scan3A_79 : i32
      %scan3A_81 = arith.constant 1 : i32
      scf.for %scan3A_124 = %scan3A_78 to %scan3A_80 step %scan3A_81  : i32 {
        %mul3A_125 = arith.constant 4 : i32
        %mul3A_126 = arith.muli %mul3A_125, %scan3A_124 : i32
        %dma_wait3A_127 = arith.constant 0 : i32
        %dma_wait3A_128 = arith.constant 0 : i32
        %dma_wait3A_129 = tpu.memref_slice %arg2[%dma_wait3A_127, %dma_wait3A_128] : memref<10000x128xf32, #tpu.memory_space<hbm>> -> memref<80x128xf32, #tpu.memory_space<hbm>>
        %dma_wait3A_130 = arith.constant 0 : i32
        %dma_wait3A_131 = arith.constant 0 : i32
        %dma_wait3A_132 = tpu.memref_slice %arg2[%dma_wait3A_130, %dma_wait3A_131] : memref<10000x128xf32, #tpu.memory_space<hbm>> -> memref<80x128xf32, #tpu.memory_space<hbm>>
        tpu.wait_dma2 semaphore(%arg12 : memref<!tpu.dma_semaphore, #tpu.memory_space<semaphore_mem>>) src(%dma_wait3A_132 : memref<80x128xf32, #tpu.memory_space<hbm>>) dst(%arg7 : memref<80x128xf32, #tpu.memory_space<vmem>>)
        "tpu.region"() ({
          %run_scoped3A_189 = tpu.sem_alloc : memref<!tpu.dma_semaphore, #tpu.memory_space<semaphore_mem>>
          %dma_start3A_190 = arith.constant 0 : i32
          %dma_start3A_191 = tpu.memref_slice %arg6[%mul3A_126, %dma_start3A_190] : memref<25x80xi32, #tpu.memory_space<vmem>> -> memref<1x80xi32, #tpu.memory_space<vmem>>
          %dma_start3A_192 = tpu.memref_squeeze %dma_start3A_191 : memref<1x80xi32, #tpu.memory_space<vmem>> -> memref<80xi32, #tpu.memory_space<vmem>>
          %dma_start3A_193 = arith.constant 0 : i32
          %dma_start3A_194 = arith.constant 0 : i32
          %dma_start3A_195 = tpu.memref_slice %arg11[%dma_start3A_193, %dma_start3A_194] : memref<10240x128xf32, #tpu.memory_space<vmem_shared>> -> memref<10240x128xf32, #tpu.memory_space<vmem_shared>>
          tpu.enqueue_indirect_dma source(%arg7 : memref<80x128xf32, #tpu.memory_space<vmem>>) target(%dma_start3A_195 : memref<10240x128xf32, #tpu.memory_space<vmem_shared>>) offsets(%dma_start3A_192 : memref<80xi32, #tpu.memory_space<vmem>>) semaphore(%run_scoped3A_189 : memref<!tpu.dma_semaphore, #tpu.memory_space<semaphore_mem>>) {add = true}
          %dma_wait3A_196 = arith.constant 0 : i32
          %dma_wait3A_197 = tpu.memref_slice %arg6[%mul3A_126, %dma_wait3A_196] : memref<25x80xi32, #tpu.memory_space<vmem>> -> memref<1x80xi32, #tpu.memory_space<vmem>>
          %dma_wait3A_198 = tpu.memref_squeeze %dma_wait3A_197 : memref<1x80xi32, #tpu.memory_space<vmem>> -> memref<80xi32, #tpu.memory_space<vmem>>
          %dma_wait3A_199 = arith.constant 0 : i32
          %dma_wait3A_200 = arith.constant 0 : i32
          %dma_wait3A_201 = tpu.memref_slice %arg11[%dma_wait3A_199, %dma_wait3A_200] : memref<10240x128xf32, #tpu.memory_space<vmem_shared>> -> memref<10240x128xf32, #tpu.memory_space<vmem_shared>>
          tpu.wait_indirect_dma semaphore(%run_scoped3A_189 : memref<!tpu.dma_semaphore, #tpu.memory_space<semaphore_mem>>) src(%arg7 : memref<80x128xf32, #tpu.memory_space<vmem>>) dst(%dma_wait3A_201 : memref<10240x128xf32, #tpu.memory_space<vmem_shared>>)
          tpu.yield
        }) : () -> ()
        %add3A_133 = arith.constant 4 : i32
        %add3A_134 = arith.addi %mul3A_126, %add3A_133 : i32
        %dma_start3A_135 = arith.constant 0 : i32
        %dma_start3A_136 = tpu.memref_slice %arg5[%add3A_134, %dma_start3A_135] : memref<25x80xi32, #tpu.memory_space<vmem>> -> memref<1x80xi32, #tpu.memory_space<vmem>>
        %dma_start3A_137 = tpu.memref_squeeze %dma_start3A_136 : memref<1x80xi32, #tpu.memory_space<vmem>> -> memref<80xi32, #tpu.memory_space<vmem>>
        %dma_start3A_138 = arith.constant 0 : i32
        %dma_start3A_139 = arith.constant 0 : i32
        %dma_start3A_140 = tpu.memref_slice %arg2[%dma_start3A_138, %dma_start3A_139] : memref<10000x128xf32, #tpu.memory_space<hbm>> -> memref<10000x128xf32, #tpu.memory_space<hbm>>
        tpu.enqueue_indirect_dma source(%dma_start3A_140 : memref<10000x128xf32, #tpu.memory_space<hbm>>) target(%arg7 : memref<80x128xf32, #tpu.memory_space<vmem>>) offsets(%dma_start3A_137 : memref<80xi32, #tpu.memory_space<vmem>>) semaphore(%arg12 : memref<!tpu.dma_semaphore, #tpu.memory_space<semaphore_mem>>)
        %dma_wait3A_141 = arith.constant 0 : i32
        %dma_wait3A_142 = arith.constant 0 : i32
        %dma_wait3A_143 = tpu.memref_slice %arg2[%dma_wait3A_141, %dma_wait3A_142] : memref<10000x128xf32, #tpu.memory_space<hbm>> -> memref<80x128xf32, #tpu.memory_space<hbm>>
        %dma_wait3A_144 = arith.constant 0 : i32
        %dma_wait3A_145 = arith.constant 0 : i32
        %dma_wait3A_146 = tpu.memref_slice %arg2[%dma_wait3A_144, %dma_wait3A_145] : memref<10000x128xf32, #tpu.memory_space<hbm>> -> memref<80x128xf32, #tpu.memory_space<hbm>>
        tpu.wait_dma2 semaphore(%arg13 : memref<!tpu.dma_semaphore, #tpu.memory_space<semaphore_mem>>) src(%dma_wait3A_146 : memref<80x128xf32, #tpu.memory_space<hbm>>) dst(%arg8 : memref<80x128xf32, #tpu.memory_space<vmem>>)
        %add3A_147 = arith.constant 1 : i32
        %add3A_148 = arith.addi %mul3A_126, %add3A_147 : i32
        "tpu.region"() ({
          %run_scoped3A_189 = tpu.sem_alloc : memref<!tpu.dma_semaphore, #tpu.memory_space<semaphore_mem>>
          %dma_start3A_190 = arith.constant 0 : i32
          %dma_start3A_191 = tpu.memref_slice %arg6[%add3A_148, %dma_start3A_190] : memref<25x80xi32, #tpu.memory_space<vmem>> -> memref<1x80xi32, #tpu.memory_space<vmem>>
          %dma_start3A_192 = tpu.memref_squeeze %dma_start3A_191 : memref<1x80xi32, #tpu.memory_space<vmem>> -> memref<80xi32, #tpu.memory_space<vmem>>
          %dma_start3A_193 = arith.constant 0 : i32
          %dma_start3A_194 = arith.constant 0 : i32
          %dma_start3A_195 = tpu.memref_slice %arg11[%dma_start3A_193, %dma_start3A_194] : memref<10240x128xf32, #tpu.memory_space<vmem_shared>> -> memref<10240x128xf32, #tpu.memory_space<vmem_shared>>
          tpu.enqueue_indirect_dma source(%arg8 : memref<80x128xf32, #tpu.memory_space<vmem>>) target(%dma_start3A_195 : memref<10240x128xf32, #tpu.memory_space<vmem_shared>>) offsets(%dma_start3A_192 : memref<80xi32, #tpu.memory_space<vmem>>) semaphore(%run_scoped3A_189 : memref<!tpu.dma_semaphore, #tpu.memory_space<semaphore_mem>>) {add = true}
          %dma_wait3A_196 = arith.constant 0 : i32
          %dma_wait3A_197 = tpu.memref_slice %arg6[%add3A_148, %dma_wait3A_196] : memref<25x80xi32, #tpu.memory_space<vmem>> -> memref<1x80xi32, #tpu.memory_space<vmem>>
          %dma_wait3A_198 = tpu.memref_squeeze %dma_wait3A_197 : memref<1x80xi32, #tpu.memory_space<vmem>> -> memref<80xi32, #tpu.memory_space<vmem>>
          %dma_wait3A_199 = arith.constant 0 : i32
          %dma_wait3A_200 = arith.constant 0 : i32
          %dma_wait3A_201 = tpu.memref_slice %arg11[%dma_wait3A_199, %dma_wait3A_200] : memref<10240x128xf32, #tpu.memory_space<vmem_shared>> -> memref<10240x128xf32, #tpu.memory_space<vmem_shared>>
          tpu.wait_indirect_dma semaphore(%run_scoped3A_189 : memref<!tpu.dma_semaphore, #tpu.memory_space<semaphore_mem>>) src(%arg8 : memref<80x128xf32, #tpu.memory_space<vmem>>) dst(%dma_wait3A_201 : memref<10240x128xf32, #tpu.memory_space<vmem_shared>>)
          tpu.yield
        }) : () -> ()
        %add3A_149 = arith.constant 5 : i32
        %add3A_150 = arith.addi %mul3A_126, %add3A_149 : i32
        %dma_start3A_151 = arith.constant 0 : i32
        %dma_start3A_152 = tpu.memref_slice %arg5[%add3A_150, %dma_start3A_151] : memref<25x80xi32, #tpu.memory_space<vmem>> -> memref<1x80xi32, #tpu.memory_space<vmem>>
        %dma_start3A_153 = tpu.memref_squeeze %dma_start3A_152 : memref<1x80xi32, #tpu.memory_space<vmem>> -> memref<80xi32, #tpu.memory_space<vmem>>
        %dma_start3A_154 = arith.constant 0 : i32
        %dma_start3A_155 = arith.constant 0 : i32
        %dma_start3A_156 = tpu.memref_slice %arg2[%dma_start3A_154, %dma_start3A_155] : memref<10000x128xf32, #tpu.memory_space<hbm>> -> memref<10000x128xf32, #tpu.memory_space<hbm>>
        tpu.enqueue_indirect_dma source(%dma_start3A_156 : memref<10000x128xf32, #tpu.memory_space<hbm>>) target(%arg8 : memref<80x128xf32, #tpu.memory_space<vmem>>) offsets(%dma_start3A_153 : memref<80xi32, #tpu.memory_space<vmem>>) semaphore(%arg13 : memref<!tpu.dma_semaphore, #tpu.memory_space<semaphore_mem>>)
        %dma_wait3A_157 = arith.constant 0 : i32
        %dma_wait3A_158 = arith.constant 0 : i32
        %dma_wait3A_159 = tpu.memref_slice %arg2[%dma_wait3A_157, %dma_wait3A_158] : memref<10000x128xf32, #tpu.memory_space<hbm>> -> memref<80x128xf32, #tpu.memory_space<hbm>>
        %dma_wait3A_160 = arith.constant 0 : i32
        %dma_wait3A_161 = arith.constant 0 : i32
        %dma_wait3A_162 = tpu.memref_slice %arg2[%dma_wait3A_160, %dma_wait3A_161] : memref<10000x128xf32, #tpu.memory_space<hbm>> -> memref<80x128xf32, #tpu.memory_space<hbm>>
        tpu.wait_dma2 semaphore(%arg14 : memref<!tpu.dma_semaphore, #tpu.memory_space<semaphore_mem>>) src(%dma_wait3A_162 : memref<80x128xf32, #tpu.memory_space<hbm>>) dst(%arg9 : memref<80x128xf32, #tpu.memory_space<vmem>>)
        %add3A_163 = arith.constant 2 : i32
        %add3A_164 = arith.addi %mul3A_126, %add3A_163 : i32
        "tpu.region"() ({
          %run_scoped3A_189 = tpu.sem_alloc : memref<!tpu.dma_semaphore, #tpu.memory_space<semaphore_mem>>
          %dma_start3A_190 = arith.constant 0 : i32
          %dma_start3A_191 = tpu.memref_slice %arg6[%add3A_164, %dma_start3A_190] : memref<25x80xi32, #tpu.memory_space<vmem>> -> memref<1x80xi32, #tpu.memory_space<vmem>>
          %dma_start3A_192 = tpu.memref_squeeze %dma_start3A_191 : memref<1x80xi32, #tpu.memory_space<vmem>> -> memref<80xi32, #tpu.memory_space<vmem>>
          %dma_start3A_193 = arith.constant 0 : i32
          %dma_start3A_194 = arith.constant 0 : i32
          %dma_start3A_195 = tpu.memref_slice %arg11[%dma_start3A_193, %dma_start3A_194] : memref<10240x128xf32, #tpu.memory_space<vmem_shared>> -> memref<10240x128xf32, #tpu.memory_space<vmem_shared>>
          tpu.enqueue_indirect_dma source(%arg9 : memref<80x128xf32, #tpu.memory_space<vmem>>) target(%dma_start3A_195 : memref<10240x128xf32, #tpu.memory_space<vmem_shared>>) offsets(%dma_start3A_192 : memref<80xi32, #tpu.memory_space<vmem>>) semaphore(%run_scoped3A_189 : memref<!tpu.dma_semaphore, #tpu.memory_space<semaphore_mem>>) {add = true}
          %dma_wait3A_196 = arith.constant 0 : i32
          %dma_wait3A_197 = tpu.memref_slice %arg6[%add3A_164, %dma_wait3A_196] : memref<25x80xi32, #tpu.memory_space<vmem>> -> memref<1x80xi32, #tpu.memory_space<vmem>>
          %dma_wait3A_198 = tpu.memref_squeeze %dma_wait3A_197 : memref<1x80xi32, #tpu.memory_space<vmem>> -> memref<80xi32, #tpu.memory_space<vmem>>
          %dma_wait3A_199 = arith.constant 0 : i32
          %dma_wait3A_200 = arith.constant 0 : i32
          %dma_wait3A_201 = tpu.memref_slice %arg11[%dma_wait3A_199, %dma_wait3A_200] : memref<10240x128xf32, #tpu.memory_space<vmem_shared>> -> memref<10240x128xf32, #tpu.memory_space<vmem_shared>>
          tpu.wait_indirect_dma semaphore(%run_scoped3A_189 : memref<!tpu.dma_semaphore, #tpu.memory_space<semaphore_mem>>) src(%arg9 : memref<80x128xf32, #tpu.memory_space<vmem>>) dst(%dma_wait3A_201 : memref<10240x128xf32, #tpu.memory_space<vmem_shared>>)
          tpu.yield
        }) : () -> ()
        %add3A_165 = arith.constant 6 : i32
        %add3A_166 = arith.addi %mul3A_126, %add3A_165 : i32
        %dma_start3A_167 = arith.constant 0 : i32
        %dma_start3A_168 = tpu.memref_slice %arg5[%add3A_166, %dma_start3A_167] : memref<25x80xi32, #tpu.memory_space<vmem>> -> memref<1x80xi32, #tpu.memory_space<vmem>>
        %dma_start3A_169 = tpu.memref_squeeze %dma_start3A_168 : memref<1x80xi32, #tpu.memory_space<vmem>> -> memref<80xi32, #tpu.memory_space<vmem>>
        %dma_start3A_170 = arith.constant 0 : i32
        %dma_start3A_171 = arith.constant 0 : i32
        %dma_start3A_172 = tpu.memref_slice %arg2[%dma_start3A_170, %dma_start3A_171] : memref<10000x128xf32, #tpu.memory_space<hbm>> -> memref<10000x128xf32, #tpu.memory_space<hbm>>
        tpu.enqueue_indirect_dma source(%dma_start3A_172 : memref<10000x128xf32, #tpu.memory_space<hbm>>) target(%arg9 : memref<80x128xf32, #tpu.memory_space<vmem>>) offsets(%dma_start3A_169 : memref<80xi32, #tpu.memory_space<vmem>>) semaphore(%arg14 : memref<!tpu.dma_semaphore, #tpu.memory_space<semaphore_mem>>)
        %dma_wait3A_173 = arith.constant 0 : i32
        %dma_wait3A_174 = arith.constant 0 : i32
        %dma_wait3A_175 = tpu.memref_slice %arg2[%dma_wait3A_173, %dma_wait3A_174] : memref<10000x128xf32, #tpu.memory_space<hbm>> -> memref<80x128xf32, #tpu.memory_space<hbm>>
        %dma_wait3A_176 = arith.constant 0 : i32
        %dma_wait3A_177 = arith.constant 0 : i32
        %dma_wait3A_178 = tpu.memref_slice %arg2[%dma_wait3A_176, %dma_wait3A_177] : memref<10000x128xf32, #tpu.memory_space<hbm>> -> memref<80x128xf32, #tpu.memory_space<hbm>>
        tpu.wait_dma2 semaphore(%arg15 : memref<!tpu.dma_semaphore, #tpu.memory_space<semaphore_mem>>) src(%dma_wait3A_178 : memref<80x128xf32, #tpu.memory_space<hbm>>) dst(%arg10 : memref<80x128xf32, #tpu.memory_space<vmem>>)
        %add3A_179 = arith.constant 3 : i32
        %add3A_180 = arith.addi %mul3A_126, %add3A_179 : i32
        "tpu.region"() ({
          %run_scoped3A_189 = tpu.sem_alloc : memref<!tpu.dma_semaphore, #tpu.memory_space<semaphore_mem>>
          %dma_start3A_190 = arith.constant 0 : i32
          %dma_start3A_191 = tpu.memref_slice %arg6[%add3A_180, %dma_start3A_190] : memref<25x80xi32, #tpu.memory_space<vmem>> -> memref<1x80xi32, #tpu.memory_space<vmem>>
          %dma_start3A_192 = tpu.memref_squeeze %dma_start3A_191 : memref<1x80xi32, #tpu.memory_space<vmem>> -> memref<80xi32, #tpu.memory_space<vmem>>
          %dma_start3A_193 = arith.constant 0 : i32
          %dma_start3A_194 = arith.constant 0 : i32
          %dma_start3A_195 = tpu.memref_slice %arg11[%dma_start3A_193, %dma_start3A_194] : memref<10240x128xf32, #tpu.memory_space<vmem_shared>> -> memref<10240x128xf32, #tpu.memory_space<vmem_shared>>
          tpu.enqueue_indirect_dma source(%arg10 : memref<80x128xf32, #tpu.memory_space<vmem>>) target(%dma_start3A_195 : memref<10240x128xf32, #tpu.memory_space<vmem_shared>>) offsets(%dma_start3A_192 : memref<80xi32, #tpu.memory_space<vmem>>) semaphore(%run_scoped3A_189 : memref<!tpu.dma_semaphore, #tpu.memory_space<semaphore_mem>>) {add = true}
          %dma_wait3A_196 = arith.constant 0 : i32
          %dma_wait3A_197 = tpu.memref_slice %arg6[%add3A_180, %dma_wait3A_196] : memref<25x80xi32, #tpu.memory_space<vmem>> -> memref<1x80xi32, #tpu.memory_space<vmem>>
          %dma_wait3A_198 = tpu.memref_squeeze %dma_wait3A_197 : memref<1x80xi32, #tpu.memory_space<vmem>> -> memref<80xi32, #tpu.memory_space<vmem>>
          %dma_wait3A_199 = arith.constant 0 : i32
          %dma_wait3A_200 = arith.constant 0 : i32
          %dma_wait3A_201 = tpu.memref_slice %arg11[%dma_wait3A_199, %dma_wait3A_200] : memref<10240x128xf32, #tpu.memory_space<vmem_shared>> -> memref<10240x128xf32, #tpu.memory_space<vmem_shared>>
          tpu.wait_indirect_dma semaphore(%run_scoped3A_189 : memref<!tpu.dma_semaphore, #tpu.memory_space<semaphore_mem>>) src(%arg10 : memref<80x128xf32, #tpu.memory_space<vmem>>) dst(%dma_wait3A_201 : memref<10240x128xf32, #tpu.memory_space<vmem_shared>>)
          tpu.yield
        }) : () -> ()
        %add3A_181 = arith.constant 7 : i32
        %add3A_182 = arith.addi %mul3A_126, %add3A_181 : i32
        %dma_start3A_183 = arith.constant 0 : i32
        %dma_start3A_184 = tpu.memref_slice %arg5[%add3A_182, %dma_start3A_183] : memref<25x80xi32, #tpu.memory_space<vmem>> -> memref<1x80xi32, #tpu.memory_space<vmem>>
        %dma_start3A_185 = tpu.memref_squeeze %dma_start3A_184 : memref<1x80xi32, #tpu.memory_space<vmem>> -> memref<80xi32, #tpu.memory_space<vmem>>
        %dma_start3A_186 = arith.constant 0 : i32
        %dma_start3A_187 = arith.constant 0 : i32
        %dma_start3A_188 = tpu.memref_slice %arg2[%dma_start3A_186, %dma_start3A_187] : memref<10000x128xf32, #tpu.memory_space<hbm>> -> memref<10000x128xf32, #tpu.memory_space<hbm>>
        tpu.enqueue_indirect_dma source(%dma_start3A_188 : memref<10000x128xf32, #tpu.memory_space<hbm>>) target(%arg10 : memref<80x128xf32, #tpu.memory_space<vmem>>) offsets(%dma_start3A_185 : memref<80xi32, #tpu.memory_space<vmem>>) semaphore(%arg15 : memref<!tpu.dma_semaphore, #tpu.memory_space<semaphore_mem>>)
      }
      %scan3A_82 = arith.constant 5 : i32
      %dma_wait3A = arith.constant 0 : i32
      %dma_wait3A_83 = arith.constant 0 : i32
      %dma_wait3A_84 = tpu.memref_slice %arg2[%dma_wait3A, %dma_wait3A_83] : memref<10000x128xf32, #tpu.memory_space<hbm>> -> memref<80x128xf32, #tpu.memory_space<hbm>>
      %dma_wait3A_85 = arith.constant 0 : i32
      %dma_wait3A_86 = arith.constant 0 : i32
      %dma_wait3A_87 = tpu.memref_slice %arg2[%dma_wait3A_85, %dma_wait3A_86] : memref<10000x128xf32, #tpu.memory_space<hbm>> -> memref<80x128xf32, #tpu.memory_space<hbm>>
      tpu.wait_dma2 semaphore(%arg12 : memref<!tpu.dma_semaphore, #tpu.memory_space<semaphore_mem>>) src(%dma_wait3A_87 : memref<80x128xf32, #tpu.memory_space<hbm>>) dst(%arg7 : memref<80x128xf32, #tpu.memory_space<vmem>>)
      %run_scoped3A_88 = arith.constant 20 : i32
      "tpu.region"() ({
        %run_scoped3A_124 = tpu.sem_alloc : memref<!tpu.dma_semaphore, #tpu.memory_space<semaphore_mem>>
        %dma_start3A_125 = arith.constant 0 : i32
        %dma_start3A_126 = tpu.memref_slice %arg6[%run_scoped3A_88, %dma_start3A_125] : memref<25x80xi32, #tpu.memory_space<vmem>> -> memref<1x80xi32, #tpu.memory_space<vmem>>
        %dma_start3A_127 = tpu.memref_squeeze %dma_start3A_126 : memref<1x80xi32, #tpu.memory_space<vmem>> -> memref<80xi32, #tpu.memory_space<vmem>>
        %dma_start3A_128 = arith.constant 0 : i32
        %dma_start3A_129 = arith.constant 0 : i32
        %dma_start3A_130 = tpu.memref_slice %arg11[%dma_start3A_128, %dma_start3A_129] : memref<10240x128xf32, #tpu.memory_space<vmem_shared>> -> memref<10240x128xf32, #tpu.memory_space<vmem_shared>>
        tpu.enqueue_indirect_dma source(%arg7 : memref<80x128xf32, #tpu.memory_space<vmem>>) target(%dma_start3A_130 : memref<10240x128xf32, #tpu.memory_space<vmem_shared>>) offsets(%dma_start3A_127 : memref<80xi32, #tpu.memory_space<vmem>>) semaphore(%run_scoped3A_124 : memref<!tpu.dma_semaphore, #tpu.memory_space<semaphore_mem>>) {add = true}
        %dma_wait3A_131 = arith.constant 0 : i32
        %dma_wait3A_132 = tpu.memref_slice %arg6[%run_scoped3A_88, %dma_wait3A_131] : memref<25x80xi32, #tpu.memory_space<vmem>> -> memref<1x80xi32, #tpu.memory_space<vmem>>
        %dma_wait3A_133 = tpu.memref_squeeze %dma_wait3A_132 : memref<1x80xi32, #tpu.memory_space<vmem>> -> memref<80xi32, #tpu.memory_space<vmem>>
        %dma_wait3A_134 = arith.constant 0 : i32
        %dma_wait3A_135 = arith.constant 0 : i32
        %dma_wait3A_136 = tpu.memref_slice %arg11[%dma_wait3A_134, %dma_wait3A_135] : memref<10240x128xf32, #tpu.memory_space<vmem_shared>> -> memref<10240x128xf32, #tpu.memory_space<vmem_shared>>
        tpu.wait_indirect_dma semaphore(%run_scoped3A_124 : memref<!tpu.dma_semaphore, #tpu.memory_space<semaphore_mem>>) src(%arg7 : memref<80x128xf32, #tpu.memory_space<vmem>>) dst(%dma_wait3A_136 : memref<10240x128xf32, #tpu.memory_space<vmem_shared>>)
        tpu.yield
      }) : () -> ()
      %dma_start3A_89 = arith.constant 24 : i32
      %dma_start3A_90 = arith.constant 0 : i32
      %dma_start3A_91 = tpu.memref_slice %arg5[%dma_start3A_89, %dma_start3A_90] : memref<25x80xi32, #tpu.memory_space<vmem>> -> memref<1x80xi32, #tpu.memory_space<vmem>>
      %dma_start3A_92 = tpu.memref_squeeze %dma_start3A_91 : memref<1x80xi32, #tpu.memory_space<vmem>> -> memref<80xi32, #tpu.memory_space<vmem>>
      %dma_start3A_93 = arith.constant 0 : i32
      %dma_start3A_94 = arith.constant 0 : i32
      %dma_start3A_95 = tpu.memref_slice %arg2[%dma_start3A_93, %dma_start3A_94] : memref<10000x128xf32, #tpu.memory_space<hbm>> -> memref<10000x128xf32, #tpu.memory_space<hbm>>
      tpu.enqueue_indirect_dma source(%dma_start3A_95 : memref<10000x128xf32, #tpu.memory_space<hbm>>) target(%arg7 : memref<80x128xf32, #tpu.memory_space<vmem>>) offsets(%dma_start3A_92 : memref<80xi32, #tpu.memory_space<vmem>>) semaphore(%arg12 : memref<!tpu.dma_semaphore, #tpu.memory_space<semaphore_mem>>)
      %dma_wait3A_96 = arith.constant 0 : i32
      %dma_wait3A_97 = arith.constant 0 : i32
      %dma_wait3A_98 = tpu.memref_slice %arg2[%dma_wait3A_96, %dma_wait3A_97] : memref<10000x128xf32, #tpu.memory_space<hbm>> -> memref<80x128xf32, #tpu.memory_space<hbm>>
      %dma_wait3A_99 = arith.constant 0 : i32
      %dma_wait3A_100 = arith.constant 0 : i32
      %dma_wait3A_101 = tpu.memref_slice %arg2[%dma_wait3A_99, %dma_wait3A_100] : memref<10000x128xf32, #tpu.memory_space<hbm>> -> memref<80x128xf32, #tpu.memory_space<hbm>>
      tpu.wait_dma2 semaphore(%arg13 : memref<!tpu.dma_semaphore, #tpu.memory_space<semaphore_mem>>) src(%dma_wait3A_101 : memref<80x128xf32, #tpu.memory_space<hbm>>) dst(%arg8 : memref<80x128xf32, #tpu.memory_space<vmem>>)
      %run_scoped3A_102 = arith.constant 21 : i32
      "tpu.region"() ({
        %run_scoped3A_124 = tpu.sem_alloc : memref<!tpu.dma_semaphore, #tpu.memory_space<semaphore_mem>>
        %dma_start3A_125 = arith.constant 0 : i32
        %dma_start3A_126 = tpu.memref_slice %arg6[%run_scoped3A_102, %dma_start3A_125] : memref<25x80xi32, #tpu.memory_space<vmem>> -> memref<1x80xi32, #tpu.memory_space<vmem>>
        %dma_start3A_127 = tpu.memref_squeeze %dma_start3A_126 : memref<1x80xi32, #tpu.memory_space<vmem>> -> memref<80xi32, #tpu.memory_space<vmem>>
        %dma_start3A_128 = arith.constant 0 : i32
        %dma_start3A_129 = arith.constant 0 : i32
        %dma_start3A_130 = tpu.memref_slice %arg11[%dma_start3A_128, %dma_start3A_129] : memref<10240x128xf32, #tpu.memory_space<vmem_shared>> -> memref<10240x128xf32, #tpu.memory_space<vmem_shared>>
        tpu.enqueue_indirect_dma source(%arg8 : memref<80x128xf32, #tpu.memory_space<vmem>>) target(%dma_start3A_130 : memref<10240x128xf32, #tpu.memory_space<vmem_shared>>) offsets(%dma_start3A_127 : memref<80xi32, #tpu.memory_space<vmem>>) semaphore(%run_scoped3A_124 : memref<!tpu.dma_semaphore, #tpu.memory_space<semaphore_mem>>) {add = true}
        %dma_wait3A_131 = arith.constant 0 : i32
        %dma_wait3A_132 = tpu.memref_slice %arg6[%run_scoped3A_102, %dma_wait3A_131] : memref<25x80xi32, #tpu.memory_space<vmem>> -> memref<1x80xi32, #tpu.memory_space<vmem>>
        %dma_wait3A_133 = tpu.memref_squeeze %dma_wait3A_132 : memref<1x80xi32, #tpu.memory_space<vmem>> -> memref<80xi32, #tpu.memory_space<vmem>>
        %dma_wait3A_134 = arith.constant 0 : i32
        %dma_wait3A_135 = arith.constant 0 : i32
        %dma_wait3A_136 = tpu.memref_slice %arg11[%dma_wait3A_134, %dma_wait3A_135] : memref<10240x128xf32, #tpu.memory_space<vmem_shared>> -> memref<10240x128xf32, #tpu.memory_space<vmem_shared>>
        tpu.wait_indirect_dma semaphore(%run_scoped3A_124 : memref<!tpu.dma_semaphore, #tpu.memory_space<semaphore_mem>>) src(%arg8 : memref<80x128xf32, #tpu.memory_space<vmem>>) dst(%dma_wait3A_136 : memref<10240x128xf32, #tpu.memory_space<vmem_shared>>)
        tpu.yield
      }) : () -> ()
      %dma_wait3A_103 = arith.constant 0 : i32
      %dma_wait3A_104 = arith.constant 0 : i32
      %dma_wait3A_105 = tpu.memref_slice %arg2[%dma_wait3A_103, %dma_wait3A_104] : memref<10000x128xf32, #tpu.memory_space<hbm>> -> memref<80x128xf32, #tpu.memory_space<hbm>>
      %dma_wait3A_106 = arith.constant 0 : i32
      %dma_wait3A_107 = arith.constant 0 : i32
      %dma_wait3A_108 = tpu.memref_slice %arg2[%dma_wait3A_106, %dma_wait3A_107] : memref<10000x128xf32, #tpu.memory_space<hbm>> -> memref<80x128xf32, #tpu.memory_space<hbm>>
      tpu.wait_dma2 semaphore(%arg14 : memref<!tpu.dma_semaphore, #tpu.memory_space<semaphore_mem>>) src(%dma_wait3A_108 : memref<80x128xf32, #tpu.memory_space<hbm>>) dst(%arg9 : memref<80x128xf32, #tpu.memory_space<vmem>>)
      %run_scoped3A_109 = arith.constant 22 : i32
      "tpu.region"() ({
        %run_scoped3A_124 = tpu.sem_alloc : memref<!tpu.dma_semaphore, #tpu.memory_space<semaphore_mem>>
        %dma_start3A_125 = arith.constant 0 : i32
        %dma_start3A_126 = tpu.memref_slice %arg6[%run_scoped3A_109, %dma_start3A_125] : memref<25x80xi32, #tpu.memory_space<vmem>> -> memref<1x80xi32, #tpu.memory_space<vmem>>
        %dma_start3A_127 = tpu.memref_squeeze %dma_start3A_126 : memref<1x80xi32, #tpu.memory_space<vmem>> -> memref<80xi32, #tpu.memory_space<vmem>>
        %dma_start3A_128 = arith.constant 0 : i32
        %dma_start3A_129 = arith.constant 0 : i32
        %dma_start3A_130 = tpu.memref_slice %arg11[%dma_start3A_128, %dma_start3A_129] : memref<10240x128xf32, #tpu.memory_space<vmem_shared>> -> memref<10240x128xf32, #tpu.memory_space<vmem_shared>>
        tpu.enqueue_indirect_dma source(%arg9 : memref<80x128xf32, #tpu.memory_space<vmem>>) target(%dma_start3A_130 : memref<10240x128xf32, #tpu.memory_space<vmem_shared>>) offsets(%dma_start3A_127 : memref<80xi32, #tpu.memory_space<vmem>>) semaphore(%run_scoped3A_124 : memref<!tpu.dma_semaphore, #tpu.memory_space<semaphore_mem>>) {add = true}
        %dma_wait3A_131 = arith.constant 0 : i32
        %dma_wait3A_132 = tpu.memref_slice %arg6[%run_scoped3A_109, %dma_wait3A_131] : memref<25x80xi32, #tpu.memory_space<vmem>> -> memref<1x80xi32, #tpu.memory_space<vmem>>
        %dma_wait3A_133 = tpu.memref_squeeze %dma_wait3A_132 : memref<1x80xi32, #tpu.memory_space<vmem>> -> memref<80xi32, #tpu.memory_space<vmem>>
        %dma_wait3A_134 = arith.constant 0 : i32
        %dma_wait3A_135 = arith.constant 0 : i32
        %dma_wait3A_136 = tpu.memref_slice %arg11[%dma_wait3A_134, %dma_wait3A_135] : memref<10240x128xf32, #tpu.memory_space<vmem_shared>> -> memref<10240x128xf32, #tpu.memory_space<vmem_shared>>
        tpu.wait_indirect_dma semaphore(%run_scoped3A_124 : memref<!tpu.dma_semaphore, #tpu.memory_space<semaphore_mem>>) src(%arg9 : memref<80x128xf32, #tpu.memory_space<vmem>>) dst(%dma_wait3A_136 : memref<10240x128xf32, #tpu.memory_space<vmem_shared>>)
        tpu.yield
      }) : () -> ()
      %dma_wait3A_110 = arith.constant 0 : i32
      %dma_wait3A_111 = arith.constant 0 : i32
      %dma_wait3A_112 = tpu.memref_slice %arg2[%dma_wait3A_110, %dma_wait3A_111] : memref<10000x128xf32, #tpu.memory_space<hbm>> -> memref<80x128xf32, #tpu.memory_space<hbm>>
      %dma_wait3A_113 = arith.constant 0 : i32
      %dma_wait3A_114 = arith.constant 0 : i32
      %dma_wait3A_115 = tpu.memref_slice %arg2[%dma_wait3A_113, %dma_wait3A_114] : memref<10000x128xf32, #tpu.memory_space<hbm>> -> memref<80x128xf32, #tpu.memory_space<hbm>>
      tpu.wait_dma2 semaphore(%arg15 : memref<!tpu.dma_semaphore, #tpu.memory_space<semaphore_mem>>) src(%dma_wait3A_115 : memref<80x128xf32, #tpu.memory_space<hbm>>) dst(%arg10 : memref<80x128xf32, #tpu.memory_space<vmem>>)
      %run_scoped3A_116 = arith.constant 23 : i32
      "tpu.region"() ({
        %run_scoped3A_124 = tpu.sem_alloc : memref<!tpu.dma_semaphore, #tpu.memory_space<semaphore_mem>>
        %dma_start3A_125 = arith.constant 0 : i32
        %dma_start3A_126 = tpu.memref_slice %arg6[%run_scoped3A_116, %dma_start3A_125] : memref<25x80xi32, #tpu.memory_space<vmem>> -> memref<1x80xi32, #tpu.memory_space<vmem>>
        %dma_start3A_127 = tpu.memref_squeeze %dma_start3A_126 : memref<1x80xi32, #tpu.memory_space<vmem>> -> memref<80xi32, #tpu.memory_space<vmem>>
        %dma_start3A_128 = arith.constant 0 : i32
        %dma_start3A_129 = arith.constant 0 : i32
        %dma_start3A_130 = tpu.memref_slice %arg11[%dma_start3A_128, %dma_start3A_129] : memref<10240x128xf32, #tpu.memory_space<vmem_shared>> -> memref<10240x128xf32, #tpu.memory_space<vmem_shared>>
        tpu.enqueue_indirect_dma source(%arg10 : memref<80x128xf32, #tpu.memory_space<vmem>>) target(%dma_start3A_130 : memref<10240x128xf32, #tpu.memory_space<vmem_shared>>) offsets(%dma_start3A_127 : memref<80xi32, #tpu.memory_space<vmem>>) semaphore(%run_scoped3A_124 : memref<!tpu.dma_semaphore, #tpu.memory_space<semaphore_mem>>) {add = true}
        %dma_wait3A_131 = arith.constant 0 : i32
        %dma_wait3A_132 = tpu.memref_slice %arg6[%run_scoped3A_116, %dma_wait3A_131] : memref<25x80xi32, #tpu.memory_space<vmem>> -> memref<1x80xi32, #tpu.memory_space<vmem>>
        %dma_wait3A_133 = tpu.memref_squeeze %dma_wait3A_132 : memref<1x80xi32, #tpu.memory_space<vmem>> -> memref<80xi32, #tpu.memory_space<vmem>>
        %dma_wait3A_134 = arith.constant 0 : i32
        %dma_wait3A_135 = arith.constant 0 : i32
        %dma_wait3A_136 = tpu.memref_slice %arg11[%dma_wait3A_134, %dma_wait3A_135] : memref<10240x128xf32, #tpu.memory_space<vmem_shared>> -> memref<10240x128xf32, #tpu.memory_space<vmem_shared>>
        tpu.wait_indirect_dma semaphore(%run_scoped3A_124 : memref<!tpu.dma_semaphore, #tpu.memory_space<semaphore_mem>>) src(%arg10 : memref<80x128xf32, #tpu.memory_space<vmem>>) dst(%dma_wait3A_136 : memref<10240x128xf32, #tpu.memory_space<vmem_shared>>)
        tpu.yield
      }) : () -> ()
      %dma_wait3A_117 = arith.constant 0 : i32
      %dma_wait3A_118 = arith.constant 0 : i32
      %dma_wait3A_119 = tpu.memref_slice %arg2[%dma_wait3A_117, %dma_wait3A_118] : memref<10000x128xf32, #tpu.memory_space<hbm>> -> memref<80x128xf32, #tpu.memory_space<hbm>>
      %dma_wait3A_120 = arith.constant 0 : i32
      %dma_wait3A_121 = arith.constant 0 : i32
      %dma_wait3A_122 = tpu.memref_slice %arg2[%dma_wait3A_120, %dma_wait3A_121] : memref<10000x128xf32, #tpu.memory_space<hbm>> -> memref<80x128xf32, #tpu.memory_space<hbm>>
      tpu.wait_dma2 semaphore(%arg12 : memref<!tpu.dma_semaphore, #tpu.memory_space<semaphore_mem>>) src(%dma_wait3A_122 : memref<80x128xf32, #tpu.memory_space<hbm>>) dst(%arg7 : memref<80x128xf32, #tpu.memory_space<vmem>>)
      %run_scoped3A_123 = arith.constant 24 : i32
      "tpu.region"() ({
        %run_scoped3A_124 = tpu.sem_alloc : memref<!tpu.dma_semaphore, #tpu.memory_space<semaphore_mem>>
        %dma_start3A_125 = arith.constant 0 : i32
        %dma_start3A_126 = tpu.memref_slice %arg6[%run_scoped3A_123, %dma_start3A_125] : memref<25x80xi32, #tpu.memory_space<vmem>> -> memref<1x80xi32, #tpu.memory_space<vmem>>
        %dma_start3A_127 = tpu.memref_squeeze %dma_start3A_126 : memref<1x80xi32, #tpu.memory_space<vmem>> -> memref<80xi32, #tpu.memory_space<vmem>>
        %dma_start3A_128 = arith.constant 0 : i32
        %dma_start3A_129 = arith.constant 0 : i32
        %dma_start3A_130 = tpu.memref_slice %arg11[%dma_start3A_128, %dma_start3A_129] : memref<10240x128xf32, #tpu.memory_space<vmem_shared>> -> memref<10240x128xf32, #tpu.memory_space<vmem_shared>>
        tpu.enqueue_indirect_dma source(%arg7 : memref<80x128xf32, #tpu.memory_space<vmem>>) target(%dma_start3A_130 : memref<10240x128xf32, #tpu.memory_space<vmem_shared>>) offsets(%dma_start3A_127 : memref<80xi32, #tpu.memory_space<vmem>>) semaphore(%run_scoped3A_124 : memref<!tpu.dma_semaphore, #tpu.memory_space<semaphore_mem>>) {add = true}
        %dma_wait3A_131 = arith.constant 0 : i32
        %dma_wait3A_132 = tpu.memref_slice %arg6[%run_scoped3A_123, %dma_wait3A_131] : memref<25x80xi32, #tpu.memory_space<vmem>> -> memref<1x80xi32, #tpu.memory_space<vmem>>
        %dma_wait3A_133 = tpu.memref_squeeze %dma_wait3A_132 : memref<1x80xi32, #tpu.memory_space<vmem>> -> memref<80xi32, #tpu.memory_space<vmem>>
        %dma_wait3A_134 = arith.constant 0 : i32
        %dma_wait3A_135 = arith.constant 0 : i32
        %dma_wait3A_136 = tpu.memref_slice %arg11[%dma_wait3A_134, %dma_wait3A_135] : memref<10240x128xf32, #tpu.memory_space<vmem_shared>> -> memref<10240x128xf32, #tpu.memory_space<vmem_shared>>
        tpu.wait_indirect_dma semaphore(%run_scoped3A_124 : memref<!tpu.dma_semaphore, #tpu.memory_space<semaphore_mem>>) src(%arg7 : memref<80x128xf32, #tpu.memory_space<vmem>>) dst(%dma_wait3A_136 : memref<10240x128xf32, #tpu.memory_space<vmem_shared>>)
        tpu.yield
      }) : () -> ()
    }
    %scan3A_30 = arith.constant 5 : i32
    %barrier3A_31 = arith.constant 0 : index
    tpu.barrier barrier_id(%barrier3A_31)
    %add3A_32 = arith.constant 0 : i32
    %add3A_33 = arith.addi %mul3A_8, %add3A_32 : i32
    "tpu.region"() ({
      %run_scoped3A = tpu.sem_alloc : memref<!tpu.dma_semaphore, #tpu.memory_space<semaphore_mem>>
      %dma_start3A = arith.constant 0 : i32
      %dma_start3A_48 = tpu.memref_slice %arg11[%add3A_33, %dma_start3A] : memref<10240x128xf32, #tpu.memory_space<vmem_shared>> -> memref<80x128xf32, #tpu.memory_space<vmem_shared>>
      %dma_start3A_49 = arith.constant 0 : i32
      %dma_start3A_50 = tpu.memref_slice %arg11[%add3A_33, %dma_start3A_49] : memref<10240x128xf32, #tpu.memory_space<vmem_shared>> -> memref<80x128xf32, #tpu.memory_space<vmem_shared>>
      tpu.enqueue_dma source(%dma_start3A_50 : memref<80x128xf32, #tpu.memory_space<vmem_shared>>) target(%arg7 : memref<80x128xf32, #tpu.memory_space<vmem>>) target_semaphore(%run_scoped3A : memref<!tpu.dma_semaphore, #tpu.memory_space<semaphore_mem>>)
      %dma_wait3A = arith.constant 0 : i32
      %dma_wait3A_51 = tpu.memref_slice %arg11[%add3A_33, %dma_wait3A] : memref<10240x128xf32, #tpu.memory_space<vmem_shared>> -> memref<80x128xf32, #tpu.memory_space<vmem_shared>>
      %dma_wait3A_52 = arith.constant 0 : i32
      %dma_wait3A_53 = tpu.memref_slice %arg11[%add3A_33, %dma_wait3A_52] : memref<10240x128xf32, #tpu.memory_space<vmem_shared>> -> memref<80x128xf32, #tpu.memory_space<vmem_shared>>
      tpu.wait_dma2 semaphore(%run_scoped3A : memref<!tpu.dma_semaphore, #tpu.memory_space<semaphore_mem>>) src(%dma_wait3A_53 : memref<80x128xf32, #tpu.memory_space<vmem_shared>>) dst(%arg7 : memref<80x128xf32, #tpu.memory_space<vmem>>)
      tpu.yield
    }) : () -> ()
    "tpu.region"() ({
      %run_scoped3A = tpu.sem_alloc : memref<!tpu.dma_semaphore, #tpu.memory_space<semaphore_mem>>
      %dma_start3A = arith.constant 0 : i32
      %dma_start3A_48 = tpu.memref_slice %arg4[%arg0, %add3A_33, %dma_start3A] : memref<2x10240x128xf32, #tpu.memory_space<hbm>> -> memref<1x80x128xf32, #tpu.memory_space<hbm>>
      %dma_start3A_49 = tpu.memref_squeeze %dma_start3A_48 : memref<1x80x128xf32, #tpu.memory_space<hbm>> -> memref<80x128xf32, #tpu.memory_space<hbm>>
      %dma_start3A_50 = arith.constant 0 : i32
      %dma_start3A_51 = tpu.memref_slice %arg4[%arg0, %add3A_33, %dma_start3A_50] : memref<2x10240x128xf32, #tpu.memory_space<hbm>> -> memref<1x80x128xf32, #tpu.memory_space<hbm>>
      %dma_start3A_52 = tpu.memref_squeeze %dma_start3A_51 : memref<1x80x128xf32, #tpu.memory_space<hbm>> -> memref<80x128xf32, #tpu.memory_space<hbm>>
      tpu.enqueue_dma source(%arg7 : memref<80x128xf32, #tpu.memory_space<vmem>>) target(%dma_start3A_52 : memref<80x128xf32, #tpu.memory_space<hbm>>) target_semaphore(%run_scoped3A : memref<!tpu.dma_semaphore, #tpu.memory_space<semaphore_mem>>)
      %dma_wait3A = arith.constant 0 : i32
      %dma_wait3A_53 = tpu.memref_slice %arg4[%arg0, %add3A_33, %dma_wait3A] : memref<2x10240x128xf32, #tpu.memory_space<hbm>> -> memref<1x80x128xf32, #tpu.memory_space<hbm>>
      %dma_wait3A_54 = tpu.memref_squeeze %dma_wait3A_53 : memref<1x80x128xf32, #tpu.memory_space<hbm>> -> memref<80x128xf32, #tpu.memory_space<hbm>>
      %dma_wait3A_55 = arith.constant 0 : i32
      %dma_wait3A_56 = tpu.memref_slice %arg4[%arg0, %add3A_33, %dma_wait3A_55] : memref<2x10240x128xf32, #tpu.memory_space<hbm>> -> memref<1x80x128xf32, #tpu.memory_space<hbm>>
      %dma_wait3A_57 = tpu.memref_squeeze %dma_wait3A_56 : memref<1x80x128xf32, #tpu.memory_space<hbm>> -> memref<80x128xf32, #tpu.memory_space<hbm>>
      tpu.wait_dma2 semaphore(%run_scoped3A : memref<!tpu.dma_semaphore, #tpu.memory_space<semaphore_mem>>) src(%arg7 : memref<80x128xf32, #tpu.memory_space<vmem>>) dst(%dma_wait3A_57 : memref<80x128xf32, #tpu.memory_space<hbm>>)
      tpu.yield
    }) : () -> ()
    %add3A_34 = arith.constant 80 : i32
    %add3A_35 = arith.addi %mul3A_8, %add3A_34 : i32
    "tpu.region"() ({
      %run_scoped3A = tpu.sem_alloc : memref<!tpu.dma_semaphore, #tpu.memory_space<semaphore_mem>>
      %dma_start3A = arith.constant 0 : i32
      %dma_start3A_48 = tpu.memref_slice %arg11[%add3A_35, %dma_start3A] : memref<10240x128xf32, #tpu.memory_space<vmem_shared>> -> memref<80x128xf32, #tpu.memory_space<vmem_shared>>
      %dma_start3A_49 = arith.constant 0 : i32
      %dma_start3A_50 = tpu.memref_slice %arg11[%add3A_35, %dma_start3A_49] : memref<10240x128xf32, #tpu.memory_space<vmem_shared>> -> memref<80x128xf32, #tpu.memory_space<vmem_shared>>
      tpu.enqueue_dma source(%dma_start3A_50 : memref<80x128xf32, #tpu.memory_space<vmem_shared>>) target(%arg7 : memref<80x128xf32, #tpu.memory_space<vmem>>) target_semaphore(%run_scoped3A : memref<!tpu.dma_semaphore, #tpu.memory_space<semaphore_mem>>)
      %dma_wait3A = arith.constant 0 : i32
      %dma_wait3A_51 = tpu.memref_slice %arg11[%add3A_35, %dma_wait3A] : memref<10240x128xf32, #tpu.memory_space<vmem_shared>> -> memref<80x128xf32, #tpu.memory_space<vmem_shared>>
      %dma_wait3A_52 = arith.constant 0 : i32
      %dma_wait3A_53 = tpu.memref_slice %arg11[%add3A_35, %dma_wait3A_52] : memref<10240x128xf32, #tpu.memory_space<vmem_shared>> -> memref<80x128xf32, #tpu.memory_space<vmem_shared>>
      tpu.wait_dma2 semaphore(%run_scoped3A : memref<!tpu.dma_semaphore, #tpu.memory_space<semaphore_mem>>) src(%dma_wait3A_53 : memref<80x128xf32, #tpu.memory_space<vmem_shared>>) dst(%arg7 : memref<80x128xf32, #tpu.memory_space<vmem>>)
      tpu.yield
    }) : () -> ()
    "tpu.region"() ({
      %run_scoped3A = tpu.sem_alloc : memref<!tpu.dma_semaphore, #tpu.memory_space<semaphore_mem>>
      %dma_start3A = arith.constant 0 : i32
      %dma_start3A_48 = tpu.memref_slice %arg4[%arg0, %add3A_35, %dma_start3A] : memref<2x10240x128xf32, #tpu.memory_space<hbm>> -> memref<1x80x128xf32, #tpu.memory_space<hbm>>
      %dma_start3A_49 = tpu.memref_squeeze %dma_start3A_48 : memref<1x80x128xf32, #tpu.memory_space<hbm>> -> memref<80x128xf32, #tpu.memory_space<hbm>>
      %dma_start3A_50 = arith.constant 0 : i32
      %dma_start3A_51 = tpu.memref_slice %arg4[%arg0, %add3A_35, %dma_start3A_50] : memref<2x10240x128xf32, #tpu.memory_space<hbm>> -> memref<1x80x128xf32, #tpu.memory_space<hbm>>
      %dma_start3A_52 = tpu.memref_squeeze %dma_start3A_51 : memref<1x80x128xf32, #tpu.memory_space<hbm>> -> memref<80x128xf32, #tpu.memory_space<hbm>>
      tpu.enqueue_dma source(%arg7 : memref<80x128xf32, #tpu.memory_space<vmem>>) target(%dma_start3A_52 : memref<80x128xf32, #tpu.memory_space<hbm>>) target_semaphore(%run_scoped3A : memref<!tpu.dma_semaphore, #tpu.memory_space<semaphore_mem>>)
      %dma_wait3A = arith.constant 0 : i32
      %dma_wait3A_53 = tpu.memref_slice %arg4[%arg0, %add3A_35, %dma_wait3A] : memref<2x10240x128xf32, #tpu.memory_space<hbm>> -> memref<1x80x128xf32, #tpu.memory_space<hbm>>
      %dma_wait3A_54 = tpu.memref_squeeze %dma_wait3A_53 : memref<1x80x128xf32, #tpu.memory_space<hbm>> -> memref<80x128xf32, #tpu.memory_space<hbm>>
      %dma_wait3A_55 = arith.constant 0 : i32
      %dma_wait3A_56 = tpu.memref_slice %arg4[%arg0, %add3A_35, %dma_wait3A_55] : memref<2x10240x128xf32, #tpu.memory_space<hbm>> -> memref<1x80x128xf32, #tpu.memory_space<hbm>>
      %dma_wait3A_57 = tpu.memref_squeeze %dma_wait3A_56 : memref<1x80x128xf32, #tpu.memory_space<hbm>> -> memref<80x128xf32, #tpu.memory_space<hbm>>
      tpu.wait_dma2 semaphore(%run_scoped3A : memref<!tpu.dma_semaphore, #tpu.memory_space<semaphore_mem>>) src(%arg7 : memref<80x128xf32, #tpu.memory_space<vmem>>) dst(%dma_wait3A_57 : memref<80x128xf32, #tpu.memory_space<hbm>>)
      tpu.yield
    }) : () -> ()
    %add3A_36 = arith.constant 160 : i32
    %add3A_37 = arith.addi %mul3A_8, %add3A_36 : i32
    "tpu.region"() ({
      %run_scoped3A = tpu.sem_alloc : memref<!tpu.dma_semaphore, #tpu.memory_space<semaphore_mem>>
      %dma_start3A = arith.constant 0 : i32
      %dma_start3A_48 = tpu.memref_slice %arg11[%add3A_37, %dma_start3A] : memref<10240x128xf32, #tpu.memory_space<vmem_shared>> -> memref<80x128xf32, #tpu.memory_space<vmem_shared>>
      %dma_start3A_49 = arith.constant 0 : i32
      %dma_start3A_50 = tpu.memref_slice %arg11[%add3A_37, %dma_start3A_49] : memref<10240x128xf32, #tpu.memory_space<vmem_shared>> -> memref<80x128xf32, #tpu.memory_space<vmem_shared>>
      tpu.enqueue_dma source(%dma_start3A_50 : memref<80x128xf32, #tpu.memory_space<vmem_shared>>) target(%arg7 : memref<80x128xf32, #tpu.memory_space<vmem>>) target_semaphore(%run_scoped3A : memref<!tpu.dma_semaphore, #tpu.memory_space<semaphore_mem>>)
      %dma_wait3A = arith.constant 0 : i32
      %dma_wait3A_51 = tpu.memref_slice %arg11[%add3A_37, %dma_wait3A] : memref<10240x128xf32, #tpu.memory_space<vmem_shared>> -> memref<80x128xf32, #tpu.memory_space<vmem_shared>>
      %dma_wait3A_52 = arith.constant 0 : i32
      %dma_wait3A_53 = tpu.memref_slice %arg11[%add3A_37, %dma_wait3A_52] : memref<10240x128xf32, #tpu.memory_space<vmem_shared>> -> memref<80x128xf32, #tpu.memory_space<vmem_shared>>
      tpu.wait_dma2 semaphore(%run_scoped3A : memref<!tpu.dma_semaphore, #tpu.memory_space<semaphore_mem>>) src(%dma_wait3A_53 : memref<80x128xf32, #tpu.memory_space<vmem_shared>>) dst(%arg7 : memref<80x128xf32, #tpu.memory_space<vmem>>)
      tpu.yield
    }) : () -> ()
    "tpu.region"() ({
      %run_scoped3A = tpu.sem_alloc : memref<!tpu.dma_semaphore, #tpu.memory_space<semaphore_mem>>
      %dma_start3A = arith.constant 0 : i32
      %dma_start3A_48 = tpu.memref_slice %arg4[%arg0, %add3A_37, %dma_start3A] : memref<2x10240x128xf32, #tpu.memory_space<hbm>> -> memref<1x80x128xf32, #tpu.memory_space<hbm>>
      %dma_start3A_49 = tpu.memref_squeeze %dma_start3A_48 : memref<1x80x128xf32, #tpu.memory_space<hbm>> -> memref<80x128xf32, #tpu.memory_space<hbm>>
      %dma_start3A_50 = arith.constant 0 : i32
      %dma_start3A_51 = tpu.memref_slice %arg4[%arg0, %add3A_37, %dma_start3A_50] : memref<2x10240x128xf32, #tpu.memory_space<hbm>> -> memref<1x80x128xf32, #tpu.memory_space<hbm>>
      %dma_start3A_52 = tpu.memref_squeeze %dma_start3A_51 : memref<1x80x128xf32, #tpu.memory_space<hbm>> -> memref<80x128xf32, #tpu.memory_space<hbm>>
      tpu.enqueue_dma source(%arg7 : memref<80x128xf32, #tpu.memory_space<vmem>>) target(%dma_start3A_52 : memref<80x128xf32, #tpu.memory_space<hbm>>) target_semaphore(%run_scoped3A : memref<!tpu.dma_semaphore, #tpu.memory_space<semaphore_mem>>)
      %dma_wait3A = arith.constant 0 : i32
      %dma_wait3A_53 = tpu.memref_slice %arg4[%arg0, %add3A_37, %dma_wait3A] : memref<2x10240x128xf32, #tpu.memory_space<hbm>> -> memref<1x80x128xf32, #tpu.memory_space<hbm>>
      %dma_wait3A_54 = tpu.memref_squeeze %dma_wait3A_53 : memref<1x80x128xf32, #tpu.memory_space<hbm>> -> memref<80x128xf32, #tpu.memory_space<hbm>>
      %dma_wait3A_55 = arith.constant 0 : i32
      %dma_wait3A_56 = tpu.memref_slice %arg4[%arg0, %add3A_37, %dma_wait3A_55] : memref<2x10240x128xf32, #tpu.memory_space<hbm>> -> memref<1x80x128xf32, #tpu.memory_space<hbm>>
      %dma_wait3A_57 = tpu.memref_squeeze %dma_wait3A_56 : memref<1x80x128xf32, #tpu.memory_space<hbm>> -> memref<80x128xf32, #tpu.memory_space<hbm>>
      tpu.wait_dma2 semaphore(%run_scoped3A : memref<!tpu.dma_semaphore, #tpu.memory_space<semaphore_mem>>) src(%arg7 : memref<80x128xf32, #tpu.memory_space<vmem>>) dst(%dma_wait3A_57 : memref<80x128xf32, #tpu.memory_space<hbm>>)
      tpu.yield
    }) : () -> ()
    %add3A_38 = arith.constant 240 : i32
    %add3A_39 = arith.addi %mul3A_8, %add3A_38 : i32
    "tpu.region"() ({
      %run_scoped3A = tpu.sem_alloc : memref<!tpu.dma_semaphore, #tpu.memory_space<semaphore_mem>>
      %dma_start3A = arith.constant 0 : i32
      %dma_start3A_48 = tpu.memref_slice %arg11[%add3A_39, %dma_start3A] : memref<10240x128xf32, #tpu.memory_space<vmem_shared>> -> memref<80x128xf32, #tpu.memory_space<vmem_shared>>
      %dma_start3A_49 = arith.constant 0 : i32
      %dma_start3A_50 = tpu.memref_slice %arg11[%add3A_39, %dma_start3A_49] : memref<10240x128xf32, #tpu.memory_space<vmem_shared>> -> memref<80x128xf32, #tpu.memory_space<vmem_shared>>
      tpu.enqueue_dma source(%dma_start3A_50 : memref<80x128xf32, #tpu.memory_space<vmem_shared>>) target(%arg7 : memref<80x128xf32, #tpu.memory_space<vmem>>) target_semaphore(%run_scoped3A : memref<!tpu.dma_semaphore, #tpu.memory_space<semaphore_mem>>)
      %dma_wait3A = arith.constant 0 : i32
      %dma_wait3A_51 = tpu.memref_slice %arg11[%add3A_39, %dma_wait3A] : memref<10240x128xf32, #tpu.memory_space<vmem_shared>> -> memref<80x128xf32, #tpu.memory_space<vmem_shared>>
      %dma_wait3A_52 = arith.constant 0 : i32
      %dma_wait3A_53 = tpu.memref_slice %arg11[%add3A_39, %dma_wait3A_52] : memref<10240x128xf32, #tpu.memory_space<vmem_shared>> -> memref<80x128xf32, #tpu.memory_space<vmem_shared>>
      tpu.wait_dma2 semaphore(%run_scoped3A : memref<!tpu.dma_semaphore, #tpu.memory_space<semaphore_mem>>) src(%dma_wait3A_53 : memref<80x128xf32, #tpu.memory_space<vmem_shared>>) dst(%arg7 : memref<80x128xf32, #tpu.memory_space<vmem>>)
      tpu.yield
    }) : () -> ()
    "tpu.region"() ({
      %run_scoped3A = tpu.sem_alloc : memref<!tpu.dma_semaphore, #tpu.memory_space<semaphore_mem>>
      %dma_start3A = arith.constant 0 : i32
      %dma_start3A_48 = tpu.memref_slice %arg4[%arg0, %add3A_39, %dma_start3A] : memref<2x10240x128xf32, #tpu.memory_space<hbm>> -> memref<1x80x128xf32, #tpu.memory_space<hbm>>
      %dma_start3A_49 = tpu.memref_squeeze %dma_start3A_48 : memref<1x80x128xf32, #tpu.memory_space<hbm>> -> memref<80x128xf32, #tpu.memory_space<hbm>>
      %dma_start3A_50 = arith.constant 0 : i32
      %dma_start3A_51 = tpu.memref_slice %arg4[%arg0, %add3A_39, %dma_start3A_50] : memref<2x10240x128xf32, #tpu.memory_space<hbm>> -> memref<1x80x128xf32, #tpu.memory_space<hbm>>
      %dma_start3A_52 = tpu.memref_squeeze %dma_start3A_51 : memref<1x80x128xf32, #tpu.memory_space<hbm>> -> memref<80x128xf32, #tpu.memory_space<hbm>>
      tpu.enqueue_dma source(%arg7 : memref<80x128xf32, #tpu.memory_space<vmem>>) target(%dma_start3A_52 : memref<80x128xf32, #tpu.memory_space<hbm>>) target_semaphore(%run_scoped3A : memref<!tpu.dma_semaphore, #tpu.memory_space<semaphore_mem>>)
      %dma_wait3A = arith.constant 0 : i32
      %dma_wait3A_53 = tpu.memref_slice %arg4[%arg0, %add3A_39, %dma_wait3A] : memref<2x10240x128xf32, #tpu.memory_space<hbm>> -> memref<1x80x128xf32, #tpu.memory_space<hbm>>
      %dma_wait3A_54 = tpu.memref_squeeze %dma_wait3A_53 : memref<1x80x128xf32, #tpu.memory_space<hbm>> -> memref<80x128xf32, #tpu.memory_space<hbm>>
      %dma_wait3A_55 = arith.constant 0 : i32
      %dma_wait3A_56 = tpu.memref_slice %arg4[%arg0, %add3A_39, %dma_wait3A_55] : memref<2x10240x128xf32, #tpu.memory_space<hbm>> -> memref<1x80x128xf32, #tpu.memory_space<hbm>>
      %dma_wait3A_57 = tpu.memref_squeeze %dma_wait3A_56 : memref<1x80x128xf32, #tpu.memory_space<hbm>> -> memref<80x128xf32, #tpu.memory_space<hbm>>
      tpu.wait_dma2 semaphore(%run_scoped3A : memref<!tpu.dma_semaphore, #tpu.memory_space<semaphore_mem>>) src(%arg7 : memref<80x128xf32, #tpu.memory_space<vmem>>) dst(%dma_wait3A_57 : memref<80x128xf32, #tpu.memory_space<hbm>>)
      tpu.yield
    }) : () -> ()
    %add3A_40 = arith.constant 320 : i32
    %add3A_41 = arith.addi %mul3A_8, %add3A_40 : i32
    "tpu.region"() ({
      %run_scoped3A = tpu.sem_alloc : memref<!tpu.dma_semaphore, #tpu.memory_space<semaphore_mem>>
      %dma_start3A = arith.constant 0 : i32
      %dma_start3A_48 = tpu.memref_slice %arg11[%add3A_41, %dma_start3A] : memref<10240x128xf32, #tpu.memory_space<vmem_shared>> -> memref<80x128xf32, #tpu.memory_space<vmem_shared>>
      %dma_start3A_49 = arith.constant 0 : i32
      %dma_start3A_50 = tpu.memref_slice %arg11[%add3A_41, %dma_start3A_49] : memref<10240x128xf32, #tpu.memory_space<vmem_shared>> -> memref<80x128xf32, #tpu.memory_space<vmem_shared>>
      tpu.enqueue_dma source(%dma_start3A_50 : memref<80x128xf32, #tpu.memory_space<vmem_shared>>) target(%arg7 : memref<80x128xf32, #tpu.memory_space<vmem>>) target_semaphore(%run_scoped3A : memref<!tpu.dma_semaphore, #tpu.memory_space<semaphore_mem>>)
      %dma_wait3A = arith.constant 0 : i32
      %dma_wait3A_51 = tpu.memref_slice %arg11[%add3A_41, %dma_wait3A] : memref<10240x128xf32, #tpu.memory_space<vmem_shared>> -> memref<80x128xf32, #tpu.memory_space<vmem_shared>>
      %dma_wait3A_52 = arith.constant 0 : i32
      %dma_wait3A_53 = tpu.memref_slice %arg11[%add3A_41, %dma_wait3A_52] : memref<10240x128xf32, #tpu.memory_space<vmem_shared>> -> memref<80x128xf32, #tpu.memory_space<vmem_shared>>
      tpu.wait_dma2 semaphore(%run_scoped3A : memref<!tpu.dma_semaphore, #tpu.memory_space<semaphore_mem>>) src(%dma_wait3A_53 : memref<80x128xf32, #tpu.memory_space<vmem_shared>>) dst(%arg7 : memref<80x128xf32, #tpu.memory_space<vmem>>)
      tpu.yield
    }) : () -> ()
    "tpu.region"() ({
      %run_scoped3A = tpu.sem_alloc : memref<!tpu.dma_semaphore, #tpu.memory_space<semaphore_mem>>
      %dma_start3A = arith.constant 0 : i32
      %dma_start3A_48 = tpu.memref_slice %arg4[%arg0, %add3A_41, %dma_start3A] : memref<2x10240x128xf32, #tpu.memory_space<hbm>> -> memref<1x80x128xf32, #tpu.memory_space<hbm>>
      %dma_start3A_49 = tpu.memref_squeeze %dma_start3A_48 : memref<1x80x128xf32, #tpu.memory_space<hbm>> -> memref<80x128xf32, #tpu.memory_space<hbm>>
      %dma_start3A_50 = arith.constant 0 : i32
      %dma_start3A_51 = tpu.memref_slice %arg4[%arg0, %add3A_41, %dma_start3A_50] : memref<2x10240x128xf32, #tpu.memory_space<hbm>> -> memref<1x80x128xf32, #tpu.memory_space<hbm>>
      %dma_start3A_52 = tpu.memref_squeeze %dma_start3A_51 : memref<1x80x128xf32, #tpu.memory_space<hbm>> -> memref<80x128xf32, #tpu.memory_space<hbm>>
      tpu.enqueue_dma source(%arg7 : memref<80x128xf32, #tpu.memory_space<vmem>>) target(%dma_start3A_52 : memref<80x128xf32, #tpu.memory_space<hbm>>) target_semaphore(%run_scoped3A : memref<!tpu.dma_semaphore, #tpu.memory_space<semaphore_mem>>)
      %dma_wait3A = arith.constant 0 : i32
      %dma_wait3A_53 = tpu.memref_slice %arg4[%arg0, %add3A_41, %dma_wait3A] : memref<2x10240x128xf32, #tpu.memory_space<hbm>> -> memref<1x80x128xf32, #tpu.memory_space<hbm>>
      %dma_wait3A_54 = tpu.memref_squeeze %dma_wait3A_53 : memref<1x80x128xf32, #tpu.memory_space<hbm>> -> memref<80x128xf32, #tpu.memory_space<hbm>>
      %dma_wait3A_55 = arith.constant 0 : i32
      %dma_wait3A_56 = tpu.memref_slice %arg4[%arg0, %add3A_41, %dma_wait3A_55] : memref<2x10240x128xf32, #tpu.memory_space<hbm>> -> memref<1x80x128xf32, #tpu.memory_space<hbm>>
      %dma_wait3A_57 = tpu.memref_squeeze %dma_wait3A_56 : memref<1x80x128xf32, #tpu.memory_space<hbm>> -> memref<80x128xf32, #tpu.memory_space<hbm>>
      tpu.wait_dma2 semaphore(%run_scoped3A : memref<!tpu.dma_semaphore, #tpu.memory_space<semaphore_mem>>) src(%arg7 : memref<80x128xf32, #tpu.memory_space<vmem>>) dst(%dma_wait3A_57 : memref<80x128xf32, #tpu.memory_space<hbm>>)
      tpu.yield
    }) : () -> ()
    %add3A_42 = arith.constant 400 : i32
    %add3A_43 = arith.addi %mul3A_8, %add3A_42 : i32
    "tpu.region"() ({
      %run_scoped3A = tpu.sem_alloc : memref<!tpu.dma_semaphore, #tpu.memory_space<semaphore_mem>>
      %dma_start3A = arith.constant 0 : i32
      %dma_start3A_48 = tpu.memref_slice %arg11[%add3A_43, %dma_start3A] : memref<10240x128xf32, #tpu.memory_space<vmem_shared>> -> memref<80x128xf32, #tpu.memory_space<vmem_shared>>
      %dma_start3A_49 = arith.constant 0 : i32
      %dma_start3A_50 = tpu.memref_slice %arg11[%add3A_43, %dma_start3A_49] : memref<10240x128xf32, #tpu.memory_space<vmem_shared>> -> memref<80x128xf32, #tpu.memory_space<vmem_shared>>
      tpu.enqueue_dma source(%dma_start3A_50 : memref<80x128xf32, #tpu.memory_space<vmem_shared>>) target(%arg7 : memref<80x128xf32, #tpu.memory_space<vmem>>) target_semaphore(%run_scoped3A : memref<!tpu.dma_semaphore, #tpu.memory_space<semaphore_mem>>)
      %dma_wait3A = arith.constant 0 : i32
      %dma_wait3A_51 = tpu.memref_slice %arg11[%add3A_43, %dma_wait3A] : memref<10240x128xf32, #tpu.memory_space<vmem_shared>> -> memref<80x128xf32, #tpu.memory_space<vmem_shared>>
      %dma_wait3A_52 = arith.constant 0 : i32
      %dma_wait3A_53 = tpu.memref_slice %arg11[%add3A_43, %dma_wait3A_52] : memref<10240x128xf32, #tpu.memory_space<vmem_shared>> -> memref<80x128xf32, #tpu.memory_space<vmem_shared>>
      tpu.wait_dma2 semaphore(%run_scoped3A : memref<!tpu.dma_semaphore, #tpu.memory_space<semaphore_mem>>) src(%dma_wait3A_53 : memref<80x128xf32, #tpu.memory_space<vmem_shared>>) dst(%arg7 : memref<80x128xf32, #tpu.memory_space<vmem>>)
      tpu.yield
    }) : () -> ()
    "tpu.region"() ({
      %run_scoped3A = tpu.sem_alloc : memref<!tpu.dma_semaphore, #tpu.memory_space<semaphore_mem>>
      %dma_start3A = arith.constant 0 : i32
      %dma_start3A_48 = tpu.memref_slice %arg4[%arg0, %add3A_43, %dma_start3A] : memref<2x10240x128xf32, #tpu.memory_space<hbm>> -> memref<1x80x128xf32, #tpu.memory_space<hbm>>
      %dma_start3A_49 = tpu.memref_squeeze %dma_start3A_48 : memref<1x80x128xf32, #tpu.memory_space<hbm>> -> memref<80x128xf32, #tpu.memory_space<hbm>>
      %dma_start3A_50 = arith.constant 0 : i32
      %dma_start3A_51 = tpu.memref_slice %arg4[%arg0, %add3A_43, %dma_start3A_50] : memref<2x10240x128xf32, #tpu.memory_space<hbm>> -> memref<1x80x128xf32, #tpu.memory_space<hbm>>
      %dma_start3A_52 = tpu.memref_squeeze %dma_start3A_51 : memref<1x80x128xf32, #tpu.memory_space<hbm>> -> memref<80x128xf32, #tpu.memory_space<hbm>>
      tpu.enqueue_dma source(%arg7 : memref<80x128xf32, #tpu.memory_space<vmem>>) target(%dma_start3A_52 : memref<80x128xf32, #tpu.memory_space<hbm>>) target_semaphore(%run_scoped3A : memref<!tpu.dma_semaphore, #tpu.memory_space<semaphore_mem>>)
      %dma_wait3A = arith.constant 0 : i32
      %dma_wait3A_53 = tpu.memref_slice %arg4[%arg0, %add3A_43, %dma_wait3A] : memref<2x10240x128xf32, #tpu.memory_space<hbm>> -> memref<1x80x128xf32, #tpu.memory_space<hbm>>
      %dma_wait3A_54 = tpu.memref_squeeze %dma_wait3A_53 : memref<1x80x128xf32, #tpu.memory_space<hbm>> -> memref<80x128xf32, #tpu.memory_space<hbm>>
      %dma_wait3A_55 = arith.constant 0 : i32
      %dma_wait3A_56 = tpu.memref_slice %arg4[%arg0, %add3A_43, %dma_wait3A_55] : memref<2x10240x128xf32, #tpu.memory_space<hbm>> -> memref<1x80x128xf32, #tpu.memory_space<hbm>>
      %dma_wait3A_57 = tpu.memref_squeeze %dma_wait3A_56 : memref<1x80x128xf32, #tpu.memory_space<hbm>> -> memref<80x128xf32, #tpu.memory_space<hbm>>
      tpu.wait_dma2 semaphore(%run_scoped3A : memref<!tpu.dma_semaphore, #tpu.memory_space<semaphore_mem>>) src(%arg7 : memref<80x128xf32, #tpu.memory_space<vmem>>) dst(%dma_wait3A_57 : memref<80x128xf32, #tpu.memory_space<hbm>>)
      tpu.yield
    }) : () -> ()
    %add3A_44 = arith.constant 480 : i32
    %add3A_45 = arith.addi %mul3A_8, %add3A_44 : i32
    "tpu.region"() ({
      %run_scoped3A = tpu.sem_alloc : memref<!tpu.dma_semaphore, #tpu.memory_space<semaphore_mem>>
      %dma_start3A = arith.constant 0 : i32
      %dma_start3A_48 = tpu.memref_slice %arg11[%add3A_45, %dma_start3A] : memref<10240x128xf32, #tpu.memory_space<vmem_shared>> -> memref<80x128xf32, #tpu.memory_space<vmem_shared>>
      %dma_start3A_49 = arith.constant 0 : i32
      %dma_start3A_50 = tpu.memref_slice %arg11[%add3A_45, %dma_start3A_49] : memref<10240x128xf32, #tpu.memory_space<vmem_shared>> -> memref<80x128xf32, #tpu.memory_space<vmem_shared>>
      tpu.enqueue_dma source(%dma_start3A_50 : memref<80x128xf32, #tpu.memory_space<vmem_shared>>) target(%arg7 : memref<80x128xf32, #tpu.memory_space<vmem>>) target_semaphore(%run_scoped3A : memref<!tpu.dma_semaphore, #tpu.memory_space<semaphore_mem>>)
      %dma_wait3A = arith.constant 0 : i32
      %dma_wait3A_51 = tpu.memref_slice %arg11[%add3A_45, %dma_wait3A] : memref<10240x128xf32, #tpu.memory_space<vmem_shared>> -> memref<80x128xf32, #tpu.memory_space<vmem_shared>>
      %dma_wait3A_52 = arith.constant 0 : i32
      %dma_wait3A_53 = tpu.memref_slice %arg11[%add3A_45, %dma_wait3A_52] : memref<10240x128xf32, #tpu.memory_space<vmem_shared>> -> memref<80x128xf32, #tpu.memory_space<vmem_shared>>
      tpu.wait_dma2 semaphore(%run_scoped3A : memref<!tpu.dma_semaphore, #tpu.memory_space<semaphore_mem>>) src(%dma_wait3A_53 : memref<80x128xf32, #tpu.memory_space<vmem_shared>>) dst(%arg7 : memref<80x128xf32, #tpu.memory_space<vmem>>)
      tpu.yield
    }) : () -> ()
    "tpu.region"() ({
      %run_scoped3A = tpu.sem_alloc : memref<!tpu.dma_semaphore, #tpu.memory_space<semaphore_mem>>
      %dma_start3A = arith.constant 0 : i32
      %dma_start3A_48 = tpu.memref_slice %arg4[%arg0, %add3A_45, %dma_start3A] : memref<2x10240x128xf32, #tpu.memory_space<hbm>> -> memref<1x80x128xf32, #tpu.memory_space<hbm>>
      %dma_start3A_49 = tpu.memref_squeeze %dma_start3A_48 : memref<1x80x128xf32, #tpu.memory_space<hbm>> -> memref<80x128xf32, #tpu.memory_space<hbm>>
      %dma_start3A_50 = arith.constant 0 : i32
      %dma_start3A_51 = tpu.memref_slice %arg4[%arg0, %add3A_45, %dma_start3A_50] : memref<2x10240x128xf32, #tpu.memory_space<hbm>> -> memref<1x80x128xf32, #tpu.memory_space<hbm>>
      %dma_start3A_52 = tpu.memref_squeeze %dma_start3A_51 : memref<1x80x128xf32, #tpu.memory_space<hbm>> -> memref<80x128xf32, #tpu.memory_space<hbm>>
      tpu.enqueue_dma source(%arg7 : memref<80x128xf32, #tpu.memory_space<vmem>>) target(%dma_start3A_52 : memref<80x128xf32, #tpu.memory_space<hbm>>) target_semaphore(%run_scoped3A : memref<!tpu.dma_semaphore, #tpu.memory_space<semaphore_mem>>)
      %dma_wait3A = arith.constant 0 : i32
      %dma_wait3A_53 = tpu.memref_slice %arg4[%arg0, %add3A_45, %dma_wait3A] : memref<2x10240x128xf32, #tpu.memory_space<hbm>> -> memref<1x80x128xf32, #tpu.memory_space<hbm>>
      %dma_wait3A_54 = tpu.memref_squeeze %dma_wait3A_53 : memref<1x80x128xf32, #tpu.memory_space<hbm>> -> memref<80x128xf32, #tpu.memory_space<hbm>>
      %dma_wait3A_55 = arith.constant 0 : i32
      %dma_wait3A_56 = tpu.memref_slice %arg4[%arg0, %add3A_45, %dma_wait3A_55] : memref<2x10240x128xf32, #tpu.memory_space<hbm>> -> memref<1x80x128xf32, #tpu.memory_space<hbm>>
      %dma_wait3A_57 = tpu.memref_squeeze %dma_wait3A_56 : memref<1x80x128xf32, #tpu.memory_space<hbm>> -> memref<80x128xf32, #tpu.memory_space<hbm>>
      tpu.wait_dma2 semaphore(%run_scoped3A : memref<!tpu.dma_semaphore, #tpu.memory_space<semaphore_mem>>) src(%arg7 : memref<80x128xf32, #tpu.memory_space<vmem>>) dst(%dma_wait3A_57 : memref<80x128xf32, #tpu.memory_space<hbm>>)
      tpu.yield
    }) : () -> ()
    %add3A_46 = arith.constant 560 : i32
    %add3A_47 = arith.addi %mul3A_8, %add3A_46 : i32
    "tpu.region"() ({
      %run_scoped3A = tpu.sem_alloc : memref<!tpu.dma_semaphore, #tpu.memory_space<semaphore_mem>>
      %dma_start3A = arith.constant 0 : i32
      %dma_start3A_48 = tpu.memref_slice %arg11[%add3A_47, %dma_start3A] : memref<10240x128xf32, #tpu.memory_space<vmem_shared>> -> memref<80x128xf32, #tpu.memory_space<vmem_shared>>
      %dma_start3A_49 = arith.constant 0 : i32
      %dma_start3A_50 = tpu.memref_slice %arg11[%add3A_47, %dma_start3A_49] : memref<10240x128xf32, #tpu.memory_space<vmem_shared>> -> memref<80x128xf32, #tpu.memory_space<vmem_shared>>
      tpu.enqueue_dma source(%dma_start3A_50 : memref<80x128xf32, #tpu.memory_space<vmem_shared>>) target(%arg7 : memref<80x128xf32, #tpu.memory_space<vmem>>) target_semaphore(%run_scoped3A : memref<!tpu.dma_semaphore, #tpu.memory_space<semaphore_mem>>)
      %dma_wait3A = arith.constant 0 : i32
      %dma_wait3A_51 = tpu.memref_slice %arg11[%add3A_47, %dma_wait3A] : memref<10240x128xf32, #tpu.memory_space<vmem_shared>> -> memref<80x128xf32, #tpu.memory_space<vmem_shared>>
      %dma_wait3A_52 = arith.constant 0 : i32
      %dma_wait3A_53 = tpu.memref_slice %arg11[%add3A_47, %dma_wait3A_52] : memref<10240x128xf32, #tpu.memory_space<vmem_shared>> -> memref<80x128xf32, #tpu.memory_space<vmem_shared>>
      tpu.wait_dma2 semaphore(%run_scoped3A : memref<!tpu.dma_semaphore, #tpu.memory_space<semaphore_mem>>) src(%dma_wait3A_53 : memref<80x128xf32, #tpu.memory_space<vmem_shared>>) dst(%arg7 : memref<80x128xf32, #tpu.memory_space<vmem>>)
      tpu.yield
    }) : () -> ()
    "tpu.region"() ({
      %run_scoped3A = tpu.sem_alloc : memref<!tpu.dma_semaphore, #tpu.memory_space<semaphore_mem>>
      %dma_start3A = arith.constant 0 : i32
      %dma_start3A_48 = tpu.memref_slice %arg4[%arg0, %add3A_47, %dma_start3A] : memref<2x10240x128xf32, #tpu.memory_space<hbm>> -> memref<1x80x128xf32, #tpu.memory_space<hbm>>
      %dma_start3A_49 = tpu.memref_squeeze %dma_start3A_48 : memref<1x80x128xf32, #tpu.memory_space<hbm>> -> memref<80x128xf32, #tpu.memory_space<hbm>>
      %dma_start3A_50 = arith.constant 0 : i32
      %dma_start3A_51 = tpu.memref_slice %arg4[%arg0, %add3A_47, %dma_start3A_50] : memref<2x10240x128xf32, #tpu.memory_space<hbm>> -> memref<1x80x128xf32, #tpu.memory_space<hbm>>
      %dma_start3A_52 = tpu.memref_squeeze %dma_start3A_51 : memref<1x80x128xf32, #tpu.memory_space<hbm>> -> memref<80x128xf32, #tpu.memory_space<hbm>>
      tpu.enqueue_dma source(%arg7 : memref<80x128xf32, #tpu.memory_space<vmem>>) target(%dma_start3A_52 : memref<80x128xf32, #tpu.memory_space<hbm>>) target_semaphore(%run_scoped3A : memref<!tpu.dma_semaphore, #tpu.memory_space<semaphore_mem>>)
      %dma_wait3A = arith.constant 0 : i32
      %dma_wait3A_53 = tpu.memref_slice %arg4[%arg0, %add3A_47, %dma_wait3A] : memref<2x10240x128xf32, #tpu.memory_space<hbm>> -> memref<1x80x128xf32, #tpu.memory_space<hbm>>
      %dma_wait3A_54 = tpu.memref_squeeze %dma_wait3A_53 : memref<1x80x128xf32, #tpu.memory_space<hbm>> -> memref<80x128xf32, #tpu.memory_space<hbm>>
      %dma_wait3A_55 = arith.constant 0 : i32
      %dma_wait3A_56 = tpu.memref_slice %arg4[%arg0, %add3A_47, %dma_wait3A_55] : memref<2x10240x128xf32, #tpu.memory_space<hbm>> -> memref<1x80x128xf32, #tpu.memory_space<hbm>>
      %dma_wait3A_57 = tpu.memref_squeeze %dma_wait3A_56 : memref<1x80x128xf32, #tpu.memory_space<hbm>> -> memref<80x128xf32, #tpu.memory_space<hbm>>
      tpu.wait_dma2 semaphore(%run_scoped3A : memref<!tpu.dma_semaphore, #tpu.memory_space<semaphore_mem>>) src(%arg7 : memref<80x128xf32, #tpu.memory_space<vmem>>) dst(%dma_wait3A_57 : memref<80x128xf32, #tpu.memory_space<hbm>>)
      tpu.yield
    }) : () -> ()
    return
  }
}

#map = affine_map<(d0, d1) -> (0, 0, 0, 0, 0)>
#map1 = affine_map<(d0, d1) -> (0, 0)>
module attributes {stable_mosaic.version = 14 : i64} {
  func.func @_deg_kernel(%arg0: i32, %arg1: i32, %arg2: memref<2x32x5x25x80xi32, #tpu.memory_space<hbm>>, %arg3: memref<2x10240xf32, #tpu.memory_space<hbm>>, %arg4: memref<25x80xi32, #tpu.memory_space<vmem>>, %arg5: memref<640xf32, #tpu.memory_space<vmem>>, %arg6: memref<80xf32, #tpu.memory_space<vmem>>, %arg7: memref<10240xf32, #tpu.memory_space<vmem_shared>>, %arg8: memref<!tpu.dma_semaphore, #tpu.memory_space<semaphore_mem>>) attributes {dimension_semantics = [#tpu.dimension_semantics<core_parallel>, #tpu.dimension_semantics<subcore_parallel>], iteration_bounds = array<i64: 2, 16>, scalar_prefetch = 0 : i64, scratch_operands = 5 : i64, tpu.core_type = #tpu.core_type<sc_vector_subcore>, window_params = [{transform_indices = #map}, {transform_indices = #map1}]} {
    %mul3A = arith.constant 2 : i32
    %mul3A_0 = arith.muli %arg1, %mul3A : i32
    %add3A = arith.addi %mul3A_0, %arg0 : i32
    %broadcast_in_dim3A = arith.constant 0.000000e+00 : f32
    %broadcast_in_dim3A_1 = vector.broadcast %broadcast_in_dim3A : f32 to vector<16xf32>
    %broadcast_in_dim3A_2 = arith.constant 1.000000e+00 : f32
    %broadcast_in_dim3A_3 = vector.broadcast %broadcast_in_dim3A_2 : f32 to vector<16xf32>
    %scan3A = arith.constant 0 : i32
    %scan3A_4 = arith.constant 0 : i32
    %scan3A_5 = arith.constant 40 : i32
    %scan3A_6 = arith.addi %scan3A_4, %scan3A_5 : i32
    %scan3A_7 = arith.constant 1 : i32
    scf.for %scan3A_41 = %scan3A_4 to %scan3A_6 step %scan3A_7  : i32 {
      %mul3A_42 = arith.constant 16 : i32
      %mul3A_43 = arith.muli %scan3A_41, %mul3A_42 : i32
      %swap3A_44 = arith.index_cast %mul3A_43 : i32 to index
      %swap3A_45 = tpu.vector_load %arg5[%swap3A_44] {strides = array<i32>} : memref<640xf32, #tpu.memory_space<vmem>>, vector<16xf32>,
      %swap3A_46 = vector.shape_cast %swap3A_45 : vector<16xf32> to vector<16xf32>
      %swap3A_47 = vector.shape_cast %broadcast_in_dim3A_1 : vector<16xf32> to vector<16xf32>
      tpu.vector_store %arg5[%swap3A_44], %swap3A_47 {strides = array<i32>} : memref<640xf32, #tpu.memory_space<vmem>>, vector<16xf32>,
    }
    %scan3A_8 = arith.constant 40 : i32
    %swap3A = arith.constant 0 : index
    %swap3A_9 = tpu.vector_load %arg6[%swap3A] {strides = array<i32>} : memref<80xf32, #tpu.memory_space<vmem>>, vector<16xf32>,
    %swap3A_10 = vector.shape_cast %swap3A_9 : vector<16xf32> to vector<16xf32>
    %swap3A_11 = vector.shape_cast %broadcast_in_dim3A_3 : vector<16xf32> to vector<16xf32>
    tpu.vector_store %arg6[%swap3A], %swap3A_11 {strides = array<i32>} : memref<80xf32, #tpu.memory_space<vmem>>, vector<16xf32>,
    %swap3A_12 = arith.constant 16 : index
    %swap3A_13 = tpu.vector_load %arg6[%swap3A_12] {strides = array<i32>} : memref<80xf32, #tpu.memory_space<vmem>>, vector<16xf32>,
    %swap3A_14 = vector.shape_cast %swap3A_13 : vector<16xf32> to vector<16xf32>
    %swap3A_15 = vector.shape_cast %broadcast_in_dim3A_3 : vector<16xf32> to vector<16xf32>
    tpu.vector_store %arg6[%swap3A_12], %swap3A_15 {strides = array<i32>} : memref<80xf32, #tpu.memory_space<vmem>>, vector<16xf32>,
    %swap3A_16 = arith.constant 32 : index
    %swap3A_17 = tpu.vector_load %arg6[%swap3A_16] {strides = array<i32>} : memref<80xf32, #tpu.memory_space<vmem>>, vector<16xf32>,
    %swap3A_18 = vector.shape_cast %swap3A_17 : vector<16xf32> to vector<16xf32>
    %swap3A_19 = vector.shape_cast %broadcast_in_dim3A_3 : vector<16xf32> to vector<16xf32>
    tpu.vector_store %arg6[%swap3A_16], %swap3A_19 {strides = array<i32>} : memref<80xf32, #tpu.memory_space<vmem>>, vector<16xf32>,
    %swap3A_20 = arith.constant 48 : index
    %swap3A_21 = tpu.vector_load %arg6[%swap3A_20] {strides = array<i32>} : memref<80xf32, #tpu.memory_space<vmem>>, vector<16xf32>,
    %swap3A_22 = vector.shape_cast %swap3A_21 : vector<16xf32> to vector<16xf32>
    %swap3A_23 = vector.shape_cast %broadcast_in_dim3A_3 : vector<16xf32> to vector<16xf32>
    tpu.vector_store %arg6[%swap3A_20], %swap3A_23 {strides = array<i32>} : memref<80xf32, #tpu.memory_space<vmem>>, vector<16xf32>,
    %swap3A_24 = arith.constant 64 : index
    %swap3A_25 = tpu.vector_load %arg6[%swap3A_24] {strides = array<i32>} : memref<80xf32, #tpu.memory_space<vmem>>, vector<16xf32>,
    %swap3A_26 = vector.shape_cast %swap3A_25 : vector<16xf32> to vector<16xf32>
    %swap3A_27 = vector.shape_cast %broadcast_in_dim3A_3 : vector<16xf32> to vector<16xf32>
    tpu.vector_store %arg6[%swap3A_24], %swap3A_27 {strides = array<i32>} : memref<80xf32, #tpu.memory_space<vmem>>, vector<16xf32>,
    %mul3A_28 = arith.constant 640 : i32
    %mul3A_29 = arith.muli %arg1, %mul3A_28 : i32
    "tpu.region"() ({
      %run_scoped3A = tpu.sem_alloc : memref<!tpu.dma_semaphore, #tpu.memory_space<semaphore_mem>>
      %dma_start3A = tpu.memref_slice %arg7[%mul3A_29] : memref<10240xf32, #tpu.memory_space<vmem_shared>> -> memref<640xf32, #tpu.memory_space<vmem_shared>>
      %dma_start3A_41 = tpu.memref_slice %arg7[%mul3A_29] : memref<10240xf32, #tpu.memory_space<vmem_shared>> -> memref<640xf32, #tpu.memory_space<vmem_shared>>
      tpu.enqueue_dma source(%arg5 : memref<640xf32, #tpu.memory_space<vmem>>) target(%dma_start3A_41 : memref<640xf32, #tpu.memory_space<vmem_shared>>) target_semaphore(%run_scoped3A : memref<!tpu.dma_semaphore, #tpu.memory_space<semaphore_mem>>)
      %dma_wait3A = tpu.memref_slice %arg7[%mul3A_29] : memref<10240xf32, #tpu.memory_space<vmem_shared>> -> memref<640xf32, #tpu.memory_space<vmem_shared>>
      %dma_wait3A_42 = tpu.memref_slice %arg7[%mul3A_29] : memref<10240xf32, #tpu.memory_space<vmem_shared>> -> memref<640xf32, #tpu.memory_space<vmem_shared>>
      tpu.wait_dma2 semaphore(%run_scoped3A : memref<!tpu.dma_semaphore, #tpu.memory_space<semaphore_mem>>) src(%arg5 : memref<640xf32, #tpu.memory_space<vmem>>) dst(%dma_wait3A_42 : memref<640xf32, #tpu.memory_space<vmem_shared>>)
      tpu.yield
    }) : () -> ()
    %barrier3A = arith.constant 0 : index
    tpu.barrier barrier_id(%barrier3A)
    %scan3A_30 = arith.constant 0 : i32
    %scan3A_31 = arith.constant 0 : i32
    %scan3A_32 = arith.constant 5 : i32
    %scan3A_33 = arith.addi %scan3A_31, %scan3A_32 : i32
    %scan3A_34 = arith.constant 1 : i32
    scf.for %scan3A_41 = %scan3A_31 to %scan3A_33 step %scan3A_34  : i32 {
      %run_scoped3A = arith.constant 0 : i32
      "tpu.region"() ({
        %run_scoped3A_54 = tpu.sem_alloc : memref<!tpu.dma_semaphore, #tpu.memory_space<semaphore_mem>>
        %dma_start3A = arith.constant 0 : i32
        %dma_start3A_55 = arith.constant 0 : i32
        %dma_start3A_56 = tpu.memref_slice %arg2[%run_scoped3A, %add3A, %scan3A_41, %dma_start3A, %dma_start3A_55] : memref<2x32x5x25x80xi32, #tpu.memory_space<hbm>> -> memref<1x1x1x25x80xi32, #tpu.memory_space<hbm>>
        %dma_start3A_57 = tpu.memref_squeeze %dma_start3A_56 : memref<1x1x1x25x80xi32, #tpu.memory_space<hbm>> -> memref<25x80xi32, #tpu.memory_space<hbm>>
        %dma_start3A_58 = arith.constant 0 : i32
        %dma_start3A_59 = arith.constant 0 : i32
        %dma_start3A_60 = tpu.memref_slice %arg2[%run_scoped3A, %add3A, %scan3A_41, %dma_start3A_58, %dma_start3A_59] : memref<2x32x5x25x80xi32, #tpu.memory_space<hbm>> -> memref<1x1x1x25x80xi32, #tpu.memory_space<hbm>>
        %dma_start3A_61 = tpu.memref_squeeze %dma_start3A_60 : memref<1x1x1x25x80xi32, #tpu.memory_space<hbm>> -> memref<25x80xi32, #tpu.memory_space<hbm>>
        tpu.enqueue_dma source(%dma_start3A_61 : memref<25x80xi32, #tpu.memory_space<hbm>>) target(%arg4 : memref<25x80xi32, #tpu.memory_space<vmem>>) target_semaphore(%run_scoped3A_54 : memref<!tpu.dma_semaphore, #tpu.memory_space<semaphore_mem>>)
        %dma_wait3A = arith.constant 0 : i32
        %dma_wait3A_62 = arith.constant 0 : i32
        %dma_wait3A_63 = tpu.memref_slice %arg2[%run_scoped3A, %add3A, %scan3A_41, %dma_wait3A, %dma_wait3A_62] : memref<2x32x5x25x80xi32, #tpu.memory_space<hbm>> -> memref<1x1x1x25x80xi32, #tpu.memory_space<hbm>>
        %dma_wait3A_64 = tpu.memref_squeeze %dma_wait3A_63 : memref<1x1x1x25x80xi32, #tpu.memory_space<hbm>> -> memref<25x80xi32, #tpu.memory_space<hbm>>
        %dma_wait3A_65 = arith.constant 0 : i32
        %dma_wait3A_66 = arith.constant 0 : i32
        %dma_wait3A_67 = tpu.memref_slice %arg2[%run_scoped3A, %add3A, %scan3A_41, %dma_wait3A_65, %dma_wait3A_66] : memref<2x32x5x25x80xi32, #tpu.memory_space<hbm>> -> memref<1x1x1x25x80xi32, #tpu.memory_space<hbm>>
        %dma_wait3A_68 = tpu.memref_squeeze %dma_wait3A_67 : memref<1x1x1x25x80xi32, #tpu.memory_space<hbm>> -> memref<25x80xi32, #tpu.memory_space<hbm>>
        tpu.wait_dma2 semaphore(%run_scoped3A_54 : memref<!tpu.dma_semaphore, #tpu.memory_space<semaphore_mem>>) src(%dma_wait3A_68 : memref<25x80xi32, #tpu.memory_space<hbm>>) dst(%arg4 : memref<25x80xi32, #tpu.memory_space<vmem>>)
        tpu.yield
      }) : () -> ()
      %scan3A_42 = arith.constant 0 : i32
      %scan3A_43 = arith.constant 0 : i32
      %scan3A_44 = arith.constant 25 : i32
      %scan3A_45 = arith.addi %scan3A_43, %scan3A_44 : i32
      %scan3A_46 = arith.constant 1 : i32
      scf.for %scan3A_54 = %scan3A_43 to %scan3A_45 step %scan3A_46  : i32 {
        %dma_start3A = arith.constant 0 : i32
        %dma_start3A_55 = tpu.memref_slice %arg4[%scan3A_54, %dma_start3A] : memref<25x80xi32, #tpu.memory_space<vmem>> -> memref<1x80xi32, #tpu.memory_space<vmem>>
        %dma_start3A_56 = tpu.memref_squeeze %dma_start3A_55 : memref<1x80xi32, #tpu.memory_space<vmem>> -> memref<80xi32, #tpu.memory_space<vmem>>
        %dma_start3A_57 = arith.constant 0 : i32
        %dma_start3A_58 = tpu.memref_slice %arg7[%dma_start3A_57] : memref<10240xf32, #tpu.memory_space<vmem_shared>> -> memref<10240xf32, #tpu.memory_space<vmem_shared>>
        tpu.enqueue_indirect_dma source(%arg6 : memref<80xf32, #tpu.memory_space<vmem>>) target(%dma_start3A_58 : memref<10240xf32, #tpu.memory_space<vmem_shared>>) offsets(%dma_start3A_56 : memref<80xi32, #tpu.memory_space<vmem>>) semaphore(%arg8 : memref<!tpu.dma_semaphore, #tpu.memory_space<semaphore_mem>>) {add = true}
      }
      %scan3A_47 = arith.constant 25 : i32
      %scan3A_48 = arith.constant 0 : i32
      %scan3A_49 = arith.constant 0 : i32
      %scan3A_50 = arith.constant 25 : i32
      %scan3A_51 = arith.addi %scan3A_49, %scan3A_50 : i32
      %scan3A_52 = arith.constant 1 : i32
      scf.for %scan3A_54 = %scan3A_49 to %scan3A_51 step %scan3A_52  : i32 {
        %dma_wait3A = arith.constant 0 : i32
        %dma_wait3A_55 = tpu.memref_slice %arg3[%arg0, %dma_wait3A] : memref<2x10240xf32, #tpu.memory_space<hbm>> -> memref<1x80xf32, #tpu.memory_space<hbm>>
        %dma_wait3A_56 = tpu.memref_squeeze %dma_wait3A_55 : memref<1x80xf32, #tpu.memory_space<hbm>> -> memref<80xf32, #tpu.memory_space<hbm>>
        %dma_wait3A_57 = arith.constant 0 : i32
        %dma_wait3A_58 = tpu.memref_slice %arg3[%arg0, %dma_wait3A_57] : memref<2x10240xf32, #tpu.memory_space<hbm>> -> memref<1x80xf32, #tpu.memory_space<hbm>>
        %dma_wait3A_59 = tpu.memref_squeeze %dma_wait3A_58 : memref<1x80xf32, #tpu.memory_space<hbm>> -> memref<80xf32, #tpu.memory_space<hbm>>
        tpu.wait_dma2 semaphore(%arg8 : memref<!tpu.dma_semaphore, #tpu.memory_space<semaphore_mem>>) src(%dma_wait3A_59 : memref<80xf32, #tpu.memory_space<hbm>>) dst(%arg6 : memref<80xf32, #tpu.memory_space<vmem>>)
      }
      %scan3A_53 = arith.constant 25 : i32
    }
    %scan3A_35 = arith.constant 5 : i32
    %barrier3A_36 = arith.constant 0 : index
    tpu.barrier barrier_id(%barrier3A_36)
    %mul3A_37 = arith.constant 640 : i32
    %mul3A_38 = arith.muli %arg1, %mul3A_37 : i32
    "tpu.region"() ({
      %run_scoped3A = tpu.sem_alloc : memref<!tpu.dma_semaphore, #tpu.memory_space<semaphore_mem>>
      %dma_start3A = tpu.memref_slice %arg7[%mul3A_38] : memref<10240xf32, #tpu.memory_space<vmem_shared>> -> memref<640xf32, #tpu.memory_space<vmem_shared>>
      %dma_start3A_41 = tpu.memref_slice %arg7[%mul3A_38] : memref<10240xf32, #tpu.memory_space<vmem_shared>> -> memref<640xf32, #tpu.memory_space<vmem_shared>>
      tpu.enqueue_dma source(%dma_start3A_41 : memref<640xf32, #tpu.memory_space<vmem_shared>>) target(%arg5 : memref<640xf32, #tpu.memory_space<vmem>>) target_semaphore(%run_scoped3A : memref<!tpu.dma_semaphore, #tpu.memory_space<semaphore_mem>>)
      %dma_wait3A = tpu.memref_slice %arg7[%mul3A_38] : memref<10240xf32, #tpu.memory_space<vmem_shared>> -> memref<640xf32, #tpu.memory_space<vmem_shared>>
      %dma_wait3A_42 = tpu.memref_slice %arg7[%mul3A_38] : memref<10240xf32, #tpu.memory_space<vmem_shared>> -> memref<640xf32, #tpu.memory_space<vmem_shared>>
      tpu.wait_dma2 semaphore(%run_scoped3A : memref<!tpu.dma_semaphore, #tpu.memory_space<semaphore_mem>>) src(%dma_wait3A_42 : memref<640xf32, #tpu.memory_space<vmem_shared>>) dst(%arg5 : memref<640xf32, #tpu.memory_space<vmem>>)
      tpu.yield
    }) : () -> ()
    %mul3A_39 = arith.constant 640 : i32
    %mul3A_40 = arith.muli %arg1, %mul3A_39 : i32
    "tpu.region"() ({
      %run_scoped3A = tpu.sem_alloc : memref<!tpu.dma_semaphore, #tpu.memory_space<semaphore_mem>>
      %dma_start3A = tpu.memref_slice %arg3[%arg0, %mul3A_40] : memref<2x10240xf32, #tpu.memory_space<hbm>> -> memref<1x640xf32, #tpu.memory_space<hbm>>
      %dma_start3A_41 = tpu.memref_squeeze %dma_start3A : memref<1x640xf32, #tpu.memory_space<hbm>> -> memref<640xf32, #tpu.memory_space<hbm>>
      %dma_start3A_42 = tpu.memref_slice %arg3[%arg0, %mul3A_40] : memref<2x10240xf32, #tpu.memory_space<hbm>> -> memref<1x640xf32, #tpu.memory_space<hbm>>
      %dma_start3A_43 = tpu.memref_squeeze %dma_start3A_42 : memref<1x640xf32, #tpu.memory_space<hbm>> -> memref<640xf32, #tpu.memory_space<hbm>>
      tpu.enqueue_dma source(%arg5 : memref<640xf32, #tpu.memory_space<vmem>>) target(%dma_start3A_43 : memref<640xf32, #tpu.memory_space<hbm>>) target_semaphore(%run_scoped3A : memref<!tpu.dma_semaphore, #tpu.memory_space<semaphore_mem>>)
      %dma_wait3A = tpu.memref_slice %arg3[%arg0, %mul3A_40] : memref<2x10240xf32, #tpu.memory_space<hbm>> -> memref<1x640xf32, #tpu.memory_space<hbm>>
      %dma_wait3A_44 = tpu.memref_squeeze %dma_wait3A : memref<1x640xf32, #tpu.memory_space<hbm>> -> memref<640xf32, #tpu.memory_space<hbm>>
      %dma_wait3A_45 = tpu.memref_slice %arg3[%arg0, %mul3A_40] : memref<2x10240xf32, #tpu.memory_space<hbm>> -> memref<1x640xf32, #tpu.memory_space<hbm>>
      %dma_wait3A_46 = tpu.memref_squeeze %dma_wait3A_45 : memref<1x640xf32, #tpu.memory_space<hbm>> -> memref<640xf32, #tpu.memory_space<hbm>>
      tpu.wait_dma2 semaphore(%run_scoped3A : memref<!tpu.dma_semaphore, #tpu.memory_space<semaphore_mem>>) src(%arg5 : memref<640xf32, #tpu.memory_space<vmem>>) dst(%dma_wait3A_46 : memref<640xf32, #tpu.memory_space<hbm>>)
      tpu.yield
    }) : () -> ()
    return
  }
}

module attributes {stable_mosaic.version = 14 : i64} {
  func.func @_tc_a_body(%arg0: i32, %arg1: memref<5000x128xf32, #tpu.memory_space<vmem>>, %arg2: memref<128x128xf32, #tpu.memory_space<vmem>>, %arg3: memref<1x128xf32, #tpu.memory_space<vmem>>, %arg4: memref<1x5000x1xf32, #tpu.memory_space<vmem>>, %arg5: memref<1x5000x1xf32, #tpu.memory_space<vmem>>, %arg6: memref<5000x128xf32, #tpu.memory_space<vmem>>, %arg7: memref<5000x1xf32, #tpu.memory_space<vmem>>) attributes {dimension_semantics = [#tpu.dimension_semantics<arbitrary>], iteration_bounds = array<i64: 2>, scalar_prefetch = 0 : i64, scratch_operands = 0 : i64, tpu.core_type = #tpu.core_type<tc>, window_params = [{transform_indices = @transform_0, window_bounds = array<i64: 5000, 128>}, {pipeline_mode = #tpu.pipeline_mode<synchronous>, transform_indices = @transform_1, window_bounds = array<i64: 128, 128>}, {pipeline_mode = #tpu.pipeline_mode<synchronous>, transform_indices = @transform_2, window_bounds = array<i64: 1, 128>}, {transform_indices = @transform_3, window_bounds = array<i64: 1, 5000, 1>}, {transform_indices = @transform_4, window_bounds = array<i64: 1, 5000, 1>}, {transform_indices = @transform_5, window_bounds = array<i64: 5000, 128>}, {transform_indices = @transform_6, window_bounds = array<i64: 5000, 1>}]} {
    %get3A = arith.constant 0 : index
    %get3A_0 = arith.constant 0 : index
    %get3A_1 = vector.load %arg1[%get3A, %get3A_0] : memref<5000x128xf32, #tpu.memory_space<vmem>>, vector<5000x128xf32>
    %get3A_2 = arith.constant 0 : index
    %get3A_3 = arith.constant 0 : index
    %get3A_4 = vector.load %arg2[%get3A_2, %get3A_3] : memref<128x128xf32, #tpu.memory_space<vmem>>, vector<128x128xf32>
    %dot_general3A = arith.constant dense<0.000000e+00> : vector<5000x128xf32>
    %dot_general3A_5 = tpu.matmul %get3A_1, %get3A_4, %dot_general3A {dimension_numbers = #tpu.dot_dimension_numbers<[1], [0], [0], [1], [0, 0, 1, 1], [], []>, transpose_lhs_hint = false} : vector<5000x128xf32>, vector<128x128xf32>, vector<5000x128xf32> -> vector<5000x128xf32>
    %get3A_6 = arith.constant 0 : index
    %get3A_7 = arith.constant 0 : index
    %get3A_8 = vector.load %arg3[%get3A_6, %get3A_7] : memref<1x128xf32, #tpu.memory_space<vmem>>, vector<1x128xf32>
    %add3A = vector.broadcast %get3A_8 : vector<1x128xf32> to vector<5000x128xf32>
    %add3A_9 = arith.addf %dot_general3A_5, %add3A : vector<5000x128xf32>
    %get3A_10 = arith.constant 0 : index
    %get3A_11 = arith.constant 0 : index
    %get3A_12 = arith.constant 0 : index
    %get3A_13 = vector.load %arg4[%get3A_10, %get3A_11, %get3A_12] : memref<1x5000x1xf32, #tpu.memory_space<vmem>>, vector<1x5000x1xf32>
    %get3A_14 = vector.shape_cast %get3A_13 : vector<1x5000x1xf32> to vector<5000x1xf32>
    %get3A_15 = arith.constant 0 : index
    %get3A_16 = arith.constant 0 : index
    %get3A_17 = arith.constant 0 : index
    %get3A_18 = vector.load %arg5[%get3A_15, %get3A_16, %get3A_17] : memref<1x5000x1xf32, #tpu.memory_space<vmem>>, vector<1x5000x1xf32>
    %get3A_19 = vector.shape_cast %get3A_18 : vector<1x5000x1xf32> to vector<5000x1xf32>
    %add3A_20 = arith.addf %get3A_14, %get3A_19 : vector<5000x1xf32>
    %add3A_21 = arith.constant 1.000000e+00 : f32
    %add3A_22 = vector.broadcast %add3A_21 : f32 to vector<5000x1xf32>
    %add3A_23 = arith.addf %add3A_20, %add3A_22 : vector<5000x1xf32>
    %rsqrt3A = math.rsqrt %add3A_23 : vector<5000x1xf32>
    %mul3A = vector.broadcast %rsqrt3A : vector<5000x1xf32> to vector<5000x128xf32>
    %mul3A_24 = arith.mulf %mul3A, %add3A_9 : vector<5000x128xf32>
    %swap3A = arith.constant 0 : index
    %swap3A_25 = arith.constant 0 : index
    %swap3A_26 = vector.load %arg6[%swap3A, %swap3A_25] : memref<5000x128xf32, #tpu.memory_space<vmem>>, vector<5000x128xf32>
    tpu.vector_store %arg6[%swap3A, %swap3A_25], %mul3A_24 {strides = array<i32>} : memref<5000x128xf32, #tpu.memory_space<vmem>>, vector<5000x128xf32>,
    %swap3A_27 = arith.constant 0 : index
    %swap3A_28 = arith.constant 0 : index
    %swap3A_29 = vector.load %arg7[%swap3A_27, %swap3A_28] : memref<5000x1xf32, #tpu.memory_space<vmem>>, vector<5000x1xf32>
    tpu.vector_store %arg7[%swap3A_27, %swap3A_28], %rsqrt3A {strides = array<i32>} : memref<5000x1xf32, #tpu.memory_space<vmem>>, vector<5000x1xf32>,
    return
  }
  func.func @transform_0(%arg0: i32) -> (i32, i32) {
    %c0_i32 = arith.constant 0 : i32
    %c0_i32_0 = arith.constant 0 : i32
    return %arg0, %c0_i32 : i32, i32
  }
  func.func @transform_1(%arg0: i32) -> (i32, i32) {
    %c0_i32 = arith.constant 0 : i32
    %c0_i32_0 = arith.constant 0 : i32
    %c0_i32_1 = arith.constant 0 : i32
    return %c0_i32, %c0_i32_0 : i32, i32
  }
  func.func @transform_2(%arg0: i32) -> (i32, i32) {
    %c0_i32 = arith.constant 0 : i32
    %c0_i32_0 = arith.constant 0 : i32
    %c0_i32_1 = arith.constant 0 : i32
    return %c0_i32, %c0_i32_0 : i32, i32
  }
  func.func @transform_3(%arg0: i32) -> (i32, i32, i32) {
    %c0_i32 = arith.constant 0 : i32
    %c0_i32_0 = arith.constant 0 : i32
    %c0_i32_1 = arith.constant 0 : i32
    return %c0_i32, %arg0, %c0_i32_0 : i32, i32, i32
  }
  func.func @transform_4(%arg0: i32) -> (i32, i32, i32) {
    %c1_i32 = arith.constant 1 : i32
    %c0_i32 = arith.constant 0 : i32
    %c0_i32_0 = arith.constant 0 : i32
    return %c1_i32, %arg0, %c0_i32 : i32, i32, i32
  }
  func.func @transform_5(%arg0: i32) -> (i32, i32) {
    %c0_i32 = arith.constant 0 : i32
    %c0_i32_0 = arith.constant 0 : i32
    return %arg0, %c0_i32 : i32, i32
  }
  func.func @transform_6(%arg0: i32) -> (i32, i32) {
    %c0_i32 = arith.constant 0 : i32
    %c0_i32_0 = arith.constant 0 : i32
    return %arg0, %c0_i32 : i32, i32
  }
}

module attributes {stable_mosaic.version = 14 : i64} {
  func.func @_tc_b_body(%arg0: i32, %arg1: memref<1x5000x128xf32, #tpu.memory_space<vmem>>, %arg2: memref<1x5000x128xf32, #tpu.memory_space<vmem>>, %arg3: memref<5000x128xf32, #tpu.memory_space<vmem>>, %arg4: memref<5000x1xf32, #tpu.memory_space<vmem>>, %arg5: memref<5000x128xf32, #tpu.memory_space<vmem>>) attributes {dimension_semantics = [#tpu.dimension_semantics<arbitrary>], iteration_bounds = array<i64: 2>, scalar_prefetch = 0 : i64, scratch_operands = 0 : i64, tpu.core_type = #tpu.core_type<tc>, window_params = [{transform_indices = @transform_0, window_bounds = array<i64: 1, 5000, 128>}, {transform_indices = @transform_1, window_bounds = array<i64: 1, 5000, 128>}, {transform_indices = @transform_2, window_bounds = array<i64: 5000, 128>}, {transform_indices = @transform_3, window_bounds = array<i64: 5000, 1>}, {transform_indices = @transform_4, window_bounds = array<i64: 5000, 128>}]} {
    %get3A = arith.constant 0 : index
    %get3A_0 = arith.constant 0 : index
    %get3A_1 = vector.load %arg4[%get3A, %get3A_0] : memref<5000x1xf32, #tpu.memory_space<vmem>>, vector<5000x1xf32>
    %get3A_2 = arith.constant 0 : index
    %get3A_3 = arith.constant 0 : index
    %get3A_4 = arith.constant 0 : index
    %get3A_5 = vector.load %arg1[%get3A_2, %get3A_3, %get3A_4] : memref<1x5000x128xf32, #tpu.memory_space<vmem>>, vector<1x5000x128xf32>
    %get3A_6 = vector.shape_cast %get3A_5 : vector<1x5000x128xf32> to vector<5000x128xf32>
    %get3A_7 = arith.constant 0 : index
    %get3A_8 = arith.constant 0 : index
    %get3A_9 = arith.constant 0 : index
    %get3A_10 = vector.load %arg2[%get3A_7, %get3A_8, %get3A_9] : memref<1x5000x128xf32, #tpu.memory_space<vmem>>, vector<1x5000x128xf32>
    %get3A_11 = vector.shape_cast %get3A_10 : vector<1x5000x128xf32> to vector<5000x128xf32>
    %add3A = arith.addf %get3A_6, %get3A_11 : vector<5000x128xf32>
    %get3A_12 = arith.constant 0 : index
    %get3A_13 = arith.constant 0 : index
    %get3A_14 = vector.load %arg3[%get3A_12, %get3A_13] : memref<5000x128xf32, #tpu.memory_space<vmem>>, vector<5000x128xf32>
    %add3A_15 = arith.addf %add3A, %get3A_14 : vector<5000x128xf32>
    %mul3A = vector.broadcast %get3A_1 : vector<5000x1xf32> to vector<5000x128xf32>
    %mul3A_16 = arith.mulf %mul3A, %add3A_15 : vector<5000x128xf32>
    %swap3A = arith.constant 0 : index
    %swap3A_17 = arith.constant 0 : index
    %swap3A_18 = vector.load %arg5[%swap3A, %swap3A_17] : memref<5000x128xf32, #tpu.memory_space<vmem>>, vector<5000x128xf32>
    tpu.vector_store %arg5[%swap3A, %swap3A_17], %mul3A_16 {strides = array<i32>} : memref<5000x128xf32, #tpu.memory_space<vmem>>, vector<5000x128xf32>,
    return
  }
  func.func @transform_0(%arg0: i32) -> (i32, i32, i32) {
    %c0_i32 = arith.constant 0 : i32
    %c0_i32_0 = arith.constant 0 : i32
    %c0_i32_1 = arith.constant 0 : i32
    return %c0_i32, %arg0, %c0_i32_0 : i32, i32, i32
  }
  func.func @transform_1(%arg0: i32) -> (i32, i32, i32) {
    %c1_i32 = arith.constant 1 : i32
    %c0_i32 = arith.constant 0 : i32
    %c0_i32_0 = arith.constant 0 : i32
    return %c1_i32, %arg0, %c0_i32 : i32, i32, i32
  }
  func.func @transform_2(%arg0: i32) -> (i32, i32) {
    %c0_i32 = arith.constant 0 : i32
    %c0_i32_0 = arith.constant 0 : i32
    return %arg0, %c0_i32 : i32, i32
  }
  func.func @transform_3(%arg0: i32) -> (i32, i32) {
    %c0_i32 = arith.constant 0 : i32
    %c0_i32_0 = arith.constant 0 : i32
    return %arg0, %c0_i32 : i32, i32
  }
  func.func @transform_4(%arg0: i32) -> (i32, i32) {
    %c0_i32 = arith.constant 0 : i32
    %c0_i32_0 = arith.constant 0 : i32
    return %arg0, %c0_i32 : i32, i32
  }
}

</mosaic_0001>

<sc_bundles>
// kernel: kernel.6.cloned.1.call-start
scs
__scs_entry_jumppad:
0x0: {  	(pc) =	sbr.rel $0x88, $3  }
0x1: {  	(tag) =	ssettag $0x0;
	lr =	simm.s32 $0x1  }
0x2: {  	[smem:$0x3F9D] =	sst lr;
	_ =	strace $0xD0000000  }
0x3: {  	_ = 	snop  }
0x4: {  	_ = 	snop  }
0x5: {  	_ = 	snop  }
0x6: {  	_ = 	snop  }
0x7: {  	_ = 	snop  }
__scs_overlays_trampoline_lowered:
0x8: {  	[smem:$0x3FAC] =	sst s0  }
0x9: {  	[smem:$0x3FAD] =	sst s1  }
0xa: {  	[smem:$0x3FAE] =	sst s2  }
0xb: {  	[smem:$0x3FAF] =	sst s3  }
0xc: {  	[smem:$0x3FB0] =	sst s4  }
0xd: {  	[smem:$0x3FB1] =	sst s5  }
0xe: {  	[smem:$0x3FB2] =	sst s6  }
0xf: {  	[smem:$0x3FB3] =	sst s7  }
0x10: {  	[smem:$0x3FB4] =	sst s8  }
0x11: {  	[smem:$0x3FB5] =	sst s9;
	s0 =	simm.s32 @!p0 $0x0  }
0x12: {  	s1 =	sld [smem:$0x3F9B];
	s0 =	simm.s32 @p0 $0x1  }
0x13: {  	[smem:$0x3FB6] =	sst s0;
	s0 =	simm.s32 @!p1 $0x0  }
0x14: {  	s2 =	sld [smem:$0x3F9A];
	s0 =	simm.s32 @p1 $0x1  }
0x15: {  	[smem:$0x3FB7] =	sst s0;
	s0 =	simm.s32 @!p2 $0x0  }
0x16: {  	s3 =	sld [smem:$0x3FDB];
	s0 =	simm.s32 @p2 $0x1  }
0x17: {  	s4 =	simm.s32 $0x1BF5;
	[smem:$0x3FB9] =	sst s0  }
0x18: {  	s0 =	sld [smem:$0x3F9C];
	_ =	swait.ge [sflag:s4], $0x0  }
0x19: {  	s7 =	sld [smem:$0x3F9D]  }
0x1a: {  	s8 =	sadd.s32 $0xFFFFE003, lr  }
0x1b: {  	s9 =	sadd.s32 $0xFFFFFEF7, lr;
	s5 =	simm.s32 $0xFFFFFFFF;
	p2 =	slt.u32 s8, $0xFFFFF086  }
0x1c: {  	p1 =	slt.u32 s9, $0xF7A;
	s5 =	simm.s32 @!p2 $0x0  }
0x1d: {  	s5 =	simm.s32 @p1 $0x1;
	p0 =	seq.s32 s7, s2  }
0x1e: {  	s7 =	smul.u32 @!p0 $0xF7A, s2;
	p2 =	seq.s32 @!p0 s5, $0x0  }
0x1f: {  	s9 =	smul.u32 $0xF7A, s1;
	s8 =	simm.s32 @!p0 $0x1BF5;
	p2 =	por !p2, p0  }
0x20: {  	[sflag:s8] =	ssyncset.s32 @!p0 $0xFFFFF086;
	s6 =	sadd.s32 @!p0 s3, s7;
	s7 =	simm.s32 @!p0 $0x108  }
0x21: {  	s3 =	sadd.s32 s3, s9;
	s6 =	sadd.s32 @!p0 $0x88, s6;
	s7 =	simm.s32 @p2 $0x1082  }
0x22: {  	[simem:s7], [sflag:s8] =	dma.local @!p0 [hbm:s6], $0xF7A  }
0x23: {  	s9 =	sor.u32 $0xD0000000, s2;
	s6 =	simm.s32 $0x108;
	_ =	swait.ge @!p0 [sflag:s8], $0x0  }
0x24: {  	s3 =	sadd.s32 $0x88, s3;
	s6 =	simm.s32 @!p1 $0x1082;
	[sflag:s4] =	ssyncset.s32 $0xFFFFF086  }
0x25: {  	[simem:s6], [sflag:s4] =	dma.local [hbm:s3], $0xF7A  }
0x26: {  	[smem:$0x3F9D] =	sst s1;
	(tag) =	ssettag s2;
	_ =	strace s9  }
0x27: {  	s1 =	sld [smem:$0x3FAD]  }
0x28: {  	s2 =	sld [smem:$0x3FAE]  }
0x29: {  	s4 =	sld [smem:$0x3FB0]  }
0x2a: {  	p0 =	seq.s32 s5, $0x0;
	s5 =	sld [smem:$0x3FB1]  }
0x2b: {  	s6 =	sld [smem:$0x3FB2]  }
0x2c: {  	s7 =	sld [smem:$0x3FB3]  }
0x2d: {  	s3 =	simm.s32 $0x108;
	s8 =	sld [smem:$0x3FB4]  }
0x2e: {  	s3 =	simm.s32 @!p0 $0x1082;
	s9 =	sld [smem:$0x3FB5]  }
0x2f: {  	lr =	sadd.s32 s0, s3;
	s0 =	sld [smem:$0x3FAC]  }
0x30: {  	s3 =	sld [smem:$0x3FAF]  }
0x31: {  	[smem:$0x3FB8] =	sst s10  }
0x32: {  	s10 =	sld [smem:$0x3FB6];
	_ =	sdelay $0x3  }
0x33: {  	p0 =	seq.s32 s10, $0x1;
	s10 =	sld [smem:$0x3FB8];
	_ =	sdelay $0x3  }
0x34: {  	[smem:$0x3FB8] =	sst s10  }
0x35: {  	s10 =	sld [smem:$0x3FB7];
	_ =	sdelay $0x3  }
0x36: {  	p1 =	seq.s32 s10, $0x1;
	s10 =	sld [smem:$0x3FB8];
	_ =	sdelay $0x3  }
0x37: {  	[smem:$0x3FB8] =	sst s10  }
0x38: {  	s10 =	sld [smem:$0x3FB9]  }
0x39: {  	_ = 	snop;
	(pc) =	sbr.ind lr, $3  }
0x3a: {  	_ = 	snop  }
0x3b: {  	_ = 	snop  }
0x3c: {  	p2 =	seq.s32 s10, $0x1;
	s10 =	sld [smem:$0x3FB8]  }
0x3d: {  	_ =	shalt  }
0x3e: {  	_ =	shalt  }
0x3f: {  	_ =	shalt  }
0x40: {  	_ =	shalt  }
0x41: {  	_ =	shalt  }
0x42: {  	_ =	shalt  }
0x43: {  	_ =	shalt  }
0x44: {  	_ =	shalt  }
0x45: {  	_ =	shalt  }
0x46: {  	_ =	shalt  }
0x47: {  	_ =	shalt  }
0x48: {  	_ =	shalt  }
0x49: {  	_ =	shalt  }
0x4a: {  	_ =	shalt  }
0x4b: {  	_ =	shalt  }
0x4c: {  	_ =	shalt  }
0x4d: {  	_ =	shalt  }
0x4e: {  	_ =	shalt  }
0x4f: {  	_ =	shalt  }
0x50: {  	_ =	shalt  }
0x51: {  	_ =	shalt  }
0x52: {  	_ =	shalt  }
0x53: {  	_ =	shalt  }
0x54: {  	_ =	shalt  }
0x55: {  	_ =	shalt  }
0x56: {  	_ =	shalt  }
0x57: {  	_ =	shalt  }
0x58: {  	_ =	shalt  }
0x59: {  	_ =	shalt  }
0x5a: {  	_ =	shalt  }
0x5b: {  	_ =	shalt  }
0x5c: {  	_ =	shalt  }
0x5d: {  	_ =	shalt  }
0x5e: {  	_ =	shalt  }
0x5f: {  	_ =	shalt  }
0x60: {  	_ =	shalt  }
0x61: {  	_ =	shalt  }
0x62: {  	_ =	shalt  }
0x63: {  	_ =	shalt  }
0x64: {  	_ =	shalt  }
0x65: {  	_ =	shalt  }
0x66: {  	_ =	shalt  }
0x67: {  	_ =	shalt  }
0x68: {  	_ =	shalt  }
0x69: {  	_ =	shalt  }
0x6a: {  	_ =	shalt  }
0x6b: {  	_ =	shalt  }
0x6c: {  	_ =	shalt  }
0x6d: {  	_ =	shalt  }
0x6e: {  	_ =	shalt  }
0x6f: {  	_ =	shalt  }
0x70: {  	_ =	shalt  }
0x71: {  	_ =	shalt  }
0x72: {  	_ =	shalt  }
0x73: {  	_ =	shalt  }
0x74: {  	_ =	shalt  }
0x75: {  	_ =	shalt  }
0x76: {  	_ =	shalt  }
0x77: {  	_ =	shalt  }
0x78: {  	_ =	shalt  }
0x79: {  	_ =	shalt  }
0x7a: {  	_ =	shalt  }
0x7b: {  	_ =	shalt  }
0x7c: {  	_ =	shalt  }
0x7d: {  	_ =	shalt  }
0x7e: {  	_ =	shalt  }
0x7f: {  	_ =	shalt  }
0x80: {  	_ =	shalt  }
0x81: {  	_ =	shalt  }
0x82: {  	_ =	shalt  }
0x83: {  	_ =	shalt  }
0x84: {  	_ =	shalt  }
0x85: {  	_ =	shalt  }
0x86: {  	_ =	shalt  }
0x87: {  	_ =	shalt  }
.Lfunc_end0:
.L_simem_size_0:
called_computation_lowered:
.L_overlay_start_0:
0x88: {  	s2 =	sld [smem:$0x3FD9]  }
0x89: {  	s3 =	sld [smem:$0x3FFE];
	_ =	sdelay $0x1  }
0x8a: {  	s1 =	srdreg.scid  }
0x8b: {  	s0 =	sand.u32 $0x1, s1  }
0x8c: {  	s17 =	sshll.u32 s0, $0xA;
	s2 =	sadd.s32 s3, s2  }
0x8d: {  	s2 =	sadd.s32 s2, s17  }
0x8e: {  	[smem:$0x3FC4] =	sst s2  }
0x8f: {  	_ = 	snop  }
0x90: {  	s2 =	sld [smem:$0x3FD0];
	(tm) =	ssettm $0x1  }
0x91: {  	s18 =	sld [smem:$0x3FFB];
	_ =	sdelay $0x3  }
0x92: {  	_ =	strace s18  }
0x93: {  	s3 =	sld [smem:$0x3FFC];
	_ =	sdelay $0x3  }
0x94: {  	_ =	strace s3  }
0x95: {  	s3 =	sld [smem:$0x3FFD];
	_ =	sdelay $0x3  }
0x96: {  	_ =	strace s3  }
0x97: {  	_ =	strace $0x8FFFFFFF  }
0x98: {  	s19 =	sld [smem:$0x3FDB];
	_ =	sdelay $0x1  }
0x99: {  	s4 =	simm.s32 $_scs_section_size  }
0x9a: {  	s5 =	simm.s32 $_size__tile_overlayer_lowered;
	s6 =	simm.s32 $_tile_overlayer_lowered  }
0x9b: {  	s22 =	simm.s32 $0x1BFF;
	s21 =	sshll.u32 s6, $0x1;
	s3 =	sadd.s32 s4, s19  }
0x9c: {  	s7 =	simm.s32 $0x0;
	s20 =	sshll.u32 s5, $0x1;
	s5 =	sadd.s32 s21, s3  }
0x9d: {  	[timem:s7], [sflag:s22] =	dma.local [hbm:s5], s20  }
0x9e: {  	_ =	swait.ge [sflag:s22], s20  }
0x9f: {  	s4 =	ssub.s32 $0x0, s20;
	[sflag:s22] =	ssyncset.done $0x0  }
0xa0: {  	[sflag:s22] =	ssyncadd.s32 s4;
	_ =	sdelay $0x1  }
0xa1: {  	s23 =	simm.s32 $0x1B8B  }
0xa2: {  	_ =	swait.ge [sflag:s23], $0x1  }
0xa3: {  	[sflag:s23] =	ssyncset.done $0x0  }
0xa4: {  	s25 =	simm.s32 $0x1B8E;
	s24 =	sld [smem:$0x3FFE];
	[sflag:s23] =	ssyncadd.s32 $0xFFFFFFFF  }
0xa5: {  	s26 =	simm.s32 $execute0_lowered;
	[smem:$0x3FD2] =	sst s25  }
0xa6: {  	s5 =	sshll.u32 s26, $0x1;
	_ =	strace $0x80000046;
	[dreg:$0x1] =	wrdreg $0xFFFFFFFF  }
0xa7: {  	s28 =	simm.s32 $_size_execute0_lowered;
	s3 =	sadd.s32 s3, s5;
	[dreg:$0x0] =	wrdreg $0x0  }
0xa8: {  	s5 =	sshll.u32 s28, $0x1;
	[dreg:$0x2] =	wrdreg s3  }
0xa9: {  	[dreg:$0x3] =	wrdreg s5  }
0xaa: {  	[dreg:$0x4] =	wrdreg $0xC0  }
0xab: {  	_ =	task [dreg:s7], $0x5FFFF  }
0xac: {  	[dreg:$0x1] =	wrdreg $0xFFFFFFFF  }
0xad: {  	[dreg:$0x0] =	wrdreg $0x60  }
0xae: {  	[dreg:$0x2] =	wrdreg s24  }
0xaf: {  	[dreg:$0x3] =	wrdreg s2  }
0xb0: {  	[dreg:$0x4] =	wrdreg $0x13000  }
0xb1: {  	[dreg:$0x5] =	wrdreg $0x9  }
0xb2: {  	_ =	task.clear_ibuf [dreg:s7], $0x6FFFF;
	_ =	strace $0x90000046  }
0xb3: {  	s29 =	simm.s32 $0x9;
	_ =	strace $0x80000048  }
0xb4: {  	_ =	swait.ge [sflag:s29], $0x1  }
0xb5: {  	[sflag:s29] =	ssyncadd.s32 $0xFFFFFFFF  }
0xb6: {  	_ =	strace $0x90000048  }
0xb7: {  	_ =	sfence  }
0xb8: {  	s30 =	sld [smem:$0x0];
	_ =	sdelay $0x2  }
0xb9: {  	s31 =	sshll.u32 s1, $0xD;
	s1 =	sshrl.u32 s1, $0x2  }
0xba: {  	s3 =	sand.u32 $0x4000, s31;
	s1 =	sadd.s32 s1, s30  }
0xbb: {  	s0 =	sor.u32 s3, s0;
	s1 =	sshll.u32 s1, $0x11  }
0xbc: {  	s0 =	sor.u32 s1, s0  }
0xbd: {  	s0 =	sadd.s32 $0x8F2B, s0  }
0xbe: {  	[sflag:s0] =	ssyncadd.remote.s32 $0x1  }
0xbf: {  	_ =	sfence.sel $0xFFFF  }
0xc0: {  	[dreg:$0x0] =	wrdreg $0xFFFFFFFF;
	(pc) =	sbr.abs _section_cstart, $3  }
0xc1: {  	[dreg:$0x1] =	wrdreg $0xFFFFFFFF  }
0xc2: {  	_ =	task.clear_ibuf [dreg:s7], $0x2FFFF;
	_ =	strace $0x9FFFFFFF  }
0xc3: {  	(tm) =	ssettm $0x7FFFFFFF  }
tec
execute0_lowered:
.L_overlay_start_1:
0x0: {  	(tag) =	ssettag $0x1  }
0x1: {  	s0 =	rddreg [dreg:$0x0]  }
0x2: {  	s1 =	srdreg.scid;
	s4 =	rddreg [dreg:$0x1]  }
0x3: {  	s7 =	stileid.u32;
	s2 =	rddreg [dreg:$0x2]  }
0x4: {  	s3 =	simm.s32 $0x0;
	s9 =	simm.s32 $0x50;
	s10 =	simm.s32 $0x1280  }
0x5: {  	s25 =	simm.s32 $0x180;
	s12 =	simm.s32 $0x80;
	s26 =	simm.s32 $0x200  }
0x6: {  	s13 =	simm.s32 $0x100;
	s14 =	simm.s32 $0x300;
	s15 =	simm.s32 $0x380  }
0x7: {  	s16 =	simm.s32 $0x400;
	s17 =	simm.s32 $0x480;
	s18 =	simm.s32 $0x500  }
0x8: {  	s19 =	simm.s32 $0x580;
	s20 =	simm.s32 $0x600;
	s21 =	simm.s32 $0x680  }
0x9: {  	s28 =	simm.s32 $0x980;
	s29 =	simm.s32 $0xA00;
	s5 =	smul.u32 $0xA000, s7  }
0xa: {  	s30 =	simm.s32 $0xA80;
	s31 =	simm.s32 $0xB00;
	s22 =	smul.u32 $0xA00, s7  }
0xb: {  	s1 =	sand.u32 $0x1, s1;
	[smem:$0x7FF] =	sst s3;
	s7 =	smul.u32 $0x500, s7  }
0xc: {  	s11 =	simm.s32 $0x0;
	s6 =	smul.u32 $0x5000, s1;
	_ =	strace $0x80000047  }
0xd: {  	s23 =	ssub.s32 $0x2, s1;
	s1 =	sshll.u32 s1, $0x7;
	[dreg:$0x5] =	wrdreg s25  }
0xe: {  	[dreg:$0x6] =	wrdreg s26;
	s25 =	simm.s32 $0x880;
	s26 =	simm.s32 $0x900  }
0xf: {  	s8 =	sshrl.u32 s23, $0x1;
	s1 =	sor.u32 s1, s7;
	s5 =	sadd.s32 s6, s5  }
0x10: {  	s6 =	sshrl.u32 s22, $0x2;
	s1 =	sshrl.u32 s1, $0x3;
	s22 =	simm.s32 $0x700  }
0x11: {  	s5 =	sshrl.u32 s5, $0x3;
	s6 =	sadd.s32 s6, s2;
	s1 =	sadd.s32 s4, s1  }
0x12: {  	s4 =	simm.s32 $0x1000;
	s0 =	sadd.s32 s5, s0;
	s5 =	ssub.s32 s23, s8  }
0x13: {  	[dreg:$0x8] =	wrdreg s1;
	s8 =	simm.s32 $0x2;
	s23 =	simm.s32 $0x780  }
0x14: {  	s1 =	simm.s32 $0xB80;
	[dreg:$0x7] =	wrdreg s6;
	s24 =	smax.u32 s5, $0x1  }
0x15: {  	s0 =	sadd.s32 $0x1C00, s0;
	s5 =	simm.s32 $0x1;
	[dreg:$0x9] =	wrdreg s24  }
0x16: {  	v0 =	vimm.f32 $0.0e+00;
	v1 =	vimm.f32 $1.000000000e+00;
	[dreg:$0x4] =	wrdreg s0;
	s24 =	simm.s32 $0x800;
	s0 =	simm.s32 $0xC00  }
.LBB2_1:
0x17: {  	[tilespmem:$0x1000] =	vst v0  }
0x18: {  	[tilespmem:$0x1010] =	vst v0  }
0x19: {  	[tilespmem:$0x1020] =	vst v0  }
0x1a: {  	[tilespmem:$0x1030] =	vst v0  }
0x1b: {  	[tilespmem:$0x1040] =	vst v0  }
0x1c: {  	[tilespmem:$0x1050] =	vst v0  }
0x1d: {  	[tilespmem:$0x1060] =	vst v0  }
0x1e: {  	[tilespmem:$0x1070] =	vst v0  }
0x1f: {  	[tilespmem:$0x1080] =	vst v0  }
0x20: {  	[tilespmem:$0x1090] =	vst v0  }
0x21: {  	[tilespmem:$0x10A0] =	vst v0  }
0x22: {  	[tilespmem:$0x10B0] =	vst v0  }
0x23: {  	[tilespmem:$0x10C0] =	vst v0  }
0x24: {  	[tilespmem:$0x10D0] =	vst v0  }
0x25: {  	[tilespmem:$0x10E0] =	vst v0  }
0x26: {  	[tilespmem:$0x10F0] =	vst v0  }
0x27: {  	[tilespmem:$0x1100] =	vst v0  }
0x28: {  	[tilespmem:$0x1110] =	vst v0  }
0x29: {  	[tilespmem:$0x1120] =	vst v0  }
0x2a: {  	[tilespmem:$0x1130] =	vst v0  }
0x2b: {  	[tilespmem:$0x1140] =	vst v0  }
0x2c: {  	[tilespmem:$0x1150] =	vst v0  }
0x2d: {  	[tilespmem:$0x1160] =	vst v0  }
0x2e: {  	[tilespmem:$0x1170] =	vst v0  }
0x2f: {  	[tilespmem:$0x1180] =	vst v0  }
0x30: {  	[tilespmem:$0x1190] =	vst v0  }
0x31: {  	[tilespmem:$0x11A0] =	vst v0  }
0x32: {  	[tilespmem:$0x11B0] =	vst v0  }
0x33: {  	[tilespmem:$0x11C0] =	vst v0  }
0x34: {  	[tilespmem:$0x11D0] =	vst v0  }
0x35: {  	[tilespmem:$0x11E0] =	vst v0  }
0x36: {  	[tilespmem:$0x11F0] =	vst v0  }
0x37: {  	[tilespmem:$0x1200] =	vst v0  }
0x38: {  	[tilespmem:$0x1210] =	vst v0  }
0x39: {  	[tilespmem:$0x1220] =	vst v0  }
0x3a: {  	[tilespmem:$0x1230] =	vst v0  }
0x3b: {  	[tilespmem:$0x1240] =	vst v0  }
0x3c: {  	[tilespmem:$0x1250] =	vst v0  }
0x3d: {  	[tilespmem:$0x1260] =	vst v0  }
0x3e: {  	[tilespmem:$0x1270] =	vst v0  }
0x3f: {  	[tilespmem:$0x1280] =	vst v1  }
0x40: {  	[tilespmem:$0x1290] =	vst v1  }
0x41: {  	[tilespmem:$0x12A0] =	vst v1  }
0x42: {  	[tilespmem:$0x12B0] =	vst v1  }
0x43: {  	[dreg:$0xa] =	wrdreg s11;
	[tilespmem:$0x12C0] =	vst v1  }
0x44: {  	[spmem:s6] =	stream.linear.scatter [tilespmem:s4], [sflag:$0x2], $0x280, $0x38;
	[tilespmem:$0x1580] =	vst v63  }
0x45: {  	_ =	swait.ge [sflag:s8], $0x280  }
0x46: {  	[sflag:s8] =	ssyncset.done $0x0  }
0x47: {  	[sflag:s8] =	ssyncadd.s32 $0xFFFFFD80  }
0x48: {  	[bflag:$0x0] =	sbarrier.arrive $0xFFFF  }
0x49: {  	s11 =	rddreg [dreg:$0x4]  }
0x4a: {  	s4 =	sadd.s32 $0x0, s11  }
0x4b: {  	[tilespmem:s3], [sflag:$0x2] =	stream.linear.gather [hbm4b:s4+s3], $0xC80, $0x38;
	[tilespmem:$0x1580] =	vst v63  }
0x4c: {  	_ =	swait.ge [sflag:s8], $0xC80  }
0x4d: {  	[sflag:s8] =	ssyncset.done $0x0  }
0x4e: {  	[sflag:s8] =	ssyncadd.s32 $0xFFFFF380  }
0x4f: {  	[spmem:s2] =	stream.indirect.scatter.add.f32 [tilespmem:s10], [sflag:$0x1], $0x1, s3, s9, $0xb8;
	[tilespmem:$0x1580] =	vst v63  }
0x50: {  	_ = 	snop  }
0x51: {  	[spmem:s2] =	stream.indirect.scatter.add.f32 [tilespmem:s10], [sflag:$0x1], $0x1, s12, s9, $0xb8;
	[tilespmem:$0x1580] =	vst v63  }
0x52: {  	_ = 	snop  }
0x53: {  	[spmem:s2] =	stream.indirect.scatter.add.f32 [tilespmem:s10], [sflag:$0x1], $0x1, s13, s9, $0xb8;
	[tilespmem:$0x1580] =	vst v63  }
0x54: {  	s6 =	rddreg [dreg:$0x5]  }
0x55: {  	[spmem:s2] =	stream.indirect.scatter.add.f32 [tilespmem:s10], [sflag:$0x1], $0x1, s6, s9, $0xb8;
	[tilespmem:$0x1580] =	vst v63  }
0x56: {  	s7 =	rddreg [dreg:$0x6]  }
0x57: {  	[spmem:s2] =	stream.indirect.scatter.add.f32 [tilespmem:s10], [sflag:$0x1], $0x1, s7, s9, $0xb8;
	[tilespmem:$0x1580] =	vst v63  }
0x58: {  	s11 =	simm.s32 $0x280  }
0x59: {  	[spmem:s2] =	stream.indirect.scatter.add.f32 [tilespmem:s10], [sflag:$0x1], $0x1, s11, s9, $0xb8;
	[tilespmem:$0x1580] =	vst v63  }
0x5a: {  	_ = 	snop  }
0x5b: {  	[spmem:s2] =	stream.indirect.scatter.add.f32 [tilespmem:s10], [sflag:$0x1], $0x1, s14, s9, $0xb8;
	[tilespmem:$0x1580] =	vst v63  }
0x5c: {  	_ = 	snop  }
0x5d: {  	[spmem:s2] =	stream.indirect.scatter.add.f32 [tilespmem:s10], [sflag:$0x1], $0x1, s15, s9, $0xb8;
	[tilespmem:$0x1580] =	vst v63  }
0x5e: {  	_ = 	snop  }
0x5f: {  	[spmem:s2] =	stream.indirect.scatter.add.f32 [tilespmem:s10], [sflag:$0x1], $0x1, s16, s9, $0xb8;
	[tilespmem:$0x1580] =	vst v63  }
0x60: {  	_ = 	snop  }
0x61: {  	[spmem:s2] =	stream.indirect.scatter.add.f32 [tilespmem:s10], [sflag:$0x1], $0x1, s17, s9, $0xb8;
	[tilespmem:$0x1580] =	vst v63  }
0x62: {  	_ = 	snop  }
0x63: {  	[spmem:s2] =	stream.indirect.scatter.add.f32 [tilespmem:s10], [sflag:$0x1], $0x1, s18, s9, $0xb8;
	[tilespmem:$0x1580] =	vst v63  }
0x64: {  	_ = 	snop  }
0x65: {  	[spmem:s2] =	stream.indirect.scatter.add.f32 [tilespmem:s10], [sflag:$0x1], $0x1, s19, s9, $0xb8;
	[tilespmem:$0x1580] =	vst v63  }
0x66: {  	_ = 	snop  }
0x67: {  	[spmem:s2] =	stream.indirect.scatter.add.f32 [tilespmem:s10], [sflag:$0x1], $0x1, s20, s9, $0xb8;
	[tilespmem:$0x1580] =	vst v63  }
0x68: {  	_ = 	snop  }
0x69: {  	[spmem:s2] =	stream.indirect.scatter.add.f32 [tilespmem:s10], [sflag:$0x1], $0x1, s21, s9, $0xb8;
	[tilespmem:$0x1580] =	vst v63  }
0x6a: {  	_ = 	snop  }
0x6b: {  	[spmem:s2] =	stream.indirect.scatter.add.f32 [tilespmem:s10], [sflag:$0x1], $0x1, s22, s9, $0xb8;
	[tilespmem:$0x1580] =	vst v63  }
0x6c: {  	_ = 	snop  }
0x6d: {  	[spmem:s2] =	stream.indirect.scatter.add.f32 [tilespmem:s10], [sflag:$0x1], $0x1, s23, s9, $0xb8;
	[tilespmem:$0x1580] =	vst v63  }
0x6e: {  	_ = 	snop  }
0x6f: {  	[spmem:s2] =	stream.indirect.scatter.add.f32 [tilespmem:s10], [sflag:$0x1], $0x1, s24, s9, $0xb8;
	[tilespmem:$0x1580] =	vst v63  }
0x70: {  	_ = 	snop  }
0x71: {  	[spmem:s2] =	stream.indirect.scatter.add.f32 [tilespmem:s10], [sflag:$0x1], $0x1, s25, s9, $0xb8;
	[tilespmem:$0x1580] =	vst v63  }
0x72: {  	_ = 	snop  }
0x73: {  	[spmem:s2] =	stream.indirect.scatter.add.f32 [tilespmem:s10], [sflag:$0x1], $0x1, s26, s9, $0xb8;
	[tilespmem:$0x1580] =	vst v63  }
0x74: {  	_ = 	snop  }
0x75: {  	[spmem:s2] =	stream.indirect.scatter.add.f32 [tilespmem:s10], [sflag:$0x1], $0x1, s28, s9, $0xb8;
	[tilespmem:$0x1580] =	vst v63  }
0x76: {  	_ = 	snop  }
0x77: {  	[spmem:s2] =	stream.indirect.scatter.add.f32 [tilespmem:s10], [sflag:$0x1], $0x1, s29, s9, $0xb8;
	[tilespmem:$0x1580] =	vst v63  }
0x78: {  	_ = 	snop  }
0x79: {  	[spmem:s2] =	stream.indirect.scatter.add.f32 [tilespmem:s10], [sflag:$0x1], $0x1, s30, s9, $0xb8;
	[tilespmem:$0x1580] =	vst v63  }
0x7a: {  	_ = 	snop  }
0x7b: {  	[spmem:s2] =	stream.indirect.scatter.add.f32 [tilespmem:s10], [sflag:$0x1], $0x1, s31, s9, $0xb8;
	[tilespmem:$0x1580] =	vst v63  }
0x7c: {  	_ = 	snop  }
0x7d: {  	[spmem:s2] =	stream.indirect.scatter.add.f32 [tilespmem:s10], [sflag:$0x1], $0x1, s1, s9, $0xb8;
	[tilespmem:$0x1580] =	vst v63  }
0x7e: {  	_ = 	snop  }
0x7f: {  	[spmem:s2] =	stream.indirect.scatter.add.f32 [tilespmem:s10], [sflag:$0x1], $0x1, s0, s9, $0xb8;
	[tilespmem:$0x1580] =	vst v63  }
0x80: {  	_ =	swait.ge [sflag:s5], $0x50  }
0x81: {  	[sflag:s5] =	ssyncset.done $0x0  }
0x82: {  	[sflag:s5] =	ssyncadd.s32 $0xFFFFFFB0  }
0x83: {  	_ =	swait.ge [sflag:s5], $0x50  }
0x84: {  	[sflag:s5] =	ssyncset.done $0x0  }
0x85: {  	[sflag:s5] =	ssyncadd.s32 $0xFFFFFFB0  }
0x86: {  	_ =	swait.ge [sflag:s5], $0x50  }
0x87: {  	[sflag:s5] =	ssyncset.done $0x0  }
0x88: {  	[sflag:s5] =	ssyncadd.s32 $0xFFFFFFB0  }
0x89: {  	_ =	swait.ge [sflag:s5], $0x50  }
0x8a: {  	[sflag:s5] =	ssyncset.done $0x0  }
0x8b: {  	[sflag:s5] =	ssyncadd.s32 $0xFFFFFFB0  }
0x8c: {  	_ =	swait.ge [sflag:s5], $0x50  }
0x8d: {  	[sflag:s5] =	ssyncset.done $0x0  }
0x8e: {  	[sflag:s5] =	ssyncadd.s32 $0xFFFFFFB0  }
0x8f: {  	_ =	swait.ge [sflag:s5], $0x50  }
0x90: {  	[sflag:s5] =	ssyncset.done $0x0  }
0x91: {  	[sflag:s5] =	ssyncadd.s32 $0xFFFFFFB0  }
0x92: {  	_ =	swait.ge [sflag:s5], $0x50  }
0x93: {  	[sflag:s5] =	ssyncset.done $0x0  }
0x94: {  	[sflag:s5] =	ssyncadd.s32 $0xFFFFFFB0  }
0x95: {  	_ =	swait.ge [sflag:s5], $0x50  }
0x96: {  	[sflag:s5] =	ssyncset.done $0x0  }
0x97: {  	[sflag:s5] =	ssyncadd.s32 $0xFFFFFFB0  }
0x98: {  	_ =	swait.ge [sflag:s5], $0x50  }
0x99: {  	[sflag:s5] =	ssyncset.done $0x0  }
0x9a: {  	[sflag:s5] =	ssyncadd.s32 $0xFFFFFFB0  }
0x9b: {  	_ =	swait.ge [sflag:s5], $0x50  }
0x9c: {  	[sflag:s5] =	ssyncset.done $0x0  }
0x9d: {  	[sflag:s5] =	ssyncadd.s32 $0xFFFFFFB0  }
0x9e: {  	_ =	swait.ge [sflag:s5], $0x50  }
0x9f: {  	[sflag:s5] =	ssyncset.done $0x0  }
0xa0: {  	[sflag:s5] =	ssyncadd.s32 $0xFFFFFFB0  }
0xa1: {  	_ =	swait.ge [sflag:s5], $0x50  }
0xa2: {  	[sflag:s5] =	ssyncset.done $0x0  }
0xa3: {  	[sflag:s5] =	ssyncadd.s32 $0xFFFFFFB0  }
0xa4: {  	_ =	swait.ge [sflag:s5], $0x50  }
0xa5: {  	[sflag:s5] =	ssyncset.done $0x0  }
0xa6: {  	[sflag:s5] =	ssyncadd.s32 $0xFFFFFFB0  }
0xa7: {  	_ =	swait.ge [sflag:s5], $0x50  }
0xa8: {  	[sflag:s5] =	ssyncset.done $0x0  }
0xa9: {  	[sflag:s5] =	ssyncadd.s32 $0xFFFFFFB0  }
0xaa: {  	_ =	swait.ge [sflag:s5], $0x50  }
0xab: {  	[sflag:s5] =	ssyncset.done $0x0  }
0xac: {  	[sflag:s5] =	ssyncadd.s32 $0xFFFFFFB0  }
0xad: {  	_ =	swait.ge [sflag:s5], $0x50  }
0xae: {  	[sflag:s5] =	ssyncset.done $0x0  }
0xaf: {  	[sflag:s5] =	ssyncadd.s32 $0xFFFFFFB0  }
0xb0: {  	_ =	swait.ge [sflag:s5], $0x50  }
0xb1: {  	[sflag:s5] =	ssyncset.done $0x0  }
0xb2: {  	[sflag:s5] =	ssyncadd.s32 $0xFFFFFFB0  }
0xb3: {  	_ =	swait.ge [sflag:s5], $0x50  }
0xb4: {  	[sflag:s5] =	ssyncset.done $0x0  }
0xb5: {  	[sflag:s5] =	ssyncadd.s32 $0xFFFFFFB0  }
0xb6: {  	_ =	swait.ge [sflag:s5], $0x50  }
0xb7: {  	[sflag:s5] =	ssyncset.done $0x0  }
0xb8: {  	[sflag:s5] =	ssyncadd.s32 $0xFFFFFFB0  }
0xb9: {  	_ =	swait.ge [sflag:s5], $0x50  }
0xba: {  	[sflag:s5] =	ssyncset.done $0x0  }
0xbb: {  	[sflag:s5] =	ssyncadd.s32 $0xFFFFFFB0  }
0xbc: {  	_ =	swait.ge [sflag:s5], $0x50  }
0xbd: {  	[sflag:s5] =	ssyncset.done $0x0  }
0xbe: {  	[sflag:s5] =	ssyncadd.s32 $0xFFFFFFB0  }
0xbf: {  	_ =	swait.ge [sflag:s5], $0x50  }
0xc0: {  	[sflag:s5] =	ssyncset.done $0x0  }
0xc1: {  	[sflag:s5] =	ssyncadd.s32 $0xFFFFFFB0  }
0xc2: {  	_ =	swait.ge [sflag:s5], $0x50  }
0xc3: {  	[sflag:s5] =	ssyncset.done $0x0  }
0xc4: {  	[sflag:s5] =	ssyncadd.s32 $0xFFFFFFB0  }
0xc5: {  	_ =	swait.ge [sflag:s5], $0x50  }
0xc6: {  	[sflag:s5] =	ssyncset.done $0x0  }
0xc7: {  	[sflag:s5] =	ssyncadd.s32 $0xFFFFFFB0  }
0xc8: {  	s4 =	simm.s32 $0x400;
	_ =	swait.ge [sflag:s5], $0x50  }
0xc9: {  	s7 =	simm.s32 $0x200;
	s6 =	rddreg [dreg:$0x4];
	[sflag:s5] =	ssyncset.done $0x0  }
.LBB2_2:
0xca: {  	[sflag:s5] =	ssyncadd.s32 $0xFFFFFFB0;
	s6 =	sadd.s32 s7, s6  }
0xcb: {  	[tilespmem:s3], [sflag:$0x2] =	stream.linear.gather [hbm4b:s6+s3], $0xC80, $0x38;
	[tilespmem:$0x1580] =	vst v63  }
0xcc: {  	_ =	swait.ge [sflag:s8], $0xC80  }
0xcd: {  	[sflag:s8] =	ssyncset.done $0x0  }
0xce: {  	[sflag:s8] =	ssyncadd.s32 $0xFFFFF380  }
0xcf: {  	[spmem:s2] =	stream.indirect.scatter.add.f32 [tilespmem:s10], [sflag:$0x1], $0x1, s3, s9, $0xb8;
	[tilespmem:$0x1580] =	vst v63  }
0xd0: {  	_ = 	snop  }
0xd1: {  	[spmem:s2] =	stream.indirect.scatter.add.f32 [tilespmem:s10], [sflag:$0x1], $0x1, s12, s9, $0xb8;
	[tilespmem:$0x1580] =	vst v63  }
0xd2: {  	_ = 	snop  }
0xd3: {  	[spmem:s2] =	stream.indirect.scatter.add.f32 [tilespmem:s10], [sflag:$0x1], $0x1, s13, s9, $0xb8;
	[tilespmem:$0x1580] =	vst v63  }
0xd4: {  	s11 =	smov.u32 s4;
	s6 =	rddreg [dreg:$0x5]  }
0xd5: {  	[spmem:s2] =	stream.indirect.scatter.add.f32 [tilespmem:s10], [sflag:$0x1], $0x1, s6, s9, $0xb8;
	[tilespmem:$0x1580] =	vst v63  }
0xd6: {  	s7 =	smov.u32 s11;
	s11 =	rddreg [dreg:$0x6]  }
0xd7: {  	[spmem:s2] =	stream.indirect.scatter.add.f32 [tilespmem:s10], [sflag:$0x1], $0x1, s11, s9, $0xb8;
	[tilespmem:$0x1580] =	vst v63  }
0xd8: {  	s11 =	simm.s32 $0x280  }
0xd9: {  	[spmem:s2] =	stream.indirect.scatter.add.f32 [tilespmem:s10], [sflag:$0x1], $0x1, s11, s9, $0xb8;
	[tilespmem:$0x1580] =	vst v63  }
0xda: {  	_ = 	snop  }
0xdb: {  	[spmem:s2] =	stream.indirect.scatter.add.f32 [tilespmem:s10], [sflag:$0x1], $0x1, s14, s9, $0xb8;
	[tilespmem:$0x1580] =	vst v63  }
0xdc: {  	_ = 	snop  }
0xdd: {  	[spmem:s2] =	stream.indirect.scatter.add.f32 [tilespmem:s10], [sflag:$0x1], $0x1, s15, s9, $0xb8;
	[tilespmem:$0x1580] =	vst v63  }
0xde: {  	_ = 	snop  }
0xdf: {  	[spmem:s2] =	stream.indirect.scatter.add.f32 [tilespmem:s10], [sflag:$0x1], $0x1, s16, s9, $0xb8;
	[tilespmem:$0x1580] =	vst v63  }
0xe0: {  	_ = 	snop  }
0xe1: {  	[spmem:s2] =	stream.indirect.scatter.add.f32 [tilespmem:s10], [sflag:$0x1], $0x1, s17, s9, $0xb8;
	[tilespmem:$0x1580] =	vst v63  }
0xe2: {  	_ = 	snop  }
0xe3: {  	[spmem:s2] =	stream.indirect.scatter.add.f32 [tilespmem:s10], [sflag:$0x1], $0x1, s18, s9, $0xb8;
	[tilespmem:$0x1580] =	vst v63  }
0xe4: {  	_ = 	snop  }
0xe5: {  	[spmem:s2] =	stream.indirect.scatter.add.f32 [tilespmem:s10], [sflag:$0x1], $0x1, s19, s9, $0xb8;
	[tilespmem:$0x1580] =	vst v63  }
0xe6: {  	_ = 	snop  }
0xe7: {  	[spmem:s2] =	stream.indirect.scatter.add.f32 [tilespmem:s10], [sflag:$0x1], $0x1, s20, s9, $0xb8;
	[tilespmem:$0x1580] =	vst v63  }
0xe8: {  	_ = 	snop  }
0xe9: {  	[spmem:s2] =	stream.indirect.scatter.add.f32 [tilespmem:s10], [sflag:$0x1], $0x1, s21, s9, $0xb8;
	[tilespmem:$0x1580] =	vst v63  }
0xea: {  	_ = 	snop  }
0xeb: {  	[spmem:s2] =	stream.indirect.scatter.add.f32 [tilespmem:s10], [sflag:$0x1], $0x1, s22, s9, $0xb8;
	[tilespmem:$0x1580] =	vst v63  }
0xec: {  	_ = 	snop  }
0xed: {  	[spmem:s2] =	stream.indirect.scatter.add.f32 [tilespmem:s10], [sflag:$0x1], $0x1, s23, s9, $0xb8;
	[tilespmem:$0x1580] =	vst v63  }
0xee: {  	_ = 	snop  }
0xef: {  	[spmem:s2] =	stream.indirect.scatter.add.f32 [tilespmem:s10], [sflag:$0x1], $0x1, s24, s9, $0xb8;
	[tilespmem:$0x1580] =	vst v63  }
0xf0: {  	_ = 	snop  }
0xf1: {  	[spmem:s2] =	stream.indirect.scatter.add.f32 [tilespmem:s10], [sflag:$0x1], $0x1, s25, s9, $0xb8;
	[tilespmem:$0x1580] =	vst v63  }
0xf2: {  	_ = 	snop  }
0xf3: {  	[spmem:s2] =	stream.indirect.scatter.add.f32 [tilespmem:s10], [sflag:$0x1], $0x1, s26, s9, $0xb8;
	[tilespmem:$0x1580] =	vst v63  }
0xf4: {  	_ = 	snop  }
0xf5: {  	[spmem:s2] =	stream.indirect.scatter.add.f32 [tilespmem:s10], [sflag:$0x1], $0x1, s28, s9, $0xb8;
	[tilespmem:$0x1580] =	vst v63  }
0xf6: {  	_ = 	snop  }
0xf7: {  	[spmem:s2] =	stream.indirect.scatter.add.f32 [tilespmem:s10], [sflag:$0x1], $0x1, s29, s9, $0xb8;
	[tilespmem:$0x1580] =	vst v63  }
0xf8: {  	_ = 	snop  }
0xf9: {  	[spmem:s2] =	stream.indirect.scatter.add.f32 [tilespmem:s10], [sflag:$0x1], $0x1, s30, s9, $0xb8;
	[tilespmem:$0x1580] =	vst v63  }
0xfa: {  	_ = 	snop  }
0xfb: {  	[spmem:s2] =	stream.indirect.scatter.add.f32 [tilespmem:s10], [sflag:$0x1], $0x1, s31, s9, $0xb8;
	[tilespmem:$0x1580] =	vst v63  }
0xfc: {  	_ = 	snop  }
0xfd: {  	[spmem:s2] =	stream.indirect.scatter.add.f32 [tilespmem:s10], [sflag:$0x1], $0x1, s1, s9, $0xb8;
	[tilespmem:$0x1580] =	vst v63  }
0xfe: {  	_ = 	snop  }
0xff: {  	[spmem:s2] =	stream.indirect.scatter.add.f32 [tilespmem:s10], [sflag:$0x1], $0x1, s0, s9, $0xb8;
	[tilespmem:$0x1580] =	vst v63  }
0x100: {  	_ =	swait.ge [sflag:s5], $0x50  }
0x101: {  	[sflag:s5] =	ssyncset.done $0x0  }
0x102: {  	[sflag:s5] =	ssyncadd.s32 $0xFFFFFFB0  }
0x103: {  	_ =	swait.ge [sflag:s5], $0x50  }
0x104: {  	[sflag:s5] =	ssyncset.done $0x0  }
0x105: {  	[sflag:s5] =	ssyncadd.s32 $0xFFFFFFB0  }
0x106: {  	_ =	swait.ge [sflag:s5], $0x50  }
0x107: {  	[sflag:s5] =	ssyncset.done $0x0  }
0x108: {  	[sflag:s5] =	ssyncadd.s32 $0xFFFFFFB0  }
0x109: {  	_ =	swait.ge [sflag:s5], $0x50  }
0x10a: {  	[sflag:s5] =	ssyncset.done $0x0  }
0x10b: {  	[sflag:s5] =	ssyncadd.s32 $0xFFFFFFB0  }
0x10c: {  	_ =	swait.ge [sflag:s5], $0x50  }
0x10d: {  	[sflag:s5] =	ssyncset.done $0x0  }
0x10e: {  	[sflag:s5] =	ssyncadd.s32 $0xFFFFFFB0  }
0x10f: {  	_ =	swait.ge [sflag:s5], $0x50  }
0x110: {  	[sflag:s5] =	ssyncset.done $0x0  }
0x111: {  	[sflag:s5] =	ssyncadd.s32 $0xFFFFFFB0  }
0x112: {  	_ =	swait.ge [sflag:s5], $0x50  }
0x113: {  	[sflag:s5] =	ssyncset.done $0x0  }
0x114: {  	[sflag:s5] =	ssyncadd.s32 $0xFFFFFFB0  }
0x115: {  	_ =	swait.ge [sflag:s5], $0x50  }
0x116: {  	[sflag:s5] =	ssyncset.done $0x0  }
0x117: {  	[sflag:s5] =	ssyncadd.s32 $0xFFFFFFB0  }
0x118: {  	_ =	swait.ge [sflag:s5], $0x50  }
0x119: {  	[sflag:s5] =	ssyncset.done $0x0  }
0x11a: {  	[sflag:s5] =	ssyncadd.s32 $0xFFFFFFB0  }
0x11b: {  	_ =	swait.ge [sflag:s5], $0x50  }
0x11c: {  	[sflag:s5] =	ssyncset.done $0x0  }
0x11d: {  	[sflag:s5] =	ssyncadd.s32 $0xFFFFFFB0  }
0x11e: {  	_ =	swait.ge [sflag:s5], $0x50  }
0x11f: {  	[sflag:s5] =	ssyncset.done $0x0  }
0x120: {  	[sflag:s5] =	ssyncadd.s32 $0xFFFFFFB0  }
0x121: {  	_ =	swait.ge [sflag:s5], $0x50  }
0x122: {  	[sflag:s5] =	ssyncset.done $0x0  }
0x123: {  	[sflag:s5] =	ssyncadd.s32 $0xFFFFFFB0  }
0x124: {  	_ =	swait.ge [sflag:s5], $0x50  }
0x125: {  	[sflag:s5] =	ssyncset.done $0x0  }
0x126: {  	[sflag:s5] =	ssyncadd.s32 $0xFFFFFFB0  }
0x127: {  	_ =	swait.ge [sflag:s5], $0x50  }
0x128: {  	[sflag:s5] =	ssyncset.done $0x0  }
0x129: {  	[sflag:s5] =	ssyncadd.s32 $0xFFFFFFB0  }
0x12a: {  	_ =	swait.ge [sflag:s5], $0x50  }
0x12b: {  	[sflag:s5] =	ssyncset.done $0x0  }
0x12c: {  	[sflag:s5] =	ssyncadd.s32 $0xFFFFFFB0  }
0x12d: {  	_ =	swait.ge [sflag:s5], $0x50  }
0x12e: {  	[sflag:s5] =	ssyncset.done $0x0  }
0x12f: {  	[sflag:s5] =	ssyncadd.s32 $0xFFFFFFB0  }
0x130: {  	_ =	swait.ge [sflag:s5], $0x50  }
0x131: {  	[sflag:s5] =	ssyncset.done $0x0  }
0x132: {  	[sflag:s5] =	ssyncadd.s32 $0xFFFFFFB0  }
0x133: {  	_ =	swait.ge [sflag:s5], $0x50  }
0x134: {  	[sflag:s5] =	ssyncset.done $0x0  }
0x135: {  	[sflag:s5] =	ssyncadd.s32 $0xFFFFFFB0  }
0x136: {  	_ =	swait.ge [sflag:s5], $0x50  }
0x137: {  	[sflag:s5] =	ssyncset.done $0x0  }
0x138: {  	[sflag:s5] =	ssyncadd.s32 $0xFFFFFFB0  }
0x139: {  	_ =	swait.ge [sflag:s5], $0x50  }
0x13a: {  	[sflag:s5] =	ssyncset.done $0x0  }
0x13b: {  	[sflag:s5] =	ssyncadd.s32 $0xFFFFFFB0  }
0x13c: {  	_ =	swait.ge [sflag:s5], $0x50  }
0x13d: {  	[sflag:s5] =	ssyncset.done $0x0  }
0x13e: {  	[sflag:s5] =	ssyncadd.s32 $0xFFFFFFB0  }
0x13f: {  	_ =	swait.ge [sflag:s5], $0x50  }
0x140: {  	[sflag:s5] =	ssyncset.done $0x0  }
0x141: {  	[sflag:s5] =	ssyncadd.s32 $0xFFFFFFB0  }
0x142: {  	_ =	swait.ge [sflag:s5], $0x50  }
0x143: {  	[sflag:s5] =	ssyncset.done $0x0  }
0x144: {  	p0 =	sne.s32 s4, $0x800;
	[sflag:s5] =	ssyncadd.s32 $0xFFFFFFB0  }
.Ltmp0:
0x145: {  	_ =	swait.ge [sflag:s5], $0x50;
	(pc) =	sbr.rel @p0 .LBB2_2-.Ltmp0, $4  }
0x146: {  	[sflag:s5] =	ssyncset.done $0x0  }
0x147: {  	[sflag:s5] =	ssyncadd.s32 $0xFFFFFFB0  }
0x148: {  	_ =	swait.ge [sflag:s5], $0x50  }
0x149: {  	s4 =	sadd.s32 $0x200, s4;
	s6 =	rddreg [dreg:$0x4];
	[sflag:s5] =	ssyncset.done $0x0  }
0x14a: {  	[sflag:s5] =	ssyncadd.s32 $0xFFFFFFB0;
	s4 =	sadd.s32 s7, s6  }
0x14b: {  	[tilespmem:s3], [sflag:$0x2] =	stream.linear.gather [hbm4b:s4+s3], $0xC80, $0x38;
	[tilespmem:$0x1580] =	vst v63  }
0x14c: {  	_ =	swait.ge [sflag:s8], $0xC80  }
0x14d: {  	[sflag:s8] =	ssyncset.done $0x0  }
0x14e: {  	[sflag:s8] =	ssyncadd.s32 $0xFFFFF380  }
0x14f: {  	[spmem:s2] =	stream.indirect.scatter.add.f32 [tilespmem:s10], [sflag:$0x1], $0x1, s3, s9, $0xb8;
	[tilespmem:$0x1580] =	vst v63  }
0x150: {  	s11 =	simm.s32 $0x80  }
0x151: {  	[spmem:s2] =	stream.indirect.scatter.add.f32 [tilespmem:s10], [sflag:$0x1], $0x1, s11, s9, $0xb8;
	[tilespmem:$0x1580] =	vst v63  }
0x152: {  	s13 =	simm.s32 $0x100  }
0x153: {  	[spmem:s2] =	stream.indirect.scatter.add.f32 [tilespmem:s10], [sflag:$0x1], $0x1, s13, s9, $0xb8;
	[tilespmem:$0x1580] =	vst v63  }
0x154: {  	s12 =	rddreg [dreg:$0x5]  }
0x155: {  	[spmem:s2] =	stream.indirect.scatter.add.f32 [tilespmem:s10], [sflag:$0x1], $0x1, s12, s9, $0xb8;
	[tilespmem:$0x1580] =	vst v63  }
0x156: {  	s7 =	rddreg [dreg:$0x6]  }
0x157: {  	[spmem:s2] =	stream.indirect.scatter.add.f32 [tilespmem:s10], [sflag:$0x1], $0x1, s7, s9, $0xb8;
	[tilespmem:$0x1580] =	vst v63  }
0x158: {  	s11 =	simm.s32 $0x280  }
0x159: {  	[spmem:s2] =	stream.indirect.scatter.add.f32 [tilespmem:s10], [sflag:$0x1], $0x1, s11, s9, $0xb8;
	[tilespmem:$0x1580] =	vst v63  }
0x15a: {  	_ = 	snop  }
0x15b: {  	[spmem:s2] =	stream.indirect.scatter.add.f32 [tilespmem:s10], [sflag:$0x1], $0x1, s14, s9, $0xb8;
	[tilespmem:$0x1580] =	vst v63  }
0x15c: {  	_ = 	snop  }
0x15d: {  	[spmem:s2] =	stream.indirect.scatter.add.f32 [tilespmem:s10], [sflag:$0x1], $0x1, s15, s9, $0xb8;
	[tilespmem:$0x1580] =	vst v63  }
0x15e: {  	_ = 	snop  }
0x15f: {  	[spmem:s2] =	stream.indirect.scatter.add.f32 [tilespmem:s10], [sflag:$0x1], $0x1, s16, s9, $0xb8;
	[tilespmem:$0x1580] =	vst v63  }
0x160: {  	_ = 	snop  }
0x161: {  	[spmem:s2] =	stream.indirect.scatter.add.f32 [tilespmem:s10], [sflag:$0x1], $0x1, s17, s9, $0xb8;
	[tilespmem:$0x1580] =	vst v63  }
0x162: {  	_ = 	snop  }
0x163: {  	[spmem:s2] =	stream.indirect.scatter.add.f32 [tilespmem:s10], [sflag:$0x1], $0x1, s18, s9, $0xb8;
	[tilespmem:$0x1580] =	vst v63  }
0x164: {  	_ = 	snop  }
0x165: {  	[spmem:s2] =	stream.indirect.scatter.add.f32 [tilespmem:s10], [sflag:$0x1], $0x1, s19, s9, $0xb8;
	[tilespmem:$0x1580] =	vst v63  }
0x166: {  	_ = 	snop  }
0x167: {  	[spmem:s2] =	stream.indirect.scatter.add.f32 [tilespmem:s10], [sflag:$0x1], $0x1, s20, s9, $0xb8;
	[tilespmem:$0x1580] =	vst v63  }
0x168: {  	_ = 	snop  }
0x169: {  	[spmem:s2] =	stream.indirect.scatter.add.f32 [tilespmem:s10], [sflag:$0x1], $0x1, s21, s9, $0xb8;
	[tilespmem:$0x1580] =	vst v63  }
0x16a: {  	_ = 	snop  }
0x16b: {  	[spmem:s2] =	stream.indirect.scatter.add.f32 [tilespmem:s10], [sflag:$0x1], $0x1, s22, s9, $0xb8;
	[tilespmem:$0x1580] =	vst v63  }
0x16c: {  	_ = 	snop  }
0x16d: {  	[spmem:s2] =	stream.indirect.scatter.add.f32 [tilespmem:s10], [sflag:$0x1], $0x1, s23, s9, $0xb8;
	[tilespmem:$0x1580] =	vst v63  }
0x16e: {  	_ = 	snop  }
0x16f: {  	[spmem:s2] =	stream.indirect.scatter.add.f32 [tilespmem:s10], [sflag:$0x1], $0x1, s24, s9, $0xb8;
	[tilespmem:$0x1580] =	vst v63  }
0x170: {  	_ = 	snop  }
0x171: {  	[spmem:s2] =	stream.indirect.scatter.add.f32 [tilespmem:s10], [sflag:$0x1], $0x1, s25, s9, $0xb8;
	[tilespmem:$0x1580] =	vst v63  }
0x172: {  	_ = 	snop  }
0x173: {  	[spmem:s2] =	stream.indirect.scatter.add.f32 [tilespmem:s10], [sflag:$0x1], $0x1, s26, s9, $0xb8;
	[tilespmem:$0x1580] =	vst v63  }
0x174: {  	_ = 	snop  }
0x175: {  	[spmem:s2] =	stream.indirect.scatter.add.f32 [tilespmem:s10], [sflag:$0x1], $0x1, s28, s9, $0xb8;
	[tilespmem:$0x1580] =	vst v63  }
0x176: {  	_ = 	snop  }
0x177: {  	[spmem:s2] =	stream.indirect.scatter.add.f32 [tilespmem:s10], [sflag:$0x1], $0x1, s29, s9, $0xb8;
	[tilespmem:$0x1580] =	vst v63  }
0x178: {  	_ = 	snop  }
0x179: {  	[spmem:s2] =	stream.indirect.scatter.add.f32 [tilespmem:s10], [sflag:$0x1], $0x1, s30, s9, $0xb8;
	[tilespmem:$0x1580] =	vst v63  }
0x17a: {  	_ = 	snop  }
0x17b: {  	[spmem:s2] =	stream.indirect.scatter.add.f32 [tilespmem:s10], [sflag:$0x1], $0x1, s31, s9, $0xb8;
	[tilespmem:$0x1580] =	vst v63  }
0x17c: {  	_ = 	snop  }
0x17d: {  	[spmem:s2] =	stream.indirect.scatter.add.f32 [tilespmem:s10], [sflag:$0x1], $0x1, s1, s9, $0xb8;
	[tilespmem:$0x1580] =	vst v63  }
0x17e: {  	_ = 	snop  }
0x17f: {  	[spmem:s2] =	stream.indirect.scatter.add.f32 [tilespmem:s10], [sflag:$0x1], $0x1, s0, s9, $0xb8;
	[tilespmem:$0x1580] =	vst v63  }
0x180: {  	_ =	swait.ge [sflag:s5], $0x50  }
0x181: {  	[sflag:s5] =	ssyncset.done $0x0  }
0x182: {  	[sflag:s5] =	ssyncadd.s32 $0xFFFFFFB0  }
0x183: {  	_ =	swait.ge [sflag:s5], $0x50  }
0x184: {  	[sflag:s5] =	ssyncset.done $0x0  }
0x185: {  	[sflag:s5] =	ssyncadd.s32 $0xFFFFFFB0  }
0x186: {  	_ =	swait.ge [sflag:s5], $0x50  }
0x187: {  	[sflag:s5] =	ssyncset.done $0x0  }
0x188: {  	[sflag:s5] =	ssyncadd.s32 $0xFFFFFFB0  }
0x189: {  	_ =	swait.ge [sflag:s5], $0x50  }
0x18a: {  	[sflag:s5] =	ssyncset.done $0x0  }
0x18b: {  	[sflag:s5] =	ssyncadd.s32 $0xFFFFFFB0  }
0x18c: {  	_ =	swait.ge [sflag:s5], $0x50  }
0x18d: {  	[sflag:s5] =	ssyncset.done $0x0  }
0x18e: {  	[sflag:s5] =	ssyncadd.s32 $0xFFFFFFB0  }
0x18f: {  	_ =	swait.ge [sflag:s5], $0x50  }
0x190: {  	[sflag:s5] =	ssyncset.done $0x0  }
0x191: {  	[sflag:s5] =	ssyncadd.s32 $0xFFFFFFB0  }
0x192: {  	_ =	swait.ge [sflag:s5], $0x50  }
0x193: {  	[sflag:s5] =	ssyncset.done $0x0  }
0x194: {  	[sflag:s5] =	ssyncadd.s32 $0xFFFFFFB0  }
0x195: {  	_ =	swait.ge [sflag:s5], $0x50  }
0x196: {  	[sflag:s5] =	ssyncset.done $0x0  }
0x197: {  	[sflag:s5] =	ssyncadd.s32 $0xFFFFFFB0  }
0x198: {  	_ =	swait.ge [sflag:s5], $0x50  }
0x199: {  	[sflag:s5] =	ssyncset.done $0x0  }
0x19a: {  	[sflag:s5] =	ssyncadd.s32 $0xFFFFFFB0  }
0x19b: {  	_ =	swait.ge [sflag:s5], $0x50  }
0x19c: {  	[sflag:s5] =	ssyncset.done $0x0  }
0x19d: {  	[sflag:s5] =	ssyncadd.s32 $0xFFFFFFB0  }
0x19e: {  	_ =	swait.ge [sflag:s5], $0x50  }
0x19f: {  	[sflag:s5] =	ssyncset.done $0x0  }
0x1a0: {  	[sflag:s5] =	ssyncadd.s32 $0xFFFFFFB0  }
0x1a1: {  	_ =	swait.ge [sflag:s5], $0x50  }
0x1a2: {  	[sflag:s5] =	ssyncset.done $0x0  }
0x1a3: {  	[sflag:s5] =	ssyncadd.s32 $0xFFFFFFB0  }
0x1a4: {  	_ =	swait.ge [sflag:s5], $0x50  }
0x1a5: {  	[sflag:s5] =	ssyncset.done $0x0  }
0x1a6: {  	[sflag:s5] =	ssyncadd.s32 $0xFFFFFFB0  }
0x1a7: {  	_ =	swait.ge [sflag:s5], $0x50  }
0x1a8: {  	[sflag:s5] =	ssyncset.done $0x0  }
0x1a9: {  	[sflag:s5] =	ssyncadd.s32 $0xFFFFFFB0  }
0x1aa: {  	_ =	swait.ge [sflag:s5], $0x50  }
0x1ab: {  	[sflag:s5] =	ssyncset.done $0x0  }
0x1ac: {  	[sflag:s5] =	ssyncadd.s32 $0xFFFFFFB0  }
0x1ad: {  	_ =	swait.ge [sflag:s5], $0x50  }
0x1ae: {  	[sflag:s5] =	ssyncset.done $0x0  }
0x1af: {  	[sflag:s5] =	ssyncadd.s32 $0xFFFFFFB0  }
0x1b0: {  	_ =	swait.ge [sflag:s5], $0x50  }
0x1b1: {  	[sflag:s5] =	ssyncset.done $0x0  }
0x1b2: {  	[sflag:s5] =	ssyncadd.s32 $0xFFFFFFB0  }
0x1b3: {  	_ =	swait.ge [sflag:s5], $0x50  }
0x1b4: {  	[sflag:s5] =	ssyncset.done $0x0  }
0x1b5: {  	[sflag:s5] =	ssyncadd.s32 $0xFFFFFFB0  }
0x1b6: {  	_ =	swait.ge [sflag:s5], $0x50  }
0x1b7: {  	[sflag:s5] =	ssyncset.done $0x0  }
0x1b8: {  	[sflag:s5] =	ssyncadd.s32 $0xFFFFFFB0  }
0x1b9: {  	_ =	swait.ge [sflag:s5], $0x50  }
0x1ba: {  	[sflag:s5] =	ssyncset.done $0x0  }
0x1bb: {  	[sflag:s5] =	ssyncadd.s32 $0xFFFFFFB0  }
0x1bc: {  	_ =	swait.ge [sflag:s5], $0x50  }
0x1bd: {  	[sflag:s5] =	ssyncset.done $0x0  }
0x1be: {  	[sflag:s5] =	ssyncadd.s32 $0xFFFFFFB0  }
0x1bf: {  	_ =	swait.ge [sflag:s5], $0x50  }
0x1c0: {  	[sflag:s5] =	ssyncset.done $0x0  }
0x1c1: {  	[sflag:s5] =	ssyncadd.s32 $0xFFFFFFB0  }
0x1c2: {  	_ =	swait.ge [sflag:s5], $0x50  }
0x1c3: {  	[sflag:s5] =	ssyncset.done $0x0  }
0x1c4: {  	[sflag:s5] =	ssyncadd.s32 $0xFFFFFFB0  }
0x1c5: {  	_ =	swait.ge [sflag:s5], $0x50  }
0x1c6: {  	[sflag:s5] =	ssyncset.done $0x0  }
0x1c7: {  	[sflag:s5] =	ssyncadd.s32 $0xFFFFFFB0  }
0x1c8: {  	_ =	swait.ge [sflag:s5], $0x50  }
0x1c9: {  	[sflag:s5] =	ssyncset.done $0x0  }
0x1ca: {  	[sflag:s5] =	ssyncadd.s32 $0xFFFFFFB0  }
0x1cb: {  	[bflag:$0x0] =	sbarrier.arrive $0xFFFF  }
0x1cc: {  	s13 =	simm.s32 $0x1000;
	s12 =	rddreg [dreg:$0x7]  }
0x1cd: {  	[tilespmem:s13], [sflag:$0x2] =	stream.linear.gather [spmem:s12], $0x280, $0x38;
	[tilespmem:$0x1580] =	vst v63  }
0x1ce: {  	_ =	swait.ge [sflag:s8], $0x280  }
0x1cf: {  	s6 =	simm.s32 $0x100;
	s7 =	simm.s32 $0x1000;
	[sflag:s8] =	ssyncset.done $0x0  }
0x1d0: {  	s11 =	simm.s32 $0x80;
	s4 =	rddreg [dreg:$0x8];
	[sflag:s8] =	ssyncadd.s32 $0xFFFFFD80  }
0x1d1: {  	[hbm4b:s4+s11] =	stream.strided.scatter [tilespmem:s7], [sflag:$0x2], $0x280, s6, s11, $0x38;
	[tilespmem:$0x1580] =	vst v63  }
0x1d2: {  	s6 =	rddreg [dreg:$0x7];
	_ =	swait.ge [sflag:s8], $0x280  }
0x1d3: {  	s4 =	rddreg [dreg:$0xa]  }
0x1d4: {  	s7 =	rddreg [dreg:$0x9];
	s11 =	sadd.s32 $0x1, s4  }
0x1d5: {  	p0 =	sne.s32 s11, s7  }
.Ltmp1:
0x1d6: {  	_ = 	snop;
	(pc) =	sbr.rel @p0 .LBB2_1-.Ltmp1, $3  }
0x1d7: {  	_ =	sdelay $0x1  }
0x1d8: {  	s12 =	simm.s32 $0x80;
	[sflag:s8] =	ssyncset.done $0x0  }
0x1d9: {  	s13 =	simm.s32 $0x100;
	s4 =	simm.s32 $0x1000;
	[sflag:s8] =	ssyncadd.s32 $0xFFFFFD80  }
0x1da: {  	_ =	sfence.sel $0x180000  }
0x1db: {  	[bflag:$0x0] =	sbarrier.arrive $0xFFFF  }
0x1dc: {  	_ =	strace $0x90000047  }
0x1dd: {  	s0 =	stileid.u32;
	[bflag:$0x2] =	sbarrier.arrive $0xFFFF  }
0x1de: {  	p0 =	sne.s32 s0, $0x0;
	s0 =	rddreg [dreg:$0x3]  }
0x1df: {  	s0 =	sadd.s32 @!p0 $0x100000, s0  }
0x1e0: {  	[sflag:s0] =	ssyncadd.tile.s32 @!p0 $0x1;
	_ =	shalt  }
.Lfunc_end2:
_tile_overlayer_lowered:
.L_overlay_start_2:
0x1e1: {  	(tag) =	ssettag $0x2  }
0x1e2: {  	s0 =	rddreg [dreg:$0x0];
	s2 =	stileid.u32  }
0x1e3: {  	s1 =	rddreg [dreg:$0x1];
	p0 =	sne.s32 s2, $0x0  }
0x1e4: {  	s3 =	rddreg [dreg:$0x2];
	[bflag:$0x3] =	sbarrier.arrive $0xFFFF;
	s2 =	simm.s32 @!p0 $0x1C02  }
0x1e5: {  	[timem:s3], [sflag:s2] =	dma.local @!p0 [hbm:s0], s1  }
0x1e6: {  	s0 =	simm.s32 @!p0 $0x2  }
0x1e7: {  	_ =	swait.ge @!p0 [sflag:s0], s1  }
0x1e8: {  	s1 =	ssub.s32 @!p0 $0x0, s1;
	[sflag:s0] =	ssyncset.done @!p0 $0x0  }
0x1e9: {  	[sflag:s0] =	ssyncadd.s32 @!p0 s1  }
0x1ea: {  	[bflag:$0x3] =	sbarrier.arrive $0xFFFF  }
0x1eb: {  	_ =	shalt  }

// kernel: kernel.9.cloned.1.call-start
scs
__scs_entry_jumppad:
0x0: {  	(pc) =	sbr.rel $0x88, $3  }
0x1: {  	(tag) =	ssettag $0x0;
	lr =	simm.s32 $0x1  }
0x2: {  	[smem:$0x3F9D] =	sst lr;
	_ =	strace $0xD0000000  }
0x3: {  	_ = 	snop  }
0x4: {  	_ = 	snop  }
0x5: {  	_ = 	snop  }
0x6: {  	_ = 	snop  }
0x7: {  	_ = 	snop  }
__scs_overlays_trampoline_lowered:
0x8: {  	[smem:$0x3FAC] =	sst s0  }
0x9: {  	[smem:$0x3FAD] =	sst s1  }
0xa: {  	[smem:$0x3FAE] =	sst s2  }
0xb: {  	[smem:$0x3FAF] =	sst s3  }
0xc: {  	[smem:$0x3FB0] =	sst s4  }
0xd: {  	[smem:$0x3FB1] =	sst s5  }
0xe: {  	[smem:$0x3FB2] =	sst s6  }
0xf: {  	[smem:$0x3FB3] =	sst s7  }
0x10: {  	[smem:$0x3FB4] =	sst s8  }
0x11: {  	[smem:$0x3FB5] =	sst s9;
	s0 =	simm.s32 @!p0 $0x0  }
0x12: {  	s1 =	sld [smem:$0x3F9B];
	s0 =	simm.s32 @p0 $0x1  }
0x13: {  	[smem:$0x3FB6] =	sst s0;
	s0 =	simm.s32 @!p1 $0x0  }
0x14: {  	s2 =	sld [smem:$0x3F9A];
	s0 =	simm.s32 @p1 $0x1  }
0x15: {  	[smem:$0x3FB7] =	sst s0;
	s0 =	simm.s32 @!p2 $0x0  }
0x16: {  	s3 =	sld [smem:$0x3FDB];
	s0 =	simm.s32 @p2 $0x1  }
0x17: {  	s4 =	simm.s32 $0x1BF5;
	[smem:$0x3FB9] =	sst s0  }
0x18: {  	s0 =	sld [smem:$0x3F9C];
	_ =	swait.ge [sflag:s4], $0x0  }
0x19: {  	s7 =	sld [smem:$0x3F9D]  }
0x1a: {  	s8 =	sadd.s32 $0xFFFFE003, lr  }
0x1b: {  	s9 =	sadd.s32 $0xFFFFFEF7, lr;
	s5 =	simm.s32 $0xFFFFFFFF;
	p2 =	slt.u32 s8, $0xFFFFF086  }
0x1c: {  	p1 =	slt.u32 s9, $0xF7A;
	s5 =	simm.s32 @!p2 $0x0  }
0x1d: {  	s5 =	simm.s32 @p1 $0x1;
	p0 =	seq.s32 s7, s2  }
0x1e: {  	s7 =	smul.u32 @!p0 $0xF7A, s2;
	p2 =	seq.s32 @!p0 s5, $0x0  }
0x1f: {  	s9 =	smul.u32 $0xF7A, s1;
	s8 =	simm.s32 @!p0 $0x1BF5;
	p2 =	por !p2, p0  }
0x20: {  	[sflag:s8] =	ssyncset.s32 @!p0 $0xFFFFF086;
	s6 =	sadd.s32 @!p0 s3, s7;
	s7 =	simm.s32 @!p0 $0x108  }
0x21: {  	s3 =	sadd.s32 s3, s9;
	s6 =	sadd.s32 @!p0 $0x88, s6;
	s7 =	simm.s32 @p2 $0x1082  }
0x22: {  	[simem:s7], [sflag:s8] =	dma.local @!p0 [hbm:s6], $0xF7A  }
0x23: {  	s9 =	sor.u32 $0xD0000000, s2;
	s6 =	simm.s32 $0x108;
	_ =	swait.ge @!p0 [sflag:s8], $0x0  }
0x24: {  	s3 =	sadd.s32 $0x88, s3;
	s6 =	simm.s32 @!p1 $0x1082;
	[sflag:s4] =	ssyncset.s32 $0xFFFFF086  }
0x25: {  	[simem:s6], [sflag:s4] =	dma.local [hbm:s3], $0xF7A  }
0x26: {  	[smem:$0x3F9D] =	sst s1;
	(tag) =	ssettag s2;
	_ =	strace s9  }
0x27: {  	s1 =	sld [smem:$0x3FAD]  }
0x28: {  	s2 =	sld [smem:$0x3FAE]  }
0x29: {  	s4 =	sld [smem:$0x3FB0]  }
0x2a: {  	p0 =	seq.s32 s5, $0x0;
	s5 =	sld [smem:$0x3FB1]  }
0x2b: {  	s6 =	sld [smem:$0x3FB2]  }
0x2c: {  	s7 =	sld [smem:$0x3FB3]  }
0x2d: {  	s3 =	simm.s32 $0x108;
	s8 =	sld [smem:$0x3FB4]  }
0x2e: {  	s3 =	simm.s32 @!p0 $0x1082;
	s9 =	sld [smem:$0x3FB5]  }
0x2f: {  	lr =	sadd.s32 s0, s3;
	s0 =	sld [smem:$0x3FAC]  }
0x30: {  	s3 =	sld [smem:$0x3FAF]  }
0x31: {  	[smem:$0x3FB8] =	sst s10  }
0x32: {  	s10 =	sld [smem:$0x3FB6];
	_ =	sdelay $0x3  }
0x33: {  	p0 =	seq.s32 s10, $0x1;
	s10 =	sld [smem:$0x3FB8];
	_ =	sdelay $0x3  }
0x34: {  	[smem:$0x3FB8] =	sst s10  }
0x35: {  	s10 =	sld [smem:$0x3FB7];
	_ =	sdelay $0x3  }
0x36: {  	p1 =	seq.s32 s10, $0x1;
	s10 =	sld [smem:$0x3FB8];
	_ =	sdelay $0x3  }
0x37: {  	[smem:$0x3FB8] =	sst s10  }
0x38: {  	s10 =	sld [smem:$0x3FB9]  }
0x39: {  	_ = 	snop;
	(pc) =	sbr.ind lr, $3  }
0x3a: {  	_ = 	snop  }
0x3b: {  	_ = 	snop  }
0x3c: {  	p2 =	seq.s32 s10, $0x1;
	s10 =	sld [smem:$0x3FB8]  }
0x3d: {  	_ =	shalt  }
0x3e: {  	_ =	shalt  }
0x3f: {  	_ =	shalt  }
0x40: {  	_ =	shalt  }
0x41: {  	_ =	shalt  }
0x42: {  	_ =	shalt  }
0x43: {  	_ =	shalt  }
0x44: {  	_ =	shalt  }
0x45: {  	_ =	shalt  }
0x46: {  	_ =	shalt  }
0x47: {  	_ =	shalt  }
0x48: {  	_ =	shalt  }
0x49: {  	_ =	shalt  }
0x4a: {  	_ =	shalt  }
0x4b: {  	_ =	shalt  }
0x4c: {  	_ =	shalt  }
0x4d: {  	_ =	shalt  }
0x4e: {  	_ =	shalt  }
0x4f: {  	_ =	shalt  }
0x50: {  	_ =	shalt  }
0x51: {  	_ =	shalt  }
0x52: {  	_ =	shalt  }
0x53: {  	_ =	shalt  }
0x54: {  	_ =	shalt  }
0x55: {  	_ =	shalt  }
0x56: {  	_ =	shalt  }
0x57: {  	_ =	shalt  }
0x58: {  	_ =	shalt  }
0x59: {  	_ =	shalt  }
0x5a: {  	_ =	shalt  }
0x5b: {  	_ =	shalt  }
0x5c: {  	_ =	shalt  }
0x5d: {  	_ =	shalt  }
0x5e: {  	_ =	shalt  }
0x5f: {  	_ =	shalt  }
0x60: {  	_ =	shalt  }
0x61: {  	_ =	shalt  }
0x62: {  	_ =	shalt  }
0x63: {  	_ =	shalt  }
0x64: {  	_ =	shalt  }
0x65: {  	_ =	shalt  }
0x66: {  	_ =	shalt  }
0x67: {  	_ =	shalt  }
0x68: {  	_ =	shalt  }
0x69: {  	_ =	shalt  }
0x6a: {  	_ =	shalt  }
0x6b: {  	_ =	shalt  }
0x6c: {  	_ =	shalt  }
0x6d: {  	_ =	shalt  }
0x6e: {  	_ =	shalt  }
0x6f: {  	_ =	shalt  }
0x70: {  	_ =	shalt  }
0x71: {  	_ =	shalt  }
0x72: {  	_ =	shalt  }
0x73: {  	_ =	shalt  }
0x74: {  	_ =	shalt  }
0x75: {  	_ =	shalt  }
0x76: {  	_ =	shalt  }
0x77: {  	_ =	shalt  }
0x78: {  	_ =	shalt  }
0x79: {  	_ =	shalt  }
0x7a: {  	_ =	shalt  }
0x7b: {  	_ =	shalt  }
0x7c: {  	_ =	shalt  }
0x7d: {  	_ =	shalt  }
0x7e: {  	_ =	shalt  }
0x7f: {  	_ =	shalt  }
0x80: {  	_ =	shalt  }
0x81: {  	_ =	shalt  }
0x82: {  	_ =	shalt  }
0x83: {  	_ =	shalt  }
0x84: {  	_ =	shalt  }
0x85: {  	_ =	shalt  }
0x86: {  	_ =	shalt  }
0x87: {  	_ =	shalt  }
.Lfunc_end0:
.L_simem_size_0:
called_computation.1_lowered:
.L_overlay_start_0:
0x88: {  	s2 =	sld [smem:$0x3FD9]  }
0x89: {  	s3 =	sld [smem:$0x3FFE];
	_ =	sdelay $0x1  }
0x8a: {  	s1 =	srdreg.scid  }
0x8b: {  	s0 =	sand.u32 $0x1, s1  }
0x8c: {  	s17 =	sshll.u32 s0, $0xA;
	s2 =	sadd.s32 s3, s2  }
0x8d: {  	s2 =	sadd.s32 s2, s17  }
0x8e: {  	[smem:$0x3FC4] =	sst s2  }
0x8f: {  	_ = 	snop  }
0x90: {  	s2 =	sld [smem:$0x3FD0];
	(tm) =	ssettm $0x1  }
0x91: {  	s18 =	sld [smem:$0x3FFB];
	_ =	sdelay $0x3  }
0x92: {  	_ =	strace s18  }
0x93: {  	s3 =	sld [smem:$0x3FFC];
	_ =	sdelay $0x3  }
0x94: {  	_ =	strace s3  }
0x95: {  	s3 =	sld [smem:$0x3FFD];
	_ =	sdelay $0x3  }
0x96: {  	_ =	strace s3  }
0x97: {  	_ =	strace $0x8FFFFFFF  }
0x98: {  	s19 =	sld [smem:$0x3FDB];
	_ =	sdelay $0x1  }
0x99: {  	s4 =	simm.s32 $_scs_section_size  }
0x9a: {  	s5 =	simm.s32 $_size__tile_overlayer_lowered;
	s6 =	simm.s32 $_tile_overlayer_lowered  }
0x9b: {  	s22 =	simm.s32 $0x1BFF;
	s21 =	sshll.u32 s6, $0x1;
	s3 =	sadd.s32 s4, s19  }
0x9c: {  	s7 =	simm.s32 $0x0;
	s20 =	sshll.u32 s5, $0x1;
	s5 =	sadd.s32 s21, s3  }
0x9d: {  	[timem:s7], [sflag:s22] =	dma.local [hbm:s5], s20  }
0x9e: {  	_ =	swait.ge [sflag:s22], s20  }
0x9f: {  	s4 =	ssub.s32 $0x0, s20;
	[sflag:s22] =	ssyncset.done $0x0  }
0xa0: {  	[sflag:s22] =	ssyncadd.s32 s4;
	_ =	sdelay $0x1  }
0xa1: {  	s23 =	simm.s32 $0x1B8B  }
0xa2: {  	_ =	swait.ge [sflag:s23], $0x1  }
0xa3: {  	[sflag:s23] =	ssyncset.done $0x0  }
0xa4: {  	s25 =	simm.s32 $0x1B8E;
	s24 =	sld [smem:$0x3FFE];
	[sflag:s23] =	ssyncadd.s32 $0xFFFFFFFF  }
0xa5: {  	s26 =	simm.s32 $execute0_lowered;
	[smem:$0x3FD2] =	sst s25  }
0xa6: {  	s5 =	sshll.u32 s26, $0x1;
	_ =	strace $0x80000049;
	[dreg:$0x1] =	wrdreg $0xFFFFFFFF  }
0xa7: {  	s28 =	simm.s32 $_size_execute0_lowered;
	s3 =	sadd.s32 s3, s5;
	[dreg:$0x0] =	wrdreg $0x0  }
0xa8: {  	s5 =	sshll.u32 s28, $0x1;
	[dreg:$0x2] =	wrdreg s3  }
0xa9: {  	[dreg:$0x3] =	wrdreg s5  }
0xaa: {  	[dreg:$0x4] =	wrdreg $0xC0  }
0xab: {  	_ =	task [dreg:s7], $0x5FFFF  }
0xac: {  	[dreg:$0x1] =	wrdreg $0xFFFFFFFF  }
0xad: {  	[dreg:$0x0] =	wrdreg $0x60  }
0xae: {  	[dreg:$0x2] =	wrdreg s2  }
0xaf: {  	[dreg:$0x3] =	wrdreg s24  }
0xb0: {  	[dreg:$0x4] =	wrdreg $0xC0000  }
0xb1: {  	[dreg:$0x5] =	wrdreg $0x9  }
0xb2: {  	_ =	task.clear_ibuf [dreg:s7], $0x6FFFF;
	_ =	strace $0x90000049  }
0xb3: {  	s29 =	simm.s32 $0x9;
	_ =	strace $0x8000004B  }
0xb4: {  	_ =	swait.ge [sflag:s29], $0x1  }
0xb5: {  	[sflag:s29] =	ssyncadd.s32 $0xFFFFFFFF  }
0xb6: {  	_ =	strace $0x9000004B  }
0xb7: {  	_ =	sfence  }
0xb8: {  	s30 =	sld [smem:$0x0];
	_ =	sdelay $0x2  }
0xb9: {  	s31 =	sshll.u32 s1, $0xD;
	s1 =	sshrl.u32 s1, $0x2  }
0xba: {  	s3 =	sand.u32 $0x4000, s31;
	s1 =	sadd.s32 s1, s30  }
0xbb: {  	s0 =	sor.u32 s3, s0;
	s1 =	sshll.u32 s1, $0x11  }
0xbc: {  	s0 =	sor.u32 s1, s0  }
0xbd: {  	s0 =	sadd.s32 $0x8F2B, s0  }
0xbe: {  	[sflag:s0] =	ssyncadd.remote.s32 $0x1  }
0xbf: {  	_ =	sfence.sel $0xFFFF  }
0xc0: {  	[dreg:$0x0] =	wrdreg $0xFFFFFFFF;
	(pc) =	sbr.abs _section_cstart, $3  }
0xc1: {  	[dreg:$0x1] =	wrdreg $0xFFFFFFFF  }
0xc2: {  	_ =	task.clear_ibuf [dreg:s7], $0x2FFFF;
	_ =	strace $0x9FFFFFFF  }
0xc3: {  	(tm) =	ssettm $0x7FFFFFFF  }
tec
execute0_lowered:
.L_overlay_start_1:
0x0: {  	(tag) =	ssettag $0x1  }
0x1: {  	s2 =	rddreg [dreg:$0x0]  }
0x2: {  	s0 =	rddreg [dreg:$0x1]  }
0x3: {  	s3 =	rddreg [dreg:$0x2]  }
0x4: {  	s8 =	stileid.u32;
	s4 =	simm.s32 $0x0;
	s1 =	srdreg.scid  }
0x5: {  	s15 =	simm.s32 $0x80;
	s16 =	simm.s32 $0x100;
	s18 =	simm.s32 $0x180  }
0x6: {  	s19 =	simm.s32 $0x200;
	s21 =	simm.s32 $0x1080;
	s22 =	simm.s32 $0x280  }
0x7: {  	s28 =	simm.s32 $0x7000;
	s29 =	simm.s32 $0x9800;
	[smem:$0x7FF] =	sst s4  }
0x8: {  	s30 =	simm.s32 $0x1;
	_ =	strace $0x8000004A;
	[dreg:$0x6] =	wrdreg s15  }
0x9: {  	s31 =	simm.s32 $0x2;
	s5 =	smul.u32 $0x50000, s8;
	[dreg:$0x7] =	wrdreg s16  }
0xa: {  	s7 =	sand.u32 $0x1, s1;
	s10 =	smul.u32 $0x14000, s8;
	[dreg:$0x8] =	wrdreg s18  }
0xb: {  	s8 =	smul.u32 $0xA000, s8;
	s11 =	sadd.s32 $0x1C00, s0;
	[dreg:$0x9] =	wrdreg s19  }
0xc: {  	s1 =	sadd.s32 $0x29C00, s0;
	s6 =	ssub.s32 $0x2, s7;
	[dreg:$0xa] =	wrdreg s21  }
0xd: {  	s12 =	smul.u32 $0x5000, s7;
	[dreg:$0xb] =	wrdreg s22;
	s18 =	simm.s32 $0x1280  }
0xe: {  	s7 =	smul.u32 $0x140000, s7;
	s19 =	simm.s32 $0x480;
	[dreg:$0x12] =	wrdreg s18  }
0xf: {  	s21 =	simm.s32 $0x1300;
	s22 =	simm.s32 $0x500;
	[dreg:$0x13] =	wrdreg s19  }
0x10: {  	s9 =	sshrl.u32 s6, $0x1;
	s5 =	sshrl.u32 s5, $0x2;
	[dreg:$0x14] =	wrdreg s21  }
0x11: {  	s13 =	sor.u32 $0x2800, s10;
	s14 =	sadd.s32 $0x7800, s10;
	[dreg:$0x15] =	wrdreg s22  }
0x12: {  	s18 =	simm.s32 $0x1600;
	s19 =	simm.s32 $0x800;
	s21 =	simm.s32 $0x880  }
0x13: {  	s22 =	simm.s32 $0x1700;
	s0 =	ssub.s32 s6, s9;
	[smem:$0x7F2] =	sst s18  }
0x14: {  	s5 =	sadd.s32 s5, s3;
	s23 =	sadd.s32 s12, s8;
	[smem:$0x7F4] =	sst s19  }
0x15: {  	s24 =	sadd.s32 s13, s3;
	s12 =	sadd.s32 $0x5000, s10;
	[smem:$0x7F6] =	sst s21  }
0x16: {  	s9 =	sadd.s32 s14, s3;
	s8 =	sadd.s32 $0xC800, s10;
	[smem:$0x7F8] =	sst s22  }
0x17: {  	s16 =	sadd.s32 s7, s13;
	s13 =	simm.s32 $0x680;
	[smem:$0x7E4] =	sst s5  }
0x18: {  	s22 =	simm.s32 $0x2000;
	s18 =	simm.s32 $0x1980;
	[smem:$0x7E5] =	sst s24  }
0x19: {  	s19 =	simm.s32 $0xB80;
	s21 =	simm.s32 $0xC00;
	[smem:$0x7E7] =	sst s9  }
0x1a: {  	s25 =	sadd.s32 $0xA0000, s23;
	s26 =	sadd.s32 s12, s3;
	[dreg:$0x1b] =	wrdreg s13  }
0x1b: {  	s5 =	sshrl.u32 s23, $0x3;
	s17 =	sadd.s32 s8, s3;
	[smem:$0x7E6] =	sst s26  }
0x1c: {  	s9 =	sadd.s32 $0xA000, s10;
	s23 =	simm.s32 $0x1100;
	[smem:$0x7E9] =	sst s17  }
0x1d: {  	s24 =	simm.s32 $0x300;
	s8 =	sadd.s32 s7, s8;
	[dreg:$0xc] =	wrdreg s23  }
0x1e: {  	s0 =	smax.u32 s0, $0x1;
	s13 =	simm.s32 $0xA00;
	[dreg:$0xd] =	wrdreg s24  }
0x1f: {  	s6 =	sshrl.u32 s25, $0x3;
	s5 =	sadd.s32 s5, s11;
	[smem:$0x7F9] =	sst s0  }
0x20: {  	s25 =	simm.s32 $0x1180;
	s26 =	simm.s32 $0x380;
	[dreg:$0x5] =	wrdreg s5  }
0x21: {  	s17 =	simm.s32 $0x400;
	s23 =	simm.s32 $0x1380;
	[dreg:$0xe] =	wrdreg s25  }
0x22: {  	s24 =	sadd.s32 s7, s14;
	s14 =	simm.s32 $0x1500;
	[dreg:$0xf] =	wrdreg s26  }
0x23: {  	s8 =	sshrl.u32 s8, $0x3;
	s0 =	simm.s32 $0x3;
	[dreg:$0x11] =	wrdreg s17  }
0x24: {  	s6 =	sadd.s32 s6, s11;
	s11 =	sadd.s32 s9, s3;
	[dreg:$0x16] =	wrdreg s23  }
0x25: {  	s5 =	sadd.s32 $0x11800, s10;
	s25 =	simm.s32 $0x580;
	[dreg:$0x1c] =	wrdreg s14  }
0x26: {  	s26 =	simm.s32 $0x1400;
	s9 =	sadd.s32 s7, s9;
	[dreg:$0x4] =	wrdreg s6  }
0x27: {  	s8 =	sadd.s32 s1, s8;
	s17 =	simm.s32 $0x780;
	[smem:$0x7E8] =	sst s11  }
0x28: {  	s23 =	simm.s32 $0x900;
	s14 =	simm.s32 $0x1880;
	[dreg:$0x17] =	wrdreg s25  }
0x29: {  	s6 =	sadd.s32 $0xF000, s10;
	s15 =	sadd.s32 s5, s3;
	[dreg:$0x18] =	wrdreg s26  }
0x2a: {  	s10 =	sadd.s32 s10, s7;
	s11 =	sshrl.u32 s16, $0x3;
	[smem:$0x7F1] =	sst s8  }
0x2b: {  	s9 =	sshrl.u32 s9, $0x3;
	s16 =	simm.s32 $0x1580;
	[dreg:$0x1f] =	wrdreg s17  }
0x2c: {  	s5 =	sadd.s32 s7, s5;
	[smem:$0x7FA] =	sst s23;
	s25 =	simm.s32 $0x980  }
0x2d: {  	s23 =	simm.s32 $0x5;
	s26 =	simm.s32 $0x1800;
	[smem:$0x7EB] =	sst s15  }
0x2e: {  	s17 =	simm.s32 $0xB00;
	s8 =	simm.s32 $0x1C00;
	[dreg:$0x1e] =	wrdreg s16  }
0x2f: {  	s20 =	sadd.s32 s6, s3;
	s10 =	sshrl.u32 s10, $0x3;
	[smem:$0x7FC] =	sst s25  }
0x30: {  	s15 =	simm.s32 $0x1200;
	s11 =	sadd.s32 s1, s11;
	[smem:$0x7FD] =	sst s26  }
0x31: {  	s9 =	sadd.s32 s1, s9;
	s6 =	sadd.s32 s7, s6;
	[smem:$0x7EA] =	sst s20  }
0x32: {  	s5 =	sshrl.u32 s5, $0x3;
	s25 =	simm.s32 $0x50;
	[dreg:$0x10] =	wrdreg s15  }
0x33: {  	s26 =	simm.s32 $0x4800;
	s16 =	simm.s32 $0x1900;
	[smem:$0x7ED] =	sst s11  }
0x34: {  	s10 =	sadd.s32 s1, s10;
	s20 =	sadd.s32 s7, s12;
	[smem:$0x7F0] =	sst s9  }
0x35: {  	s12 =	simm.s32 $0x1480;
	s15 =	simm.s32 $0x700;
	[smem:$0x7EC] =	sst s10  }
0x36: {  	s6 =	sshrl.u32 s6, $0x3;
	s7 =	simm.s32 $0x1B80;
	[dreg:$0x1a] =	wrdreg s12  }
0x37: {  	s11 =	sshrl.u32 s20, $0x3;
	[dreg:$0x1d] =	wrdreg s15;
	s6 =	sadd.s32 s1, s6  }
0x38: {  	s20 =	simm.s32 $0x1680;
	s15 =	simm.s32 $0xA80;
	[smem:$0x7F3] =	sst s6  }
0x39: {  	s10 =	simm.s32 $0x0;
	s11 =	sadd.s32 s1, s11;
	[smem:$0x7F5] =	sst s20  }
0x3a: {  	[smem:$0x7EE] =	sst s11;
	s11 =	sshrl.u32 s24, $0x3;
	s24 =	simm.s32 $0x1780  }
0x3b: {  	s20 =	simm.s32 $0x1A00;
	s11 =	sadd.s32 s1, s11;
	[smem:$0x7FB] =	sst s24  }
0x3c: {  	s6 =	simm.s32 $0x1B00;
	s1 =	sadd.s32 s1, s5;
	[smem:$0x7EF] =	sst s11  }
0x3d: {  	s24 =	simm.s32 $0x1000;
	s11 =	simm.s32 $0x600;
	[smem:$0x7F7] =	sst s1  }
0x3e: {  	v0 =	vimm.f32 $0.0e+00;
	s5 =	simm.s32 $0x1A80;
	s1 =	simm.s32 $0x4;
	[dreg:$0x19] =	wrdreg s11  }
.LBB2_1:
0x3f: {  	[smem:$0x7E3] =	sst s10;
	s10 =	simm.s32 $0x0;
	s11 =	simm.s32 $0x200  }
.LBB2_2:
0x40: {  	p0 =	sne.s32 s11, $0x9E00;
	[tilespmem:s10+$0x2070] =	vst v0  }
0x41: {  	[tilespmem:s10+$0x2000] =	vst v0  }
0x42: {  	[tilespmem:s10+$0x2010] =	vst v0  }
.Ltmp0:
0x43: {  	[tilespmem:s10+$0x2020] =	vst v0;
	(pc) =	sbr.rel @p0 .LBB2_2-.Ltmp0, $4  }
0x44: {  	[tilespmem:s10+$0x2030] =	vst v0  }
0x45: {  	[tilespmem:s10+$0x2040] =	vst v0  }
0x46: {  	[tilespmem:s10+$0x2050] =	vst v0  }
0x47: {  	[tilespmem:s10+$0x2060] =	vst v0;
	s10 =	sshra.s32 s11, $0x2;
	s11 =	sadd.s32 $0x200, s11  }
0x48: {  	[tilespmem:s10+$0x2070] =	vst v0  }
0x49: {  	[tilespmem:s10+$0x2000] =	vst v0  }
0x4a: {  	[tilespmem:s10+$0x2010] =	vst v0  }
0x4b: {  	[tilespmem:s10+$0x2020] =	vst v0  }
0x4c: {  	[tilespmem:s10+$0x2030] =	vst v0  }
0x4d: {  	[tilespmem:s10+$0x2040] =	vst v0;
	s9 =	sld [smem:$0x7E4]  }
0x4e: {  	[tilespmem:s10+$0x2050] =	vst v0  }
0x4f: {  	[tilespmem:s10+$0x2060] =	vst v0  }
0x50: {  	[spmem:s9] =	stream.linear.scatter [tilespmem:s22], [sflag:$0x5], $0x2800, $0x38;
	v63 =	vld [tilespmem:$0x0]  }
0x51: {  	_ =	swait.ge [sflag:s23], $0x2800  }
0x52: {  	s12 =	sld [smem:$0x7E5]  }
0x53: {  	[sflag:s23] =	ssyncset.done $0x0  }
0x54: {  	[sflag:s23] =	ssyncadd.s32 $0xFFFFD800  }
0x55: {  	[spmem:s12] =	stream.linear.scatter [tilespmem:s22], [sflag:$0x5], $0x2800, $0x38;
	v63 =	vld [tilespmem:$0x0]  }
0x56: {  	_ =	swait.ge [sflag:s23], $0x2800  }
0x57: {  	s10 =	sld [smem:$0x7E6]  }
0x58: {  	[sflag:s23] =	ssyncset.done $0x0  }
0x59: {  	[sflag:s23] =	ssyncadd.s32 $0xFFFFD800  }
0x5a: {  	[spmem:s10] =	stream.linear.scatter [tilespmem:s22], [sflag:$0x5], $0x2800, $0x38;
	v63 =	vld [tilespmem:$0x0]  }
0x5b: {  	_ =	swait.ge [sflag:s23], $0x2800  }
0x5c: {  	s11 =	sld [smem:$0x7E7]  }
0x5d: {  	[sflag:s23] =	ssyncset.done $0x0  }
0x5e: {  	[sflag:s23] =	ssyncadd.s32 $0xFFFFD800  }
0x5f: {  	[spmem:s11] =	stream.linear.scatter [tilespmem:s22], [sflag:$0x5], $0x2800, $0x38;
	v63 =	vld [tilespmem:$0x0]  }
0x60: {  	_ =	swait.ge [sflag:s23], $0x2800  }
0x61: {  	s12 =	sld [smem:$0x7E8]  }
0x62: {  	[sflag:s23] =	ssyncset.done $0x0  }
0x63: {  	[sflag:s23] =	ssyncadd.s32 $0xFFFFD800  }
0x64: {  	[spmem:s12] =	stream.linear.scatter [tilespmem:s22], [sflag:$0x5], $0x2800, $0x38;
	v63 =	vld [tilespmem:$0x0]  }
0x65: {  	_ =	swait.ge [sflag:s23], $0x2800  }
0x66: {  	s10 =	sld [smem:$0x7E9]  }
0x67: {  	[sflag:s23] =	ssyncset.done $0x0  }
0x68: {  	[sflag:s23] =	ssyncadd.s32 $0xFFFFD800  }
0x69: {  	[spmem:s10] =	stream.linear.scatter [tilespmem:s22], [sflag:$0x5], $0x2800, $0x38;
	v63 =	vld [tilespmem:$0x0]  }
0x6a: {  	_ =	swait.ge [sflag:s23], $0x2800  }
0x6b: {  	s11 =	sld [smem:$0x7EA]  }
0x6c: {  	[sflag:s23] =	ssyncset.done $0x0  }
0x6d: {  	[sflag:s23] =	ssyncadd.s32 $0xFFFFD800  }
0x6e: {  	[spmem:s11] =	stream.linear.scatter [tilespmem:s22], [sflag:$0x5], $0x2800, $0x38;
	v63 =	vld [tilespmem:$0x0]  }
0x6f: {  	_ =	swait.ge [sflag:s23], $0x2800  }
0x70: {  	s12 =	sld [smem:$0x7EB]  }
0x71: {  	[sflag:s23] =	ssyncset.done $0x0  }
0x72: {  	[sflag:s23] =	ssyncadd.s32 $0xFFFFD800  }
0x73: {  	[spmem:s12] =	stream.linear.scatter [tilespmem:s22], [sflag:$0x5], $0x2800, $0x38;
	v63 =	vld [tilespmem:$0x0]  }
0x74: {  	_ =	swait.ge [sflag:s23], $0x2800  }
0x75: {  	[sflag:s23] =	ssyncset.done $0x0  }
0x76: {  	[sflag:s23] =	ssyncadd.s32 $0xFFFFD800  }
0x77: {  	[bflag:$0x0] =	sbarrier.arrive $0xFFFF  }
0x78: {  	s9 =	rddreg [dreg:$0x5]  }
0x79: {  	s10 =	sadd.s32 $0x0, s9  }
0x7a: {  	[tilespmem:s4], [sflag:$0x5] =	stream.linear.gather [hbm4b:s10+s4], $0xC80, $0x38;
	v63 =	vld [tilespmem:$0x0]  }
0x7b: {  	_ =	swait.ge [sflag:s23], $0xC80  }
0x7c: {  	s11 =	rddreg [dreg:$0x4];
	[sflag:s23] =	ssyncset.done $0x0  }
0x7d: {  	[sflag:s23] =	ssyncadd.s32 $0xFFFFF380;
	s10 =	sadd.s32 $0x0, s11  }
0x7e: {  	[tilespmem:s24], [sflag:$0x5] =	stream.linear.gather [hbm4b:s10+s4], $0xC80, $0x38;
	v63 =	vld [tilespmem:$0x0]  }
0x7f: {  	_ =	swait.ge [sflag:s23], $0xC80  }
0x80: {  	[sflag:s23] =	ssyncset.done $0x0  }
0x81: {  	[sflag:s23] =	ssyncadd.s32 $0xFFFFF380  }
0x82: {  	[tilespmem:s22], [sflag:$0x1] =	stream.indirect.gather [hbm4b:s2+s25], $0x80, s4, s25, $0xb8;
	v63 =	vld [tilespmem:$0x0]  }
0x83: {  	s12 =	rddreg [dreg:$0x6]  }
0x84: {  	[tilespmem:s26], [sflag:$0x2] =	stream.indirect.gather [hbm4b:s2+s25], $0x80, s12, s25, $0xb8;
	v63 =	vld [tilespmem:$0x0]  }
0x85: {  	s11 =	rddreg [dreg:$0x7]  }
0x86: {  	[tilespmem:s28], [sflag:$0x3] =	stream.indirect.gather [hbm4b:s2+s25], $0x80, s11, s25, $0xb8;
	v63 =	vld [tilespmem:$0x0]  }
0x87: {  	s9 =	rddreg [dreg:$0x8]  }
0x88: {  	[tilespmem:s29], [sflag:$0x4] =	stream.indirect.gather [hbm4b:s2+s25], $0x80, s9, s25, $0xb8;
	v63 =	vld [tilespmem:$0x0]  }
0x89: {  	_ =	swait.ge [sflag:s30], $0x2800  }
0x8a: {  	[sflag:s30] =	ssyncset.done $0x0  }
0x8b: {  	[sflag:s30] =	ssyncadd.s32 $0xFFFFD800  }
0x8c: {  	[spmem:s3] =	stream.indirect.scatter.add.f32 [tilespmem:s22], [sflag:$0x5], $0x80, s24, s25, $0xb8;
	v63 =	vld [tilespmem:$0x0]  }
0x8d: {  	_ =	swait.ge [sflag:s23], $0x2800  }
0x8e: {  	[sflag:s23] =	ssyncset.done $0x0  }
0x8f: {  	s11 =	rddreg [dreg:$0x9];
	[sflag:s23] =	ssyncadd.s32 $0xFFFFD800  }
0x90: {  	[tilespmem:s22], [sflag:$0x1] =	stream.indirect.gather [hbm4b:s2+s25], $0x80, s11, s25, $0xb8;
	v63 =	vld [tilespmem:$0x0]  }
0x91: {  	_ =	swait.ge [sflag:s31], $0x2800  }
0x92: {  	[sflag:s31] =	ssyncset.done $0x0  }
0x93: {  	s12 =	rddreg [dreg:$0xa];
	[sflag:s31] =	ssyncadd.s32 $0xFFFFD800  }
0x94: {  	[spmem:s3] =	stream.indirect.scatter.add.f32 [tilespmem:s26], [sflag:$0x5], $0x80, s12, s25, $0xb8;
	v63 =	vld [tilespmem:$0x0]  }
0x95: {  	_ =	swait.ge [sflag:s23], $0x2800  }
0x96: {  	[sflag:s23] =	ssyncset.done $0x0  }
0x97: {  	s9 =	rddreg [dreg:$0xb];
	[sflag:s23] =	ssyncadd.s32 $0xFFFFD800  }
0x98: {  	[tilespmem:s26], [sflag:$0x2] =	stream.indirect.gather [hbm4b:s2+s25], $0x80, s9, s25, $0xb8;
	v63 =	vld [tilespmem:$0x0]  }
0x99: {  	_ =	swait.ge [sflag:s0], $0x2800  }
0x9a: {  	[sflag:s0] =	ssyncset.done $0x0  }
0x9b: {  	s11 =	rddreg [dreg:$0xc];
	[sflag:s0] =	ssyncadd.s32 $0xFFFFD800  }
0x9c: {  	[spmem:s3] =	stream.indirect.scatter.add.f32 [tilespmem:s28], [sflag:$0x5], $0x80, s11, s25, $0xb8;
	v63 =	vld [tilespmem:$0x0]  }
0x9d: {  	_ =	swait.ge [sflag:s23], $0x2800  }
0x9e: {  	[sflag:s23] =	ssyncset.done $0x0  }
0x9f: {  	s12 =	rddreg [dreg:$0xd];
	[sflag:s23] =	ssyncadd.s32 $0xFFFFD800  }
0xa0: {  	[tilespmem:s28], [sflag:$0x3] =	stream.indirect.gather [hbm4b:s2+s25], $0x80, s12, s25, $0xb8;
	v63 =	vld [tilespmem:$0x0]  }
0xa1: {  	_ =	swait.ge [sflag:s1], $0x2800  }
0xa2: {  	[sflag:s1] =	ssyncset.done $0x0  }
0xa3: {  	s9 =	rddreg [dreg:$0xe];
	[sflag:s1] =	ssyncadd.s32 $0xFFFFD800  }
0xa4: {  	[spmem:s3] =	stream.indirect.scatter.add.f32 [tilespmem:s29], [sflag:$0x5], $0x80, s9, s25, $0xb8;
	v63 =	vld [tilespmem:$0x0]  }
0xa5: {  	_ =	swait.ge [sflag:s23], $0x2800  }
0xa6: {  	[sflag:s23] =	ssyncset.done $0x0  }
0xa7: {  	s11 =	rddreg [dreg:$0xf];
	[sflag:s23] =	ssyncadd.s32 $0xFFFFD800  }
0xa8: {  	[tilespmem:s29], [sflag:$0x4] =	stream.indirect.gather [hbm4b:s2+s25], $0x80, s11, s25, $0xb8;
	v63 =	vld [tilespmem:$0x0]  }
0xa9: {  	_ =	swait.ge [sflag:s30], $0x2800  }
0xaa: {  	[sflag:s30] =	ssyncset.done $0x0  }
0xab: {  	s12 =	rddreg [dreg:$0x10];
	[sflag:s30] =	ssyncadd.s32 $0xFFFFD800  }
0xac: {  	[spmem:s3] =	stream.indirect.scatter.add.f32 [tilespmem:s22], [sflag:$0x5], $0x80, s12, s25, $0xb8;
	v63 =	vld [tilespmem:$0x0]  }
0xad: {  	_ =	swait.ge [sflag:s23], $0x2800  }
0xae: {  	[sflag:s23] =	ssyncset.done $0x0  }
0xaf: {  	s9 =	rddreg [dreg:$0x11];
	[sflag:s23] =	ssyncadd.s32 $0xFFFFD800  }
0xb0: {  	[tilespmem:s22], [sflag:$0x1] =	stream.indirect.gather [hbm4b:s2+s25], $0x80, s9, s25, $0xb8;
	v63 =	vld [tilespmem:$0x0]  }
0xb1: {  	_ =	swait.ge [sflag:s31], $0x2800  }
0xb2: {  	[sflag:s31] =	ssyncset.done $0x0  }
0xb3: {  	s11 =	rddreg [dreg:$0x12];
	[sflag:s31] =	ssyncadd.s32 $0xFFFFD800  }
0xb4: {  	[spmem:s3] =	stream.indirect.scatter.add.f32 [tilespmem:s26], [sflag:$0x5], $0x80, s11, s25, $0xb8;
	v63 =	vld [tilespmem:$0x0]  }
0xb5: {  	_ =	swait.ge [sflag:s23], $0x2800  }
0xb6: {  	[sflag:s23] =	ssyncset.done $0x0  }
0xb7: {  	s12 =	rddreg [dreg:$0x13];
	[sflag:s23] =	ssyncadd.s32 $0xFFFFD800  }
0xb8: {  	[tilespmem:s26], [sflag:$0x2] =	stream.indirect.gather [hbm4b:s2+s25], $0x80, s12, s25, $0xb8;
	v63 =	vld [tilespmem:$0x0]  }
0xb9: {  	_ =	swait.ge [sflag:s0], $0x2800  }
0xba: {  	[sflag:s0] =	ssyncset.done $0x0  }
0xbb: {  	s9 =	rddreg [dreg:$0x14];
	[sflag:s0] =	ssyncadd.s32 $0xFFFFD800  }
0xbc: {  	[spmem:s3] =	stream.indirect.scatter.add.f32 [tilespmem:s28], [sflag:$0x5], $0x80, s9, s25, $0xb8;
	v63 =	vld [tilespmem:$0x0]  }
0xbd: {  	_ =	swait.ge [sflag:s23], $0x2800  }
0xbe: {  	[sflag:s23] =	ssyncset.done $0x0  }
0xbf: {  	s11 =	rddreg [dreg:$0x15];
	[sflag:s23] =	ssyncadd.s32 $0xFFFFD800  }
0xc0: {  	[tilespmem:s28], [sflag:$0x3] =	stream.indirect.gather [hbm4b:s2+s25], $0x80, s11, s25, $0xb8;
	v63 =	vld [tilespmem:$0x0]  }
0xc1: {  	_ =	swait.ge [sflag:s1], $0x2800  }
0xc2: {  	[sflag:s1] =	ssyncset.done $0x0  }
0xc3: {  	s12 =	rddreg [dreg:$0x16];
	[sflag:s1] =	ssyncadd.s32 $0xFFFFD800  }
0xc4: {  	[spmem:s3] =	stream.indirect.scatter.add.f32 [tilespmem:s29], [sflag:$0x5], $0x80, s12, s25, $0xb8;
	v63 =	vld [tilespmem:$0x0]  }
0xc5: {  	_ =	swait.ge [sflag:s23], $0x2800  }
0xc6: {  	[sflag:s23] =	ssyncset.done $0x0  }
0xc7: {  	s9 =	rddreg [dreg:$0x17];
	[sflag:s23] =	ssyncadd.s32 $0xFFFFD800  }
0xc8: {  	[tilespmem:s29], [sflag:$0x4] =	stream.indirect.gather [hbm4b:s2+s25], $0x80, s9, s25, $0xb8;
	v63 =	vld [tilespmem:$0x0]  }
0xc9: {  	_ =	swait.ge [sflag:s30], $0x2800  }
0xca: {  	[sflag:s30] =	ssyncset.done $0x0  }
0xcb: {  	s11 =	rddreg [dreg:$0x18];
	[sflag:s30] =	ssyncadd.s32 $0xFFFFD800  }
0xcc: {  	[spmem:s3] =	stream.indirect.scatter.add.f32 [tilespmem:s22], [sflag:$0x5], $0x80, s11, s25, $0xb8;
	v63 =	vld [tilespmem:$0x0]  }
0xcd: {  	_ =	swait.ge [sflag:s23], $0x2800  }
0xce: {  	[sflag:s23] =	ssyncset.done $0x0  }
0xcf: {  	s12 =	rddreg [dreg:$0x19];
	[sflag:s23] =	ssyncadd.s32 $0xFFFFD800  }
0xd0: {  	[tilespmem:s22], [sflag:$0x1] =	stream.indirect.gather [hbm4b:s2+s25], $0x80, s12, s25, $0xb8;
	v63 =	vld [tilespmem:$0x0]  }
0xd1: {  	_ =	swait.ge [sflag:s31], $0x2800  }
0xd2: {  	[sflag:s31] =	ssyncset.done $0x0  }
0xd3: {  	s9 =	rddreg [dreg:$0x1a];
	[sflag:s31] =	ssyncadd.s32 $0xFFFFD800  }
0xd4: {  	[spmem:s3] =	stream.indirect.scatter.add.f32 [tilespmem:s26], [sflag:$0x5], $0x80, s9, s25, $0xb8;
	v63 =	vld [tilespmem:$0x0]  }
0xd5: {  	_ =	swait.ge [sflag:s23], $0x2800  }
0xd6: {  	[sflag:s23] =	ssyncset.done $0x0  }
0xd7: {  	s11 =	rddreg [dreg:$0x1b];
	[sflag:s23] =	ssyncadd.s32 $0xFFFFD800  }
0xd8: {  	[tilespmem:s26], [sflag:$0x2] =	stream.indirect.gather [hbm4b:s2+s25], $0x80, s11, s25, $0xb8;
	v63 =	vld [tilespmem:$0x0]  }
0xd9: {  	_ =	swait.ge [sflag:s0], $0x2800  }
0xda: {  	[sflag:s0] =	ssyncset.done $0x0  }
0xdb: {  	s12 =	rddreg [dreg:$0x1c];
	[sflag:s0] =	ssyncadd.s32 $0xFFFFD800  }
0xdc: {  	[spmem:s3] =	stream.indirect.scatter.add.f32 [tilespmem:s28], [sflag:$0x5], $0x80, s12, s25, $0xb8;
	v63 =	vld [tilespmem:$0x0]  }
0xdd: {  	_ =	swait.ge [sflag:s23], $0x2800  }
0xde: {  	[sflag:s23] =	ssyncset.done $0x0  }
0xdf: {  	s9 =	rddreg [dreg:$0x1d];
	[sflag:s23] =	ssyncadd.s32 $0xFFFFD800  }
0xe0: {  	[tilespmem:s28], [sflag:$0x3] =	stream.indirect.gather [hbm4b:s2+s25], $0x80, s9, s25, $0xb8;
	v63 =	vld [tilespmem:$0x0]  }
0xe1: {  	_ =	swait.ge [sflag:s1], $0x2800  }
0xe2: {  	[sflag:s1] =	ssyncset.done $0x0  }
0xe3: {  	s11 =	rddreg [dreg:$0x1e];
	[sflag:s1] =	ssyncadd.s32 $0xFFFFD800  }
0xe4: {  	[spmem:s3] =	stream.indirect.scatter.add.f32 [tilespmem:s29], [sflag:$0x5], $0x80, s11, s25, $0xb8;
	v63 =	vld [tilespmem:$0x0]  }
0xe5: {  	_ =	swait.ge [sflag:s23], $0x2800  }
0xe6: {  	[sflag:s23] =	ssyncset.done $0x0  }
0xe7: {  	s12 =	rddreg [dreg:$0x1f];
	[sflag:s23] =	ssyncadd.s32 $0xFFFFD800  }
0xe8: {  	[tilespmem:s29], [sflag:$0x4] =	stream.indirect.gather [hbm4b:s2+s25], $0x80, s12, s25, $0xb8;
	v63 =	vld [tilespmem:$0x0]  }
0xe9: {  	_ =	swait.ge [sflag:s30], $0x2800  }
0xea: {  	s9 =	sld [smem:$0x7F2]  }
0xeb: {  	[sflag:s30] =	ssyncset.done $0x0  }
0xec: {  	[sflag:s30] =	ssyncadd.s32 $0xFFFFD800  }
0xed: {  	[spmem:s3] =	stream.indirect.scatter.add.f32 [tilespmem:s22], [sflag:$0x5], $0x80, s9, s25, $0xb8;
	v63 =	vld [tilespmem:$0x0]  }
0xee: {  	_ =	swait.ge [sflag:s23], $0x2800  }
0xef: {  	s11 =	sld [smem:$0x7F4]  }
0xf0: {  	[sflag:s23] =	ssyncset.done $0x0  }
0xf1: {  	[sflag:s23] =	ssyncadd.s32 $0xFFFFD800  }
0xf2: {  	[tilespmem:s22], [sflag:$0x1] =	stream.indirect.gather [hbm4b:s2+s25], $0x80, s11, s25, $0xb8;
	v63 =	vld [tilespmem:$0x0]  }
0xf3: {  	_ =	swait.ge [sflag:s31], $0x2800  }
0xf4: {  	s12 =	sld [smem:$0x7F5]  }
0xf5: {  	[sflag:s31] =	ssyncset.done $0x0  }
0xf6: {  	[sflag:s31] =	ssyncadd.s32 $0xFFFFD800  }
0xf7: {  	[spmem:s3] =	stream.indirect.scatter.add.f32 [tilespmem:s26], [sflag:$0x5], $0x80, s12, s25, $0xb8;
	v63 =	vld [tilespmem:$0x0]  }
0xf8: {  	_ =	swait.ge [sflag:s23], $0x2800  }
0xf9: {  	s9 =	sld [smem:$0x7F6]  }
0xfa: {  	[sflag:s23] =	ssyncset.done $0x0  }
0xfb: {  	[sflag:s23] =	ssyncadd.s32 $0xFFFFD800  }
0xfc: {  	[tilespmem:s26], [sflag:$0x2] =	stream.indirect.gather [hbm4b:s2+s25], $0x80, s9, s25, $0xb8;
	v63 =	vld [tilespmem:$0x0]  }
0xfd: {  	_ =	swait.ge [sflag:s0], $0x2800  }
0xfe: {  	s11 =	sld [smem:$0x7F8]  }
0xff: {  	[sflag:s0] =	ssyncset.done $0x0  }
0x100: {  	[sflag:s0] =	ssyncadd.s32 $0xFFFFD800  }
0x101: {  	[spmem:s3] =	stream.indirect.scatter.add.f32 [tilespmem:s28], [sflag:$0x5], $0x80, s11, s25, $0xb8;
	v63 =	vld [tilespmem:$0x0]  }
0x102: {  	_ =	swait.ge [sflag:s23], $0x2800  }
0x103: {  	s12 =	sld [smem:$0x7FA]  }
0x104: {  	[sflag:s23] =	ssyncset.done $0x0  }
0x105: {  	[sflag:s23] =	ssyncadd.s32 $0xFFFFD800  }
0x106: {  	[tilespmem:s28], [sflag:$0x3] =	stream.indirect.gather [hbm4b:s2+s25], $0x80, s12, s25, $0xb8;
	v63 =	vld [tilespmem:$0x0]  }
0x107: {  	_ =	swait.ge [sflag:s1], $0x2800  }
0x108: {  	s9 =	sld [smem:$0x7FB]  }
0x109: {  	[sflag:s1] =	ssyncset.done $0x0  }
0x10a: {  	[sflag:s1] =	ssyncadd.s32 $0xFFFFD800  }
0x10b: {  	[spmem:s3] =	stream.indirect.scatter.add.f32 [tilespmem:s29], [sflag:$0x5], $0x80, s9, s25, $0xb8;
	v63 =	vld [tilespmem:$0x0]  }
0x10c: {  	_ =	swait.ge [sflag:s23], $0x2800  }
0x10d: {  	s11 =	sld [smem:$0x7FC]  }
0x10e: {  	[sflag:s23] =	ssyncset.done $0x0  }
0x10f: {  	[sflag:s23] =	ssyncadd.s32 $0xFFFFD800  }
0x110: {  	[tilespmem:s29], [sflag:$0x4] =	stream.indirect.gather [hbm4b:s2+s25], $0x80, s11, s25, $0xb8;
	v63 =	vld [tilespmem:$0x0]  }
0x111: {  	_ =	swait.ge [sflag:s30], $0x2800  }
0x112: {  	s12 =	sld [smem:$0x7FD]  }
0x113: {  	[sflag:s30] =	ssyncset.done $0x0  }
0x114: {  	[sflag:s30] =	ssyncadd.s32 $0xFFFFD800  }
0x115: {  	[spmem:s3] =	stream.indirect.scatter.add.f32 [tilespmem:s22], [sflag:$0x5], $0x80, s12, s25, $0xb8;
	v63 =	vld [tilespmem:$0x0]  }
0x116: {  	_ =	swait.ge [sflag:s23], $0x2800  }
0x117: {  	[sflag:s23] =	ssyncset.done $0x0  }
0x118: {  	[sflag:s23] =	ssyncadd.s32 $0xFFFFD800  }
0x119: {  	[tilespmem:s22], [sflag:$0x1] =	stream.indirect.gather [hbm4b:s2+s25], $0x80, s13, s25, $0xb8;
	v63 =	vld [tilespmem:$0x0]  }
0x11a: {  	_ =	swait.ge [sflag:s31], $0x2800  }
0x11b: {  	[sflag:s31] =	ssyncset.done $0x0  }
0x11c: {  	[sflag:s31] =	ssyncadd.s32 $0xFFFFD800  }
0x11d: {  	[spmem:s3] =	stream.indirect.scatter.add.f32 [tilespmem:s26], [sflag:$0x5], $0x80, s14, s25, $0xb8;
	v63 =	vld [tilespmem:$0x0]  }
0x11e: {  	_ =	swait.ge [sflag:s23], $0x2800  }
0x11f: {  	[sflag:s23] =	ssyncset.done $0x0  }
0x120: {  	[sflag:s23] =	ssyncadd.s32 $0xFFFFD800  }
0x121: {  	[tilespmem:s26], [sflag:$0x2] =	stream.indirect.gather [hbm4b:s2+s25], $0x80, s15, s25, $0xb8;
	v63 =	vld [tilespmem:$0x0]  }
0x122: {  	_ =	swait.ge [sflag:s0], $0x2800  }
0x123: {  	[sflag:s0] =	ssyncset.done $0x0  }
0x124: {  	[sflag:s0] =	ssyncadd.s32 $0xFFFFD800  }
0x125: {  	[spmem:s3] =	stream.indirect.scatter.add.f32 [tilespmem:s28], [sflag:$0x5], $0x80, s16, s25, $0xb8;
	v63 =	vld [tilespmem:$0x0]  }
0x126: {  	_ =	swait.ge [sflag:s23], $0x2800  }
0x127: {  	[sflag:s23] =	ssyncset.done $0x0  }
0x128: {  	[sflag:s23] =	ssyncadd.s32 $0xFFFFD800  }
0x129: {  	[tilespmem:s28], [sflag:$0x3] =	stream.indirect.gather [hbm4b:s2+s25], $0x80, s17, s25, $0xb8;
	v63 =	vld [tilespmem:$0x0]  }
0x12a: {  	_ =	swait.ge [sflag:s1], $0x2800  }
0x12b: {  	[sflag:s1] =	ssyncset.done $0x0  }
0x12c: {  	[sflag:s1] =	ssyncadd.s32 $0xFFFFD800  }
0x12d: {  	[spmem:s3] =	stream.indirect.scatter.add.f32 [tilespmem:s29], [sflag:$0x5], $0x80, s18, s25, $0xb8;
	v63 =	vld [tilespmem:$0x0]  }
0x12e: {  	_ =	swait.ge [sflag:s23], $0x2800  }
0x12f: {  	[sflag:s23] =	ssyncset.done $0x0  }
0x130: {  	[sflag:s23] =	ssyncadd.s32 $0xFFFFD800  }
0x131: {  	[tilespmem:s29], [sflag:$0x4] =	stream.indirect.gather [hbm4b:s2+s25], $0x80, s19, s25, $0xb8;
	v63 =	vld [tilespmem:$0x0]  }
0x132: {  	_ =	swait.ge [sflag:s30], $0x2800  }
0x133: {  	[sflag:s30] =	ssyncset.done $0x0  }
0x134: {  	[sflag:s30] =	ssyncadd.s32 $0xFFFFD800  }
0x135: {  	[spmem:s3] =	stream.indirect.scatter.add.f32 [tilespmem:s22], [sflag:$0x5], $0x80, s20, s25, $0xb8;
	v63 =	vld [tilespmem:$0x0]  }
0x136: {  	_ =	swait.ge [sflag:s23], $0x2800  }
0x137: {  	[sflag:s23] =	ssyncset.done $0x0  }
0x138: {  	[sflag:s23] =	ssyncadd.s32 $0xFFFFD800  }
0x139: {  	[tilespmem:s22], [sflag:$0x1] =	stream.indirect.gather [hbm4b:s2+s25], $0x80, s21, s25, $0xb8;
	v63 =	vld [tilespmem:$0x0]  }
0x13a: {  	_ =	swait.ge [sflag:s31], $0x2800  }
0x13b: {  	[sflag:s31] =	ssyncset.done $0x0  }
0x13c: {  	[sflag:s31] =	ssyncadd.s32 $0xFFFFD800  }
0x13d: {  	[spmem:s3] =	stream.indirect.scatter.add.f32 [tilespmem:s26], [sflag:$0x5], $0x80, s5, s25, $0xb8;
	v63 =	vld [tilespmem:$0x0]  }
0x13e: {  	_ =	swait.ge [sflag:s23], $0x2800  }
0x13f: {  	[sflag:s23] =	ssyncset.done $0x0  }
0x140: {  	[sflag:s23] =	ssyncadd.s32 $0xFFFFD800  }
0x141: {  	_ =	swait.ge [sflag:s0], $0x2800  }
0x142: {  	[sflag:s0] =	ssyncset.done $0x0  }
0x143: {  	[sflag:s0] =	ssyncadd.s32 $0xFFFFD800  }
0x144: {  	[spmem:s3] =	stream.indirect.scatter.add.f32 [tilespmem:s28], [sflag:$0x5], $0x80, s6, s25, $0xb8;
	v63 =	vld [tilespmem:$0x0]  }
0x145: {  	_ =	swait.ge [sflag:s23], $0x2800  }
0x146: {  	[sflag:s23] =	ssyncset.done $0x0  }
0x147: {  	[sflag:s23] =	ssyncadd.s32 $0xFFFFD800  }
0x148: {  	_ =	swait.ge [sflag:s1], $0x2800  }
0x149: {  	[sflag:s1] =	ssyncset.done $0x0  }
0x14a: {  	[sflag:s1] =	ssyncadd.s32 $0xFFFFD800  }
0x14b: {  	[spmem:s3] =	stream.indirect.scatter.add.f32 [tilespmem:s29], [sflag:$0x5], $0x80, s7, s25, $0xb8;
	v63 =	vld [tilespmem:$0x0]  }
0x14c: {  	_ =	swait.ge [sflag:s23], $0x2800  }
0x14d: {  	[sflag:s23] =	ssyncset.done $0x0  }
0x14e: {  	[sflag:s23] =	ssyncadd.s32 $0xFFFFD800  }
0x14f: {  	_ =	swait.ge [sflag:s30], $0x2800  }
0x150: {  	[sflag:s30] =	ssyncset.done $0x0  }
0x151: {  	[sflag:s30] =	ssyncadd.s32 $0xFFFFD800  }
0x152: {  	[spmem:s3] =	stream.indirect.scatter.add.f32 [tilespmem:s22], [sflag:$0x5], $0x80, s8, s25, $0xb8;
	v63 =	vld [tilespmem:$0x0]  }
0x153: {  	s10 =	simm.s32 $0x200;
	_ =	swait.ge [sflag:s23], $0x2800  }
0x154: {  	s11 =	simm.s32 $0x400;
	s12 =	rddreg [dreg:$0x5];
	[sflag:s23] =	ssyncset.done $0x0  }
.LBB2_4:
0x155: {  	[sflag:s23] =	ssyncadd.s32 $0xFFFFD800;
	s12 =	sadd.s32 s10, s12  }
0x156: {  	[tilespmem:s4], [sflag:$0x5] =	stream.linear.gather [hbm4b:s12+s4], $0xC80, $0x38;
	v63 =	vld [tilespmem:$0x0]  }
0x157: {  	_ =	swait.ge [sflag:s23], $0xC80  }
0x158: {  	s12 =	rddreg [dreg:$0x4];
	[sflag:s23] =	ssyncset.done $0x0  }
0x159: {  	[sflag:s23] =	ssyncadd.s32 $0xFFFFF380;
	s12 =	sadd.s32 s10, s12  }
0x15a: {  	[tilespmem:s24], [sflag:$0x5] =	stream.linear.gather [hbm4b:s12+s4], $0xC80, $0x38;
	v63 =	vld [tilespmem:$0x0]  }
0x15b: {  	_ =	swait.ge [sflag:s23], $0xC80  }
0x15c: {  	[sflag:s23] =	ssyncset.done $0x0  }
0x15d: {  	s9 =	smov.u32 s11;
	[sflag:s23] =	ssyncadd.s32 $0xFFFFF380  }
0x15e: {  	[tilespmem:s22], [sflag:$0x1] =	stream.indirect.gather [hbm4b:s2+s25], $0x80, s4, s25, $0xb8;
	v63 =	vld [tilespmem:$0x0]  }
0x15f: {  	s10 =	smov.u32 s9;
	s9 =	rddreg [dreg:$0x6]  }
0x160: {  	[tilespmem:s26], [sflag:$0x2] =	stream.indirect.gather [hbm4b:s2+s25], $0x80, s9, s25, $0xb8;
	v63 =	vld [tilespmem:$0x0]  }
0x161: {  	s12 =	rddreg [dreg:$0x7]  }
0x162: {  	[tilespmem:s28], [sflag:$0x3] =	stream.indirect.gather [hbm4b:s2+s25], $0x80, s12, s25, $0xb8;
	v63 =	vld [tilespmem:$0x0]  }
0x163: {  	s9 =	rddreg [dreg:$0x8]  }
0x164: {  	[tilespmem:s29], [sflag:$0x4] =	stream.indirect.gather [hbm4b:s2+s25], $0x80, s9, s25, $0xb8;
	v63 =	vld [tilespmem:$0x0]  }
0x165: {  	_ =	swait.ge [sflag:s30], $0x2800  }
0x166: {  	[sflag:s30] =	ssyncset.done $0x0  }
0x167: {  	[sflag:s30] =	ssyncadd.s32 $0xFFFFD800  }
0x168: {  	[spmem:s3] =	stream.indirect.scatter.add.f32 [tilespmem:s22], [sflag:$0x5], $0x80, s24, s25, $0xb8;
	v63 =	vld [tilespmem:$0x0]  }
0x169: {  	_ =	swait.ge [sflag:s23], $0x2800  }
0x16a: {  	[sflag:s23] =	ssyncset.done $0x0  }
0x16b: {  	s12 =	rddreg [dreg:$0x9];
	[sflag:s23] =	ssyncadd.s32 $0xFFFFD800  }
0x16c: {  	[tilespmem:s22], [sflag:$0x1] =	stream.indirect.gather [hbm4b:s2+s25], $0x80, s12, s25, $0xb8;
	v63 =	vld [tilespmem:$0x0]  }
0x16d: {  	_ =	swait.ge [sflag:s31], $0x2800  }
0x16e: {  	[sflag:s31] =	ssyncset.done $0x0  }
0x16f: {  	s12 =	rddreg [dreg:$0xa];
	[sflag:s31] =	ssyncadd.s32 $0xFFFFD800  }
0x170: {  	[spmem:s3] =	stream.indirect.scatter.add.f32 [tilespmem:s26], [sflag:$0x5], $0x80, s12, s25, $0xb8;
	v63 =	vld [tilespmem:$0x0]  }
0x171: {  	_ =	swait.ge [sflag:s23], $0x2800  }
0x172: {  	[sflag:s23] =	ssyncset.done $0x0  }
0x173: {  	s12 =	rddreg [dreg:$0xb];
	[sflag:s23] =	ssyncadd.s32 $0xFFFFD800  }
0x174: {  	[tilespmem:s26], [sflag:$0x2] =	stream.indirect.gather [hbm4b:s2+s25], $0x80, s12, s25, $0xb8;
	v63 =	vld [tilespmem:$0x0]  }
0x175: {  	_ =	swait.ge [sflag:s0], $0x2800  }
0x176: {  	[sflag:s0] =	ssyncset.done $0x0  }
0x177: {  	s12 =	rddreg [dreg:$0xc];
	[sflag:s0] =	ssyncadd.s32 $0xFFFFD800  }
0x178: {  	[spmem:s3] =	stream.indirect.scatter.add.f32 [tilespmem:s28], [sflag:$0x5], $0x80, s12, s25, $0xb8;
	v63 =	vld [tilespmem:$0x0]  }
0x179: {  	_ =	swait.ge [sflag:s23], $0x2800  }
0x17a: {  	[sflag:s23] =	ssyncset.done $0x0  }
0x17b: {  	s12 =	rddreg [dreg:$0xd];
	[sflag:s23] =	ssyncadd.s32 $0xFFFFD800  }
0x17c: {  	[tilespmem:s28], [sflag:$0x3] =	stream.indirect.gather [hbm4b:s2+s25], $0x80, s12, s25, $0xb8;
	v63 =	vld [tilespmem:$0x0]  }
0x17d: {  	_ =	swait.ge [sflag:s1], $0x2800  }
0x17e: {  	[sflag:s1] =	ssyncset.done $0x0  }
0x17f: {  	s12 =	rddreg [dreg:$0xe];
	[sflag:s1] =	ssyncadd.s32 $0xFFFFD800  }
0x180: {  	[spmem:s3] =	stream.indirect.scatter.add.f32 [tilespmem:s29], [sflag:$0x5], $0x80, s12, s25, $0xb8;
	v63 =	vld [tilespmem:$0x0]  }
0x181: {  	_ =	swait.ge [sflag:s23], $0x2800  }
0x182: {  	[sflag:s23] =	ssyncset.done $0x0  }
0x183: {  	s12 =	rddreg [dreg:$0xf];
	[sflag:s23] =	ssyncadd.s32 $0xFFFFD800  }
0x184: {  	[tilespmem:s29], [sflag:$0x4] =	stream.indirect.gather [hbm4b:s2+s25], $0x80, s12, s25, $0xb8;
	v63 =	vld [tilespmem:$0x0]  }
0x185: {  	_ =	swait.ge [sflag:s30], $0x2800  }
0x186: {  	[sflag:s30] =	ssyncset.done $0x0  }
0x187: {  	s12 =	rddreg [dreg:$0x10];
	[sflag:s30] =	ssyncadd.s32 $0xFFFFD800  }
0x188: {  	[spmem:s3] =	stream.indirect.scatter.add.f32 [tilespmem:s22], [sflag:$0x5], $0x80, s12, s25, $0xb8;
	v63 =	vld [tilespmem:$0x0]  }
0x189: {  	_ =	swait.ge [sflag:s23], $0x2800  }
0x18a: {  	[sflag:s23] =	ssyncset.done $0x0  }
0x18b: {  	s12 =	rddreg [dreg:$0x11];
	[sflag:s23] =	ssyncadd.s32 $0xFFFFD800  }
0x18c: {  	[tilespmem:s22], [sflag:$0x1] =	stream.indirect.gather [hbm4b:s2+s25], $0x80, s12, s25, $0xb8;
	v63 =	vld [tilespmem:$0x0]  }
0x18d: {  	_ =	swait.ge [sflag:s31], $0x2800  }
0x18e: {  	[sflag:s31] =	ssyncset.done $0x0  }
0x18f: {  	s12 =	rddreg [dreg:$0x12];
	[sflag:s31] =	ssyncadd.s32 $0xFFFFD800  }
0x190: {  	[spmem:s3] =	stream.indirect.scatter.add.f32 [tilespmem:s26], [sflag:$0x5], $0x80, s12, s25, $0xb8;
	v63 =	vld [tilespmem:$0x0]  }
0x191: {  	_ =	swait.ge [sflag:s23], $0x2800  }
0x192: {  	[sflag:s23] =	ssyncset.done $0x0  }
0x193: {  	s12 =	rddreg [dreg:$0x13];
	[sflag:s23] =	ssyncadd.s32 $0xFFFFD800  }
0x194: {  	[tilespmem:s26], [sflag:$0x2] =	stream.indirect.gather [hbm4b:s2+s25], $0x80, s12, s25, $0xb8;
	v63 =	vld [tilespmem:$0x0]  }
0x195: {  	_ =	swait.ge [sflag:s0], $0x2800  }
0x196: {  	[sflag:s0] =	ssyncset.done $0x0  }
0x197: {  	s12 =	rddreg [dreg:$0x14];
	[sflag:s0] =	ssyncadd.s32 $0xFFFFD800  }
0x198: {  	[spmem:s3] =	stream.indirect.scatter.add.f32 [tilespmem:s28], [sflag:$0x5], $0x80, s12, s25, $0xb8;
	v63 =	vld [tilespmem:$0x0]  }
0x199: {  	_ =	swait.ge [sflag:s23], $0x2800  }
0x19a: {  	[sflag:s23] =	ssyncset.done $0x0  }
0x19b: {  	s12 =	rddreg [dreg:$0x15];
	[sflag:s23] =	ssyncadd.s32 $0xFFFFD800  }
0x19c: {  	[tilespmem:s28], [sflag:$0x3] =	stream.indirect.gather [hbm4b:s2+s25], $0x80, s12, s25, $0xb8;
	v63 =	vld [tilespmem:$0x0]  }
0x19d: {  	_ =	swait.ge [sflag:s1], $0x2800  }
0x19e: {  	[sflag:s1] =	ssyncset.done $0x0  }
0x19f: {  	s12 =	rddreg [dreg:$0x16];
	[sflag:s1] =	ssyncadd.s32 $0xFFFFD800  }
0x1a0: {  	[spmem:s3] =	stream.indirect.scatter.add.f32 [tilespmem:s29], [sflag:$0x5], $0x80, s12, s25, $0xb8;
	v63 =	vld [tilespmem:$0x0]  }
0x1a1: {  	_ =	swait.ge [sflag:s23], $0x2800  }
0x1a2: {  	[sflag:s23] =	ssyncset.done $0x0  }
0x1a3: {  	s12 =	rddreg [dreg:$0x17];
	[sflag:s23] =	ssyncadd.s32 $0xFFFFD800  }
0x1a4: {  	[tilespmem:s29], [sflag:$0x4] =	stream.indirect.gather [hbm4b:s2+s25], $0x80, s12, s25, $0xb8;
	v63 =	vld [tilespmem:$0x0]  }
0x1a5: {  	_ =	swait.ge [sflag:s30], $0x2800  }
0x1a6: {  	[sflag:s30] =	ssyncset.done $0x0  }
0x1a7: {  	s12 =	rddreg [dreg:$0x18];
	[sflag:s30] =	ssyncadd.s32 $0xFFFFD800  }
0x1a8: {  	[spmem:s3] =	stream.indirect.scatter.add.f32 [tilespmem:s22], [sflag:$0x5], $0x80, s12, s25, $0xb8;
	v63 =	vld [tilespmem:$0x0]  }
0x1a9: {  	_ =	swait.ge [sflag:s23], $0x2800  }
0x1aa: {  	[sflag:s23] =	ssyncset.done $0x0  }
0x1ab: {  	s12 =	rddreg [dreg:$0x19];
	[sflag:s23] =	ssyncadd.s32 $0xFFFFD800  }
0x1ac: {  	[tilespmem:s22], [sflag:$0x1] =	stream.indirect.gather [hbm4b:s2+s25], $0x80, s12, s25, $0xb8;
	v63 =	vld [tilespmem:$0x0]  }
0x1ad: {  	_ =	swait.ge [sflag:s31], $0x2800  }
0x1ae: {  	[sflag:s31] =	ssyncset.done $0x0  }
0x1af: {  	s12 =	rddreg [dreg:$0x1a];
	[sflag:s31] =	ssyncadd.s32 $0xFFFFD800  }
0x1b0: {  	[spmem:s3] =	stream.indirect.scatter.add.f32 [tilespmem:s26], [sflag:$0x5], $0x80, s12, s25, $0xb8;
	v63 =	vld [tilespmem:$0x0]  }
0x1b1: {  	_ =	swait.ge [sflag:s23], $0x2800  }
0x1b2: {  	[sflag:s23] =	ssyncset.done $0x0  }
0x1b3: {  	s12 =	rddreg [dreg:$0x1b];
	[sflag:s23] =	ssyncadd.s32 $0xFFFFD800  }
0x1b4: {  	[tilespmem:s26], [sflag:$0x2] =	stream.indirect.gather [hbm4b:s2+s25], $0x80, s12, s25, $0xb8;
	v63 =	vld [tilespmem:$0x0]  }
0x1b5: {  	_ =	swait.ge [sflag:s0], $0x2800  }
0x1b6: {  	[sflag:s0] =	ssyncset.done $0x0  }
0x1b7: {  	s12 =	rddreg [dreg:$0x1c];
	[sflag:s0] =	ssyncadd.s32 $0xFFFFD800  }
0x1b8: {  	[spmem:s3] =	stream.indirect.scatter.add.f32 [tilespmem:s28], [sflag:$0x5], $0x80, s12, s25, $0xb8;
	v63 =	vld [tilespmem:$0x0]  }
0x1b9: {  	_ =	swait.ge [sflag:s23], $0x2800  }
0x1ba: {  	[sflag:s23] =	ssyncset.done $0x0  }
0x1bb: {  	s12 =	rddreg [dreg:$0x1d];
	[sflag:s23] =	ssyncadd.s32 $0xFFFFD800  }
0x1bc: {  	[tilespmem:s28], [sflag:$0x3] =	stream.indirect.gather [hbm4b:s2+s25], $0x80, s12, s25, $0xb8;
	v63 =	vld [tilespmem:$0x0]  }
0x1bd: {  	_ =	swait.ge [sflag:s1], $0x2800  }
0x1be: {  	[sflag:s1] =	ssyncset.done $0x0  }
0x1bf: {  	s12 =	rddreg [dreg:$0x1e];
	[sflag:s1] =	ssyncadd.s32 $0xFFFFD800  }
0x1c0: {  	[spmem:s3] =	stream.indirect.scatter.add.f32 [tilespmem:s29], [sflag:$0x5], $0x80, s12, s25, $0xb8;
	v63 =	vld [tilespmem:$0x0]  }
0x1c1: {  	_ =	swait.ge [sflag:s23], $0x2800  }
0x1c2: {  	[sflag:s23] =	ssyncset.done $0x0  }
0x1c3: {  	s12 =	rddreg [dreg:$0x1f];
	[sflag:s23] =	ssyncadd.s32 $0xFFFFD800  }
0x1c4: {  	[tilespmem:s29], [sflag:$0x4] =	stream.indirect.gather [hbm4b:s2+s25], $0x80, s12, s25, $0xb8;
	v63 =	vld [tilespmem:$0x0]  }
0x1c5: {  	_ =	swait.ge [sflag:s30], $0x2800  }
0x1c6: {  	s12 =	sld [smem:$0x7F2]  }
0x1c7: {  	[sflag:s30] =	ssyncset.done $0x0  }
0x1c8: {  	[sflag:s30] =	ssyncadd.s32 $0xFFFFD800  }
0x1c9: {  	[spmem:s3] =	stream.indirect.scatter.add.f32 [tilespmem:s22], [sflag:$0x5], $0x80, s12, s25, $0xb8;
	v63 =	vld [tilespmem:$0x0]  }
0x1ca: {  	_ =	swait.ge [sflag:s23], $0x2800  }
0x1cb: {  	s12 =	sld [smem:$0x7F4]  }
0x1cc: {  	[sflag:s23] =	ssyncset.done $0x0  }
0x1cd: {  	[sflag:s23] =	ssyncadd.s32 $0xFFFFD800  }
0x1ce: {  	[tilespmem:s22], [sflag:$0x1] =	stream.indirect.gather [hbm4b:s2+s25], $0x80, s12, s25, $0xb8;
	v63 =	vld [tilespmem:$0x0]  }
0x1cf: {  	_ =	swait.ge [sflag:s31], $0x2800  }
0x1d0: {  	s12 =	sld [smem:$0x7F5]  }
0x1d1: {  	[sflag:s31] =	ssyncset.done $0x0  }
0x1d2: {  	[sflag:s31] =	ssyncadd.s32 $0xFFFFD800  }
0x1d3: {  	[spmem:s3] =	stream.indirect.scatter.add.f32 [tilespmem:s26], [sflag:$0x5], $0x80, s12, s25, $0xb8;
	v63 =	vld [tilespmem:$0x0]  }
0x1d4: {  	_ =	swait.ge [sflag:s23], $0x2800  }
0x1d5: {  	s12 =	sld [smem:$0x7F6]  }
0x1d6: {  	[sflag:s23] =	ssyncset.done $0x0  }
0x1d7: {  	[sflag:s23] =	ssyncadd.s32 $0xFFFFD800  }
0x1d8: {  	[tilespmem:s26], [sflag:$0x2] =	stream.indirect.gather [hbm4b:s2+s25], $0x80, s12, s25, $0xb8;
	v63 =	vld [tilespmem:$0x0]  }
0x1d9: {  	_ =	swait.ge [sflag:s0], $0x2800  }
0x1da: {  	s12 =	sld [smem:$0x7F8]  }
0x1db: {  	[sflag:s0] =	ssyncset.done $0x0  }
0x1dc: {  	[sflag:s0] =	ssyncadd.s32 $0xFFFFD800  }
0x1dd: {  	[spmem:s3] =	stream.indirect.scatter.add.f32 [tilespmem:s28], [sflag:$0x5], $0x80, s12, s25, $0xb8;
	v63 =	vld [tilespmem:$0x0]  }
0x1de: {  	_ =	swait.ge [sflag:s23], $0x2800  }
0x1df: {  	s12 =	sld [smem:$0x7FA]  }
0x1e0: {  	[sflag:s23] =	ssyncset.done $0x0  }
0x1e1: {  	[sflag:s23] =	ssyncadd.s32 $0xFFFFD800  }
0x1e2: {  	[tilespmem:s28], [sflag:$0x3] =	stream.indirect.gather [hbm4b:s2+s25], $0x80, s12, s25, $0xb8;
	v63 =	vld [tilespmem:$0x0]  }
0x1e3: {  	_ =	swait.ge [sflag:s1], $0x2800  }
0x1e4: {  	s12 =	sld [smem:$0x7FB]  }
0x1e5: {  	[sflag:s1] =	ssyncset.done $0x0  }
0x1e6: {  	[sflag:s1] =	ssyncadd.s32 $0xFFFFD800  }
0x1e7: {  	[spmem:s3] =	stream.indirect.scatter.add.f32 [tilespmem:s29], [sflag:$0x5], $0x80, s12, s25, $0xb8;
	v63 =	vld [tilespmem:$0x0]  }
0x1e8: {  	_ =	swait.ge [sflag:s23], $0x2800  }
0x1e9: {  	s12 =	sld [smem:$0x7FC]  }
0x1ea: {  	[sflag:s23] =	ssyncset.done $0x0  }
0x1eb: {  	[sflag:s23] =	ssyncadd.s32 $0xFFFFD800  }
0x1ec: {  	[tilespmem:s29], [sflag:$0x4] =	stream.indirect.gather [hbm4b:s2+s25], $0x80, s12, s25, $0xb8;
	v63 =	vld [tilespmem:$0x0]  }
0x1ed: {  	_ =	swait.ge [sflag:s30], $0x2800  }
0x1ee: {  	s12 =	sld [smem:$0x7FD]  }
0x1ef: {  	[sflag:s30] =	ssyncset.done $0x0  }
0x1f0: {  	[sflag:s30] =	ssyncadd.s32 $0xFFFFD800  }
0x1f1: {  	[spmem:s3] =	stream.indirect.scatter.add.f32 [tilespmem:s22], [sflag:$0x5], $0x80, s12, s25, $0xb8;
	v63 =	vld [tilespmem:$0x0]  }
0x1f2: {  	_ =	swait.ge [sflag:s23], $0x2800  }
0x1f3: {  	[sflag:s23] =	ssyncset.done $0x0  }
0x1f4: {  	[sflag:s23] =	ssyncadd.s32 $0xFFFFD800  }
0x1f5: {  	[tilespmem:s22], [sflag:$0x1] =	stream.indirect.gather [hbm4b:s2+s25], $0x80, s13, s25, $0xb8;
	v63 =	vld [tilespmem:$0x0]  }
0x1f6: {  	_ =	swait.ge [sflag:s31], $0x2800  }
0x1f7: {  	[sflag:s31] =	ssyncset.done $0x0  }
0x1f8: {  	[sflag:s31] =	ssyncadd.s32 $0xFFFFD800  }
0x1f9: {  	[spmem:s3] =	stream.indirect.scatter.add.f32 [tilespmem:s26], [sflag:$0x5], $0x80, s14, s25, $0xb8;
	v63 =	vld [tilespmem:$0x0]  }
0x1fa: {  	_ =	swait.ge [sflag:s23], $0x2800  }
0x1fb: {  	[sflag:s23] =	ssyncset.done $0x0  }
0x1fc: {  	[sflag:s23] =	ssyncadd.s32 $0xFFFFD800  }
0x1fd: {  	[tilespmem:s26], [sflag:$0x2] =	stream.indirect.gather [hbm4b:s2+s25], $0x80, s15, s25, $0xb8;
	v63 =	vld [tilespmem:$0x0]  }
0x1fe: {  	_ =	swait.ge [sflag:s0], $0x2800  }
0x1ff: {  	[sflag:s0] =	ssyncset.done $0x0  }
0x200: {  	[sflag:s0] =	ssyncadd.s32 $0xFFFFD800  }
0x201: {  	[spmem:s3] =	stream.indirect.scatter.add.f32 [tilespmem:s28], [sflag:$0x5], $0x80, s16, s25, $0xb8;
	v63 =	vld [tilespmem:$0x0]  }
0x202: {  	_ =	swait.ge [sflag:s23], $0x2800  }
0x203: {  	[sflag:s23] =	ssyncset.done $0x0  }
0x204: {  	[sflag:s23] =	ssyncadd.s32 $0xFFFFD800  }
0x205: {  	[tilespmem:s28], [sflag:$0x3] =	stream.indirect.gather [hbm4b:s2+s25], $0x80, s17, s25, $0xb8;
	v63 =	vld [tilespmem:$0x0]  }
0x206: {  	_ =	swait.ge [sflag:s1], $0x2800  }
0x207: {  	[sflag:s1] =	ssyncset.done $0x0  }
0x208: {  	[sflag:s1] =	ssyncadd.s32 $0xFFFFD800  }
0x209: {  	[spmem:s3] =	stream.indirect.scatter.add.f32 [tilespmem:s29], [sflag:$0x5], $0x80, s18, s25, $0xb8;
	v63 =	vld [tilespmem:$0x0]  }
0x20a: {  	_ =	swait.ge [sflag:s23], $0x2800  }
0x20b: {  	[sflag:s23] =	ssyncset.done $0x0  }
0x20c: {  	[sflag:s23] =	ssyncadd.s32 $0xFFFFD800  }
0x20d: {  	[tilespmem:s29], [sflag:$0x4] =	stream.indirect.gather [hbm4b:s2+s25], $0x80, s19, s25, $0xb8;
	v63 =	vld [tilespmem:$0x0]  }
0x20e: {  	_ =	swait.ge [sflag:s30], $0x2800  }
0x20f: {  	[sflag:s30] =	ssyncset.done $0x0  }
0x210: {  	[sflag:s30] =	ssyncadd.s32 $0xFFFFD800  }
0x211: {  	[spmem:s3] =	stream.indirect.scatter.add.f32 [tilespmem:s22], [sflag:$0x5], $0x80, s20, s25, $0xb8;
	v63 =	vld [tilespmem:$0x0]  }
0x212: {  	_ =	swait.ge [sflag:s23], $0x2800  }
0x213: {  	[sflag:s23] =	ssyncset.done $0x0  }
0x214: {  	[sflag:s23] =	ssyncadd.s32 $0xFFFFD800  }
0x215: {  	[tilespmem:s22], [sflag:$0x1] =	stream.indirect.gather [hbm4b:s2+s25], $0x80, s21, s25, $0xb8;
	v63 =	vld [tilespmem:$0x0]  }
0x216: {  	_ =	swait.ge [sflag:s31], $0x2800  }
0x217: {  	[sflag:s31] =	ssyncset.done $0x0  }
0x218: {  	[sflag:s31] =	ssyncadd.s32 $0xFFFFD800  }
0x219: {  	[spmem:s3] =	stream.indirect.scatter.add.f32 [tilespmem:s26], [sflag:$0x5], $0x80, s5, s25, $0xb8;
	v63 =	vld [tilespmem:$0x0]  }
0x21a: {  	_ =	swait.ge [sflag:s23], $0x2800  }
0x21b: {  	[sflag:s23] =	ssyncset.done $0x0  }
0x21c: {  	[sflag:s23] =	ssyncadd.s32 $0xFFFFD800  }
0x21d: {  	_ =	swait.ge [sflag:s0], $0x2800  }
0x21e: {  	[sflag:s0] =	ssyncset.done $0x0  }
0x21f: {  	[sflag:s0] =	ssyncadd.s32 $0xFFFFD800  }
0x220: {  	[spmem:s3] =	stream.indirect.scatter.add.f32 [tilespmem:s28], [sflag:$0x5], $0x80, s6, s25, $0xb8;
	v63 =	vld [tilespmem:$0x0]  }
0x221: {  	_ =	swait.ge [sflag:s23], $0x2800  }
0x222: {  	[sflag:s23] =	ssyncset.done $0x0  }
0x223: {  	[sflag:s23] =	ssyncadd.s32 $0xFFFFD800  }
0x224: {  	_ =	swait.ge [sflag:s1], $0x2800  }
0x225: {  	[sflag:s1] =	ssyncset.done $0x0  }
0x226: {  	[sflag:s1] =	ssyncadd.s32 $0xFFFFD800  }
0x227: {  	[spmem:s3] =	stream.indirect.scatter.add.f32 [tilespmem:s29], [sflag:$0x5], $0x80, s7, s25, $0xb8;
	v63 =	vld [tilespmem:$0x0]  }
0x228: {  	_ =	swait.ge [sflag:s23], $0x2800  }
0x229: {  	[sflag:s23] =	ssyncset.done $0x0  }
0x22a: {  	[sflag:s23] =	ssyncadd.s32 $0xFFFFD800  }
0x22b: {  	p0 =	sne.s32 s11, $0x800;
	_ =	swait.ge [sflag:s30], $0x2800  }
.Ltmp1:
0x22c: {  	[sflag:s30] =	ssyncset.done $0x0;
	(pc) =	sbr.rel @p0 .LBB2_4-.Ltmp1, $4  }
0x22d: {  	[sflag:s30] =	ssyncadd.s32 $0xFFFFD800  }
0x22e: {  	[spmem:s3] =	stream.indirect.scatter.add.f32 [tilespmem:s22], [sflag:$0x5], $0x80, s8, s25, $0xb8;
	v63 =	vld [tilespmem:$0x0]  }
0x22f: {  	_ =	swait.ge [sflag:s23], $0x2800  }
0x230: {  	s11 =	sadd.s32 $0x200, s11;
	s12 =	rddreg [dreg:$0x5];
	[sflag:s23] =	ssyncset.done $0x0  }
0x231: {  	[sflag:s23] =	ssyncadd.s32 $0xFFFFD800;
	s9 =	sadd.s32 s10, s12  }
0x232: {  	[tilespmem:s4], [sflag:$0x5] =	stream.linear.gather [hbm4b:s9+s4], $0xC80, $0x38;
	v63 =	vld [tilespmem:$0x0]  }
0x233: {  	_ =	swait.ge [sflag:s23], $0xC80  }
0x234: {  	s12 =	rddreg [dreg:$0x4];
	[sflag:s23] =	ssyncset.done $0x0  }
0x235: {  	[sflag:s23] =	ssyncadd.s32 $0xFFFFF380;
	s9 =	sadd.s32 s10, s12  }
0x236: {  	[tilespmem:s24], [sflag:$0x5] =	stream.linear.gather [hbm4b:s9+s4], $0xC80, $0x38;
	v63 =	vld [tilespmem:$0x0]  }
0x237: {  	_ =	swait.ge [sflag:s23], $0xC80  }
0x238: {  	[sflag:s23] =	ssyncset.done $0x0  }
0x239: {  	[sflag:s23] =	ssyncadd.s32 $0xFFFFF380  }
0x23a: {  	[tilespmem:s22], [sflag:$0x1] =	stream.indirect.gather [hbm4b:s2+s25], $0x80, s4, s25, $0xb8;
	v63 =	vld [tilespmem:$0x0]  }
0x23b: {  	s10 =	rddreg [dreg:$0x6]  }
0x23c: {  	[tilespmem:s26], [sflag:$0x2] =	stream.indirect.gather [hbm4b:s2+s25], $0x80, s10, s25, $0xb8;
	v63 =	vld [tilespmem:$0x0]  }
0x23d: {  	s11 =	rddreg [dreg:$0x7]  }
0x23e: {  	[tilespmem:s28], [sflag:$0x3] =	stream.indirect.gather [hbm4b:s2+s25], $0x80, s11, s25, $0xb8;
	v63 =	vld [tilespmem:$0x0]  }
0x23f: {  	s12 =	rddreg [dreg:$0x8]  }
0x240: {  	[tilespmem:s29], [sflag:$0x4] =	stream.indirect.gather [hbm4b:s2+s25], $0x80, s12, s25, $0xb8;
	v63 =	vld [tilespmem:$0x0]  }
0x241: {  	_ =	swait.ge [sflag:s30], $0x2800  }
0x242: {  	[sflag:s30] =	ssyncset.done $0x0  }
0x243: {  	[sflag:s30] =	ssyncadd.s32 $0xFFFFD800  }
0x244: {  	[spmem:s3] =	stream.indirect.scatter.add.f32 [tilespmem:s22], [sflag:$0x5], $0x80, s24, s25, $0xb8;
	v63 =	vld [tilespmem:$0x0]  }
0x245: {  	_ =	swait.ge [sflag:s23], $0x2800  }
0x246: {  	[sflag:s23] =	ssyncset.done $0x0  }
0x247: {  	s11 =	rddreg [dreg:$0x9];
	[sflag:s23] =	ssyncadd.s32 $0xFFFFD800  }
0x248: {  	[tilespmem:s22], [sflag:$0x1] =	stream.indirect.gather [hbm4b:s2+s25], $0x80, s11, s25, $0xb8;
	v63 =	vld [tilespmem:$0x0]  }
0x249: {  	_ =	swait.ge [sflag:s31], $0x2800  }
0x24a: {  	[sflag:s31] =	ssyncset.done $0x0  }
0x24b: {  	s12 =	rddreg [dreg:$0xa];
	[sflag:s31] =	ssyncadd.s32 $0xFFFFD800  }
0x24c: {  	[spmem:s3] =	stream.indirect.scatter.add.f32 [tilespmem:s26], [sflag:$0x5], $0x80, s12, s25, $0xb8;
	v63 =	vld [tilespmem:$0x0]  }
0x24d: {  	_ =	swait.ge [sflag:s23], $0x2800  }
0x24e: {  	[sflag:s23] =	ssyncset.done $0x0  }
0x24f: {  	s10 =	rddreg [dreg:$0xb];
	[sflag:s23] =	ssyncadd.s32 $0xFFFFD800  }
0x250: {  	[tilespmem:s26], [sflag:$0x2] =	stream.indirect.gather [hbm4b:s2+s25], $0x80, s10, s25, $0xb8;
	v63 =	vld [tilespmem:$0x0]  }
0x251: {  	_ =	swait.ge [sflag:s0], $0x2800  }
0x252: {  	[sflag:s0] =	ssyncset.done $0x0  }
0x253: {  	s11 =	rddreg [dreg:$0xc];
	[sflag:s0] =	ssyncadd.s32 $0xFFFFD800  }
0x254: {  	[spmem:s3] =	stream.indirect.scatter.add.f32 [tilespmem:s28], [sflag:$0x5], $0x80, s11, s25, $0xb8;
	v63 =	vld [tilespmem:$0x0]  }
0x255: {  	_ =	swait.ge [sflag:s23], $0x2800  }
0x256: {  	[sflag:s23] =	ssyncset.done $0x0  }
0x257: {  	s12 =	rddreg [dreg:$0xd];
	[sflag:s23] =	ssyncadd.s32 $0xFFFFD800  }
0x258: {  	[tilespmem:s28], [sflag:$0x3] =	stream.indirect.gather [hbm4b:s2+s25], $0x80, s12, s25, $0xb8;
	v63 =	vld [tilespmem:$0x0]  }
0x259: {  	_ =	swait.ge [sflag:s1], $0x2800  }
0x25a: {  	[sflag:s1] =	ssyncset.done $0x0  }
0x25b: {  	s10 =	rddreg [dreg:$0xe];
	[sflag:s1] =	ssyncadd.s32 $0xFFFFD800  }
0x25c: {  	[spmem:s3] =	stream.indirect.scatter.add.f32 [tilespmem:s29], [sflag:$0x5], $0x80, s10, s25, $0xb8;
	v63 =	vld [tilespmem:$0x0]  }
0x25d: {  	_ =	swait.ge [sflag:s23], $0x2800  }
0x25e: {  	[sflag:s23] =	ssyncset.done $0x0  }
0x25f: {  	s11 =	rddreg [dreg:$0xf];
	[sflag:s23] =	ssyncadd.s32 $0xFFFFD800  }
0x260: {  	[tilespmem:s29], [sflag:$0x4] =	stream.indirect.gather [hbm4b:s2+s25], $0x80, s11, s25, $0xb8;
	v63 =	vld [tilespmem:$0x0]  }
0x261: {  	_ =	swait.ge [sflag:s30], $0x2800  }
0x262: {  	[sflag:s30] =	ssyncset.done $0x0  }
0x263: {  	s12 =	rddreg [dreg:$0x10];
	[sflag:s30] =	ssyncadd.s32 $0xFFFFD800  }
0x264: {  	[spmem:s3] =	stream.indirect.scatter.add.f32 [tilespmem:s22], [sflag:$0x5], $0x80, s12, s25, $0xb8;
	v63 =	vld [tilespmem:$0x0]  }
0x265: {  	_ =	swait.ge [sflag:s23], $0x2800  }
0x266: {  	[sflag:s23] =	ssyncset.done $0x0  }
0x267: {  	s10 =	rddreg [dreg:$0x11];
	[sflag:s23] =	ssyncadd.s32 $0xFFFFD800  }
0x268: {  	[tilespmem:s22], [sflag:$0x1] =	stream.indirect.gather [hbm4b:s2+s25], $0x80, s10, s25, $0xb8;
	v63 =	vld [tilespmem:$0x0]  }
0x269: {  	_ =	swait.ge [sflag:s31], $0x2800  }
0x26a: {  	[sflag:s31] =	ssyncset.done $0x0  }
0x26b: {  	s11 =	rddreg [dreg:$0x12];
	[sflag:s31] =	ssyncadd.s32 $0xFFFFD800  }
0x26c: {  	[spmem:s3] =	stream.indirect.scatter.add.f32 [tilespmem:s26], [sflag:$0x5], $0x80, s11, s25, $0xb8;
	v63 =	vld [tilespmem:$0x0]  }
0x26d: {  	_ =	swait.ge [sflag:s23], $0x2800  }
0x26e: {  	[sflag:s23] =	ssyncset.done $0x0  }
0x26f: {  	s12 =	rddreg [dreg:$0x13];
	[sflag:s23] =	ssyncadd.s32 $0xFFFFD800  }
0x270: {  	[tilespmem:s26], [sflag:$0x2] =	stream.indirect.gather [hbm4b:s2+s25], $0x80, s12, s25, $0xb8;
	v63 =	vld [tilespmem:$0x0]  }
0x271: {  	_ =	swait.ge [sflag:s0], $0x2800  }
0x272: {  	[sflag:s0] =	ssyncset.done $0x0  }
0x273: {  	s10 =	rddreg [dreg:$0x14];
	[sflag:s0] =	ssyncadd.s32 $0xFFFFD800  }
0x274: {  	[spmem:s3] =	stream.indirect.scatter.add.f32 [tilespmem:s28], [sflag:$0x5], $0x80, s10, s25, $0xb8;
	v63 =	vld [tilespmem:$0x0]  }
0x275: {  	_ =	swait.ge [sflag:s23], $0x2800  }
0x276: {  	[sflag:s23] =	ssyncset.done $0x0  }
0x277: {  	s11 =	rddreg [dreg:$0x15];
	[sflag:s23] =	ssyncadd.s32 $0xFFFFD800  }
0x278: {  	[tilespmem:s28], [sflag:$0x3] =	stream.indirect.gather [hbm4b:s2+s25], $0x80, s11, s25, $0xb8;
	v63 =	vld [tilespmem:$0x0]  }
0x279: {  	_ =	swait.ge [sflag:s1], $0x2800  }
0x27a: {  	[sflag:s1] =	ssyncset.done $0x0  }
0x27b: {  	s12 =	rddreg [dreg:$0x16];
	[sflag:s1] =	ssyncadd.s32 $0xFFFFD800  }
0x27c: {  	[spmem:s3] =	stream.indirect.scatter.add.f32 [tilespmem:s29], [sflag:$0x5], $0x80, s12, s25, $0xb8;
	v63 =	vld [tilespmem:$0x0]  }
0x27d: {  	_ =	swait.ge [sflag:s23], $0x2800  }
0x27e: {  	[sflag:s23] =	ssyncset.done $0x0  }
0x27f: {  	s10 =	rddreg [dreg:$0x17];
	[sflag:s23] =	ssyncadd.s32 $0xFFFFD800  }
0x280: {  	[tilespmem:s29], [sflag:$0x4] =	stream.indirect.gather [hbm4b:s2+s25], $0x80, s10, s25, $0xb8;
	v63 =	vld [tilespmem:$0x0]  }
0x281: {  	_ =	swait.ge [sflag:s30], $0x2800  }
0x282: {  	[sflag:s30] =	ssyncset.done $0x0  }
0x283: {  	s11 =	rddreg [dreg:$0x18];
	[sflag:s30] =	ssyncadd.s32 $0xFFFFD800  }
0x284: {  	[spmem:s3] =	stream.indirect.scatter.add.f32 [tilespmem:s22], [sflag:$0x5], $0x80, s11, s25, $0xb8;
	v63 =	vld [tilespmem:$0x0]  }
0x285: {  	_ =	swait.ge [sflag:s23], $0x2800  }
0x286: {  	[sflag:s23] =	ssyncset.done $0x0  }
0x287: {  	s12 =	rddreg [dreg:$0x19];
	[sflag:s23] =	ssyncadd.s32 $0xFFFFD800  }
0x288: {  	[tilespmem:s22], [sflag:$0x1] =	stream.indirect.gather [hbm4b:s2+s25], $0x80, s12, s25, $0xb8;
	v63 =	vld [tilespmem:$0x0]  }
0x289: {  	_ =	swait.ge [sflag:s31], $0x2800  }
0x28a: {  	[sflag:s31] =	ssyncset.done $0x0  }
0x28b: {  	s10 =	rddreg [dreg:$0x1a];
	[sflag:s31] =	ssyncadd.s32 $0xFFFFD800  }
0x28c: {  	[spmem:s3] =	stream.indirect.scatter.add.f32 [tilespmem:s26], [sflag:$0x5], $0x80, s10, s25, $0xb8;
	v63 =	vld [tilespmem:$0x0]  }
0x28d: {  	_ =	swait.ge [sflag:s23], $0x2800  }
0x28e: {  	[sflag:s23] =	ssyncset.done $0x0  }
0x28f: {  	s11 =	rddreg [dreg:$0x1b];
	[sflag:s23] =	ssyncadd.s32 $0xFFFFD800  }
0x290: {  	[tilespmem:s26], [sflag:$0x2] =	stream.indirect.gather [hbm4b:s2+s25], $0x80, s11, s25, $0xb8;
	v63 =	vld [tilespmem:$0x0]  }
0x291: {  	_ =	swait.ge [sflag:s0], $0x2800  }
0x292: {  	[sflag:s0] =	ssyncset.done $0x0  }
0x293: {  	s12 =	rddreg [dreg:$0x1c];
	[sflag:s0] =	ssyncadd.s32 $0xFFFFD800  }
0x294: {  	[spmem:s3] =	stream.indirect.scatter.add.f32 [tilespmem:s28], [sflag:$0x5], $0x80, s12, s25, $0xb8;
	v63 =	vld [tilespmem:$0x0]  }
0x295: {  	_ =	swait.ge [sflag:s23], $0x2800  }
0x296: {  	[sflag:s23] =	ssyncset.done $0x0  }
0x297: {  	s10 =	rddreg [dreg:$0x1d];
	[sflag:s23] =	ssyncadd.s32 $0xFFFFD800  }
0x298: {  	[tilespmem:s28], [sflag:$0x3] =	stream.indirect.gather [hbm4b:s2+s25], $0x80, s10, s25, $0xb8;
	v63 =	vld [tilespmem:$0x0]  }
0x299: {  	_ =	swait.ge [sflag:s1], $0x2800  }
0x29a: {  	[sflag:s1] =	ssyncset.done $0x0  }
0x29b: {  	s11 =	rddreg [dreg:$0x1e];
	[sflag:s1] =	ssyncadd.s32 $0xFFFFD800  }
0x29c: {  	[spmem:s3] =	stream.indirect.scatter.add.f32 [tilespmem:s29], [sflag:$0x5], $0x80, s11, s25, $0xb8;
	v63 =	vld [tilespmem:$0x0]  }
0x29d: {  	_ =	swait.ge [sflag:s23], $0x2800  }
0x29e: {  	[sflag:s23] =	ssyncset.done $0x0  }
0x29f: {  	s12 =	rddreg [dreg:$0x1f];
	[sflag:s23] =	ssyncadd.s32 $0xFFFFD800  }
0x2a0: {  	[tilespmem:s29], [sflag:$0x4] =	stream.indirect.gather [hbm4b:s2+s25], $0x80, s12, s25, $0xb8;
	v63 =	vld [tilespmem:$0x0]  }
0x2a1: {  	_ =	swait.ge [sflag:s30], $0x2800  }
0x2a2: {  	s10 =	sld [smem:$0x7F2]  }
0x2a3: {  	[sflag:s30] =	ssyncset.done $0x0  }
0x2a4: {  	[sflag:s30] =	ssyncadd.s32 $0xFFFFD800  }
0x2a5: {  	[spmem:s3] =	stream.indirect.scatter.add.f32 [tilespmem:s22], [sflag:$0x5], $0x80, s10, s25, $0xb8;
	v63 =	vld [tilespmem:$0x0]  }
0x2a6: {  	_ =	swait.ge [sflag:s23], $0x2800  }
0x2a7: {  	s11 =	sld [smem:$0x7F4]  }
0x2a8: {  	[sflag:s23] =	ssyncset.done $0x0  }
0x2a9: {  	[sflag:s23] =	ssyncadd.s32 $0xFFFFD800  }
0x2aa: {  	[tilespmem:s22], [sflag:$0x1] =	stream.indirect.gather [hbm4b:s2+s25], $0x80, s11, s25, $0xb8;
	v63 =	vld [tilespmem:$0x0]  }
0x2ab: {  	_ =	swait.ge [sflag:s31], $0x2800  }
0x2ac: {  	s12 =	sld [smem:$0x7F5]  }
0x2ad: {  	[sflag:s31] =	ssyncset.done $0x0  }
0x2ae: {  	[sflag:s31] =	ssyncadd.s32 $0xFFFFD800  }
0x2af: {  	[spmem:s3] =	stream.indirect.scatter.add.f32 [tilespmem:s26], [sflag:$0x5], $0x80, s12, s25, $0xb8;
	v63 =	vld [tilespmem:$0x0]  }
0x2b0: {  	_ =	swait.ge [sflag:s23], $0x2800  }
0x2b1: {  	s10 =	sld [smem:$0x7F6]  }
0x2b2: {  	[sflag:s23] =	ssyncset.done $0x0  }
0x2b3: {  	[sflag:s23] =	ssyncadd.s32 $0xFFFFD800  }
0x2b4: {  	[tilespmem:s26], [sflag:$0x2] =	stream.indirect.gather [hbm4b:s2+s25], $0x80, s10, s25, $0xb8;
	v63 =	vld [tilespmem:$0x0]  }
0x2b5: {  	_ =	swait.ge [sflag:s0], $0x2800  }
0x2b6: {  	s11 =	sld [smem:$0x7F8]  }
0x2b7: {  	[sflag:s0] =	ssyncset.done $0x0  }
0x2b8: {  	[sflag:s0] =	ssyncadd.s32 $0xFFFFD800  }
0x2b9: {  	[spmem:s3] =	stream.indirect.scatter.add.f32 [tilespmem:s28], [sflag:$0x5], $0x80, s11, s25, $0xb8;
	v63 =	vld [tilespmem:$0x0]  }
0x2ba: {  	_ =	swait.ge [sflag:s23], $0x2800  }
0x2bb: {  	s12 =	sld [smem:$0x7FA]  }
0x2bc: {  	[sflag:s23] =	ssyncset.done $0x0  }
0x2bd: {  	[sflag:s23] =	ssyncadd.s32 $0xFFFFD800  }
0x2be: {  	[tilespmem:s28], [sflag:$0x3] =	stream.indirect.gather [hbm4b:s2+s25], $0x80, s12, s25, $0xb8;
	v63 =	vld [tilespmem:$0x0]  }
0x2bf: {  	_ =	swait.ge [sflag:s1], $0x2800  }
0x2c0: {  	s10 =	sld [smem:$0x7FB]  }
0x2c1: {  	[sflag:s1] =	ssyncset.done $0x0  }
0x2c2: {  	[sflag:s1] =	ssyncadd.s32 $0xFFFFD800  }
0x2c3: {  	[spmem:s3] =	stream.indirect.scatter.add.f32 [tilespmem:s29], [sflag:$0x5], $0x80, s10, s25, $0xb8;
	v63 =	vld [tilespmem:$0x0]  }
0x2c4: {  	_ =	swait.ge [sflag:s23], $0x2800  }
0x2c5: {  	s11 =	sld [smem:$0x7FC]  }
0x2c6: {  	[sflag:s23] =	ssyncset.done $0x0  }
0x2c7: {  	[sflag:s23] =	ssyncadd.s32 $0xFFFFD800  }
0x2c8: {  	[tilespmem:s29], [sflag:$0x4] =	stream.indirect.gather [hbm4b:s2+s25], $0x80, s11, s25, $0xb8;
	v63 =	vld [tilespmem:$0x0]  }
0x2c9: {  	_ =	swait.ge [sflag:s30], $0x2800  }
0x2ca: {  	s12 =	sld [smem:$0x7FD]  }
0x2cb: {  	[sflag:s30] =	ssyncset.done $0x0  }
0x2cc: {  	[sflag:s30] =	ssyncadd.s32 $0xFFFFD800  }
0x2cd: {  	[spmem:s3] =	stream.indirect.scatter.add.f32 [tilespmem:s22], [sflag:$0x5], $0x80, s12, s25, $0xb8;
	v63 =	vld [tilespmem:$0x0]  }
0x2ce: {  	_ =	swait.ge [sflag:s23], $0x2800  }
0x2cf: {  	[sflag:s23] =	ssyncset.done $0x0  }
0x2d0: {  	[sflag:s23] =	ssyncadd.s32 $0xFFFFD800  }
0x2d1: {  	[tilespmem:s22], [sflag:$0x1] =	stream.indirect.gather [hbm4b:s2+s25], $0x80, s13, s25, $0xb8;
	v63 =	vld [tilespmem:$0x0]  }
0x2d2: {  	_ =	swait.ge [sflag:s31], $0x2800  }
0x2d3: {  	[sflag:s31] =	ssyncset.done $0x0  }
0x2d4: {  	[sflag:s31] =	ssyncadd.s32 $0xFFFFD800  }
0x2d5: {  	[spmem:s3] =	stream.indirect.scatter.add.f32 [tilespmem:s26], [sflag:$0x5], $0x80, s14, s25, $0xb8;
	v63 =	vld [tilespmem:$0x0]  }
0x2d6: {  	_ =	swait.ge [sflag:s23], $0x2800  }
0x2d7: {  	[sflag:s23] =	ssyncset.done $0x0  }
0x2d8: {  	[sflag:s23] =	ssyncadd.s32 $0xFFFFD800  }
0x2d9: {  	[tilespmem:s26], [sflag:$0x2] =	stream.indirect.gather [hbm4b:s2+s25], $0x80, s15, s25, $0xb8;
	v63 =	vld [tilespmem:$0x0]  }
0x2da: {  	_ =	swait.ge [sflag:s0], $0x2800  }
0x2db: {  	[sflag:s0] =	ssyncset.done $0x0  }
0x2dc: {  	[sflag:s0] =	ssyncadd.s32 $0xFFFFD800  }
0x2dd: {  	[spmem:s3] =	stream.indirect.scatter.add.f32 [tilespmem:s28], [sflag:$0x5], $0x80, s16, s25, $0xb8;
	v63 =	vld [tilespmem:$0x0]  }
0x2de: {  	_ =	swait.ge [sflag:s23], $0x2800  }
0x2df: {  	[sflag:s23] =	ssyncset.done $0x0  }
0x2e0: {  	[sflag:s23] =	ssyncadd.s32 $0xFFFFD800  }
0x2e1: {  	[tilespmem:s28], [sflag:$0x3] =	stream.indirect.gather [hbm4b:s2+s25], $0x80, s17, s25, $0xb8;
	v63 =	vld [tilespmem:$0x0]  }
0x2e2: {  	_ =	swait.ge [sflag:s1], $0x2800  }
0x2e3: {  	[sflag:s1] =	ssyncset.done $0x0  }
0x2e4: {  	[sflag:s1] =	ssyncadd.s32 $0xFFFFD800  }
0x2e5: {  	[spmem:s3] =	stream.indirect.scatter.add.f32 [tilespmem:s29], [sflag:$0x5], $0x80, s18, s25, $0xb8;
	v63 =	vld [tilespmem:$0x0]  }
0x2e6: {  	_ =	swait.ge [sflag:s23], $0x2800  }
0x2e7: {  	[sflag:s23] =	ssyncset.done $0x0  }
0x2e8: {  	[sflag:s23] =	ssyncadd.s32 $0xFFFFD800  }
0x2e9: {  	[tilespmem:s29], [sflag:$0x4] =	stream.indirect.gather [hbm4b:s2+s25], $0x80, s19, s25, $0xb8;
	v63 =	vld [tilespmem:$0x0]  }
0x2ea: {  	_ =	swait.ge [sflag:s30], $0x2800  }
0x2eb: {  	[sflag:s30] =	ssyncset.done $0x0  }
0x2ec: {  	[sflag:s30] =	ssyncadd.s32 $0xFFFFD800  }
0x2ed: {  	[spmem:s3] =	stream.indirect.scatter.add.f32 [tilespmem:s22], [sflag:$0x5], $0x80, s20, s25, $0xb8;
	v63 =	vld [tilespmem:$0x0]  }
0x2ee: {  	_ =	swait.ge [sflag:s23], $0x2800  }
0x2ef: {  	[sflag:s23] =	ssyncset.done $0x0  }
0x2f0: {  	[sflag:s23] =	ssyncadd.s32 $0xFFFFD800  }
0x2f1: {  	[tilespmem:s22], [sflag:$0x1] =	stream.indirect.gather [hbm4b:s2+s25], $0x80, s21, s25, $0xb8;
	v63 =	vld [tilespmem:$0x0]  }
0x2f2: {  	_ =	swait.ge [sflag:s31], $0x2800  }
0x2f3: {  	[sflag:s31] =	ssyncset.done $0x0  }
0x2f4: {  	[sflag:s31] =	ssyncadd.s32 $0xFFFFD800  }
0x2f5: {  	[spmem:s3] =	stream.indirect.scatter.add.f32 [tilespmem:s26], [sflag:$0x5], $0x80, s5, s25, $0xb8;
	v63 =	vld [tilespmem:$0x0]  }
0x2f6: {  	_ =	swait.ge [sflag:s23], $0x2800  }
0x2f7: {  	[sflag:s23] =	ssyncset.done $0x0  }
0x2f8: {  	[sflag:s23] =	ssyncadd.s32 $0xFFFFD800  }
0x2f9: {  	_ =	swait.ge [sflag:s0], $0x2800  }
0x2fa: {  	[sflag:s0] =	ssyncset.done $0x0  }
0x2fb: {  	[sflag:s0] =	ssyncadd.s32 $0xFFFFD800  }
0x2fc: {  	[spmem:s3] =	stream.indirect.scatter.add.f32 [tilespmem:s28], [sflag:$0x5], $0x80, s6, s25, $0xb8;
	v63 =	vld [tilespmem:$0x0]  }
0x2fd: {  	_ =	swait.ge [sflag:s23], $0x2800  }
0x2fe: {  	[sflag:s23] =	ssyncset.done $0x0  }
0x2ff: {  	[sflag:s23] =	ssyncadd.s32 $0xFFFFD800  }
0x300: {  	_ =	swait.ge [sflag:s1], $0x2800  }
0x301: {  	[sflag:s1] =	ssyncset.done $0x0  }
0x302: {  	[sflag:s1] =	ssyncadd.s32 $0xFFFFD800  }
0x303: {  	[spmem:s3] =	stream.indirect.scatter.add.f32 [tilespmem:s29], [sflag:$0x5], $0x80, s7, s25, $0xb8;
	v63 =	vld [tilespmem:$0x0]  }
0x304: {  	_ =	swait.ge [sflag:s23], $0x2800  }
0x305: {  	[sflag:s23] =	ssyncset.done $0x0  }
0x306: {  	[sflag:s23] =	ssyncadd.s32 $0xFFFFD800  }
0x307: {  	_ =	swait.ge [sflag:s30], $0x2800  }
0x308: {  	[sflag:s30] =	ssyncset.done $0x0  }
0x309: {  	[sflag:s30] =	ssyncadd.s32 $0xFFFFD800  }
0x30a: {  	[spmem:s3] =	stream.indirect.scatter.add.f32 [tilespmem:s22], [sflag:$0x5], $0x80, s8, s25, $0xb8;
	v63 =	vld [tilespmem:$0x0]  }
0x30b: {  	_ =	swait.ge [sflag:s23], $0x2800  }
0x30c: {  	[sflag:s23] =	ssyncset.done $0x0  }
0x30d: {  	[sflag:s23] =	ssyncadd.s32 $0xFFFFD800  }
0x30e: {  	[bflag:$0x0] =	sbarrier.arrive $0xFFFF  }
0x30f: {  	s10 =	sld [smem:$0x7E4];
	_ =	sdelay $0x2  }
0x310: {  	[tilespmem:s22], [sflag:$0x5] =	stream.linear.gather [spmem:s10], $0x2800, $0x38;
	v63 =	vld [tilespmem:$0x0]  }
0x311: {  	_ =	swait.ge [sflag:s23], $0x2800  }
0x312: {  	s11 =	sld [smem:$0x7EC]  }
0x313: {  	[sflag:s23] =	ssyncset.done $0x0  }
0x314: {  	[sflag:s23] =	ssyncadd.s32 $0xFFFFD800  }
0x315: {  	[hbm4b:s11+s4] =	stream.linear.scatter [tilespmem:s22], [sflag:$0x5], $0x2800, $0x38;
	v63 =	vld [tilespmem:$0x0]  }
0x316: {  	_ =	swait.ge [sflag:s23], $0x2800  }
0x317: {  	s12 =	sld [smem:$0x7E5]  }
0x318: {  	[sflag:s23] =	ssyncset.done $0x0  }
0x319: {  	[sflag:s23] =	ssyncadd.s32 $0xFFFFD800  }
0x31a: {  	[tilespmem:s22], [sflag:$0x5] =	stream.linear.gather [spmem:s12], $0x2800, $0x38;
	v63 =	vld [tilespmem:$0x0]  }
0x31b: {  	_ =	swait.ge [sflag:s23], $0x2800  }
0x31c: {  	s10 =	sld [smem:$0x7ED]  }
0x31d: {  	[sflag:s23] =	ssyncset.done $0x0  }
0x31e: {  	[sflag:s23] =	ssyncadd.s32 $0xFFFFD800  }
0x31f: {  	[hbm4b:s10+s4] =	stream.linear.scatter [tilespmem:s22], [sflag:$0x5], $0x2800, $0x38;
	v63 =	vld [tilespmem:$0x0]  }
0x320: {  	_ =	swait.ge [sflag:s23], $0x2800  }
0x321: {  	s11 =	sld [smem:$0x7E6]  }
0x322: {  	[sflag:s23] =	ssyncset.done $0x0  }
0x323: {  	[sflag:s23] =	ssyncadd.s32 $0xFFFFD800  }
0x324: {  	[tilespmem:s22], [sflag:$0x5] =	stream.linear.gather [spmem:s11], $0x2800, $0x38;
	v63 =	vld [tilespmem:$0x0]  }
0x325: {  	_ =	swait.ge [sflag:s23], $0x2800  }
0x326: {  	s12 =	sld [smem:$0x7EE]  }
0x327: {  	[sflag:s23] =	ssyncset.done $0x0  }
0x328: {  	[sflag:s23] =	ssyncadd.s32 $0xFFFFD800  }
0x329: {  	[hbm4b:s12+s4] =	stream.linear.scatter [tilespmem:s22], [sflag:$0x5], $0x2800, $0x38;
	v63 =	vld [tilespmem:$0x0]  }
0x32a: {  	_ =	swait.ge [sflag:s23], $0x2800  }
0x32b: {  	s10 =	sld [smem:$0x7E7]  }
0x32c: {  	[sflag:s23] =	ssyncset.done $0x0  }
0x32d: {  	[sflag:s23] =	ssyncadd.s32 $0xFFFFD800  }
0x32e: {  	[tilespmem:s22], [sflag:$0x5] =	stream.linear.gather [spmem:s10], $0x2800, $0x38;
	v63 =	vld [tilespmem:$0x0]  }
0x32f: {  	_ =	swait.ge [sflag:s23], $0x2800  }
0x330: {  	s11 =	sld [smem:$0x7EF]  }
0x331: {  	[sflag:s23] =	ssyncset.done $0x0  }
0x332: {  	[sflag:s23] =	ssyncadd.s32 $0xFFFFD800  }
0x333: {  	[hbm4b:s11+s4] =	stream.linear.scatter [tilespmem:s22], [sflag:$0x5], $0x2800, $0x38;
	v63 =	vld [tilespmem:$0x0]  }
0x334: {  	_ =	swait.ge [sflag:s23], $0x2800  }
0x335: {  	s12 =	sld [smem:$0x7E8]  }
0x336: {  	[sflag:s23] =	ssyncset.done $0x0  }
0x337: {  	[sflag:s23] =	ssyncadd.s32 $0xFFFFD800  }
0x338: {  	[tilespmem:s22], [sflag:$0x5] =	stream.linear.gather [spmem:s12], $0x2800, $0x38;
	v63 =	vld [tilespmem:$0x0]  }
0x339: {  	_ =	swait.ge [sflag:s23], $0x2800  }
0x33a: {  	s10 =	sld [smem:$0x7F0]  }
0x33b: {  	[sflag:s23] =	ssyncset.done $0x0  }
0x33c: {  	[sflag:s23] =	ssyncadd.s32 $0xFFFFD800  }
0x33d: {  	[hbm4b:s10+s4] =	stream.linear.scatter [tilespmem:s22], [sflag:$0x5], $0x2800, $0x38;
	v63 =	vld [tilespmem:$0x0]  }
0x33e: {  	_ =	swait.ge [sflag:s23], $0x2800  }
0x33f: {  	s11 =	sld [smem:$0x7E9]  }
0x340: {  	[sflag:s23] =	ssyncset.done $0x0  }
0x341: {  	[sflag:s23] =	ssyncadd.s32 $0xFFFFD800  }
0x342: {  	[tilespmem:s22], [sflag:$0x5] =	stream.linear.gather [spmem:s11], $0x2800, $0x38;
	v63 =	vld [tilespmem:$0x0]  }
0x343: {  	_ =	swait.ge [sflag:s23], $0x2800  }
0x344: {  	s12 =	sld [smem:$0x7F1]  }
0x345: {  	[sflag:s23] =	ssyncset.done $0x0  }
0x346: {  	[sflag:s23] =	ssyncadd.s32 $0xFFFFD800  }
0x347: {  	[hbm4b:s12+s4] =	stream.linear.scatter [tilespmem:s22], [sflag:$0x5], $0x2800, $0x38;
	v63 =	vld [tilespmem:$0x0]  }
0x348: {  	_ =	swait.ge [sflag:s23], $0x2800  }
0x349: {  	s10 =	sld [smem:$0x7EA]  }
0x34a: {  	[sflag:s23] =	ssyncset.done $0x0  }
0x34b: {  	[sflag:s23] =	ssyncadd.s32 $0xFFFFD800  }
0x34c: {  	[tilespmem:s22], [sflag:$0x5] =	stream.linear.gather [spmem:s10], $0x2800, $0x38;
	v63 =	vld [tilespmem:$0x0]  }
0x34d: {  	_ =	swait.ge [sflag:s23], $0x2800  }
0x34e: {  	s11 =	sld [smem:$0x7F3]  }
0x34f: {  	[sflag:s23] =	ssyncset.done $0x0  }
0x350: {  	[sflag:s23] =	ssyncadd.s32 $0xFFFFD800  }
0x351: {  	[hbm4b:s11+s4] =	stream.linear.scatter [tilespmem:s22], [sflag:$0x5], $0x2800, $0x38;
	v63 =	vld [tilespmem:$0x0]  }
0x352: {  	_ =	swait.ge [sflag:s23], $0x2800  }
0x353: {  	s12 =	sld [smem:$0x7EB]  }
0x354: {  	[sflag:s23] =	ssyncset.done $0x0  }
0x355: {  	[sflag:s23] =	ssyncadd.s32 $0xFFFFD800  }
0x356: {  	[tilespmem:s22], [sflag:$0x5] =	stream.linear.gather [spmem:s12], $0x2800, $0x38;
	v63 =	vld [tilespmem:$0x0]  }
0x357: {  	_ =	swait.ge [sflag:s23], $0x2800  }
0x358: {  	s10 =	sld [smem:$0x7F7]  }
0x359: {  	[sflag:s23] =	ssyncset.done $0x0  }
0x35a: {  	[sflag:s23] =	ssyncadd.s32 $0xFFFFD800  }
0x35b: {  	[hbm4b:s10+s4] =	stream.linear.scatter [tilespmem:s22], [sflag:$0x5], $0x2800, $0x38;
	v63 =	vld [tilespmem:$0x0]  }
0x35c: {  	_ =	swait.ge [sflag:s23], $0x2800  }
0x35d: {  	s11 =	sld [smem:$0x7E3]  }
0x35e: {  	s12 =	sld [smem:$0x7F9];
	_ =	sdelay $0x1  }
0x35f: {  	s10 =	sadd.s32 $0x1, s11  }
0x360: {  	p0 =	sne.s32 s10, s12  }
.Ltmp2:
0x361: {  	_ = 	snop;
	(pc) =	sbr.rel @p0 .LBB2_1-.Ltmp2, $3  }
0x362: {  	_ =	sdelay $0x1  }
0x363: {  	[sflag:s23] =	ssyncset.done $0x0  }
0x364: {  	[sflag:s23] =	ssyncadd.s32 $0xFFFFD800  }
0x365: {  	_ =	sfence.sel $0x180000  }
0x366: {  	[bflag:$0x0] =	sbarrier.arrive $0xFFFF  }
0x367: {  	_ =	strace $0x9000004A  }
0x368: {  	s0 =	stileid.u32;
	[bflag:$0x2] =	sbarrier.arrive $0xFFFF  }
0x369: {  	p0 =	sne.s32 s0, $0x0;
	s0 =	rddreg [dreg:$0x3]  }
0x36a: {  	s0 =	sadd.s32 @!p0 $0x100000, s0  }
0x36b: {  	[sflag:s0] =	ssyncadd.tile.s32 @!p0 $0x1;
	_ =	shalt  }
.Lfunc_end2:
_tile_overlayer_lowered:
.L_overlay_start_2:
0x36c: {  	(tag) =	ssettag $0x2  }
0x36d: {  	s0 =	rddreg [dreg:$0x0];
	s2 =	stileid.u32  }
0x36e: {  	s1 =	rddreg [dreg:$0x1];
	p0 =	sne.s32 s2, $0x0  }
0x36f: {  	s3 =	rddreg [dreg:$0x2];
	[bflag:$0x3] =	sbarrier.arrive $0xFFFF;
	s2 =	simm.s32 @!p0 $0x1C05  }
0x370: {  	[timem:s3], [sflag:s2] =	dma.local @!p0 [hbm:s0], s1  }
0x371: {  	s0 =	simm.s32 @!p0 $0x5  }
0x372: {  	_ =	swait.ge @!p0 [sflag:s0], s1  }
0x373: {  	s1 =	ssub.s32 @!p0 $0x0, s1;
	[sflag:s0] =	ssyncset.done @!p0 $0x0  }
0x374: {  	[sflag:s0] =	ssyncadd.s32 @!p0 s1  }
0x375: {  	[bflag:$0x3] =	sbarrier.arrive $0xFFFF  }
0x376: {  	_ =	shalt  }

</sc_bundles>
